<compile_context>
chip_gen: v7x
topology: tpu7x:2x2x1
jax: 0.10.2.dev20260603
libtpu: 0.0.44.dev20260713+nightly
codegen_flags: <defaults>
</compile_context>

<pallas_src>
import functools

import jax
import jax.numpy as jnp
from jax import lax
from jax.experimental import pallas as pl
from jax.experimental.pallas import tpu as pltpu
from jax.experimental.pallas import tpu_sc as plsc

N = 10000
E = 320000
D = 128

NC = 2
NS = 16
NW = NC * NS

K = 128
EPW = 10240
NCHUNK = EPW // K
KA = 128
NCHUNKA = EPW // KA
EPAD = NW * EPW
NPAD = 10240

ROWS_PER_SUB = NPAD // NS

_MESH = plsc.VectorSubcoreMesh(core_axis_name="c", subcore_axis_name="s")


def _zero_vmem_2d(ref, nrows):
    def body(i, _):
        r = i // (D // 16)
        c = (i % (D // 16)) * 16
        ref[r, pl.ds(c, 16)] = jnp.zeros((16,), jnp.float32)
        return 0
    lax.fori_loop(0, nrows * (D // 16), body, 0)


@functools.partial(
    pl.kernel,
    out_type=jax.ShapeDtypeStruct((NC, NPAD), jnp.float32),
    mesh=_MESH,
    scratch_types=[
        pltpu.VMEM((NCHUNK // 2, K), jnp.int32),
        pltpu.VMEM((K,), jnp.float32),
        pltpu.VMEM((K,), jnp.float32),
        pltpu.VMEM_SHARED((NPAD,), jnp.float32),
    ],
)
def _degree_kernel(dst_hbm, out_hbm, idx_d, ones_v, zbuf, deg_sh):
    cid = lax.axis_index("c")
    sid = lax.axis_index("s")
    wid = sid * NC + cid
    cpp = NCHUNK // 2

    def zb(i, _):
        zbuf[pl.ds(i * 16, 16)] = jnp.zeros((16,), jnp.float32)
        return 0
    lax.fori_loop(0, K // 16, zb, 0)

    def ob(i, _):
        ones_v[pl.ds(i * 16, 16)] = jnp.ones((16,), jnp.float32)
        return 0
    lax.fori_loop(0, K // 16, ob, 0)

    for t in range(ROWS_PER_SUB // K):
        pltpu.sync_copy(zbuf, deg_sh.at[pl.ds(sid * ROWS_PER_SUB + t * K, K)])
    plsc.subcore_barrier()

    for phase in range(2):
        pltpu.sync_copy(dst_hbm.at[wid, pl.ds(phase * cpp, cpp)], idx_d)

        def body(j, _):
            pltpu.sync_copy(ones_v, deg_sh.at[idx_d.at[j]], add=True)
            return 0
        lax.fori_loop(0, cpp, body, 0)

    plsc.subcore_barrier()
    pltpu.sync_copy(deg_sh.at[pl.ds(sid * ROWS_PER_SUB, ROWS_PER_SUB)],
                    out_hbm.at[cid, pl.ds(sid * ROWS_PER_SUB, ROWS_PER_SUB)])


@functools.partial(
    pl.kernel,
    out_type=jax.ShapeDtypeStruct((NC, NPAD, D), jnp.float32),
    mesh=_MESH,
    scratch_types=[
        pltpu.VMEM((NCHUNKA // 2, KA), jnp.int32),
        pltpu.VMEM((NCHUNKA // 2, KA), jnp.int32),
        pltpu.VMEM((KA, D), jnp.float32),
        pltpu.VMEM((KA, D), jnp.float32),
        pltpu.VMEM_SHARED((NPAD, D), jnp.float32),
        pltpu.SemaphoreType.DMA,
        pltpu.SemaphoreType.DMA,
    ],
)
def _aggregate_kernel(g_hbm, src_hbm, dst_hbm, out_hbm,
                      idx_s, idx_d, rows0, rows1, agg_sh, sem0, sem1):
    cid = lax.axis_index("c")
    sid = lax.axis_index("s")
    wid = sid * NC + cid
    cpp = NCHUNKA // 2

    _zero_vmem_2d(rows0, KA)
    for t in range(ROWS_PER_SUB // KA):
        pltpu.sync_copy(rows0, agg_sh.at[pl.ds(sid * ROWS_PER_SUB + t * KA, KA)])
    plsc.subcore_barrier()

    for phase in range(2):
        pltpu.sync_copy(src_hbm.at[wid, pl.ds(phase * cpp, cpp)], idx_s)
        pltpu.sync_copy(dst_hbm.at[wid, pl.ds(phase * cpp, cpp)], idx_d)
        pltpu.async_copy(g_hbm.at[idx_s.at[0]], rows0, sem0)
        pltpu.async_copy(g_hbm.at[idx_s.at[1]], rows1, sem1)

        def body(i, _):
            j0 = 2 * i
            pltpu.make_async_copy(g_hbm.at[pl.ds(0, KA)], rows0, sem0).wait()
            pltpu.sync_copy(rows0, agg_sh.at[idx_d.at[j0]], add=True)
            pltpu.async_copy(g_hbm.at[idx_s.at[j0 + 2]], rows0, sem0)
            pltpu.make_async_copy(g_hbm.at[pl.ds(0, KA)], rows1, sem1).wait()
            pltpu.sync_copy(rows1, agg_sh.at[idx_d.at[j0 + 1]], add=True)
            pltpu.async_copy(g_hbm.at[idx_s.at[j0 + 3]], rows1, sem1)
            return 0
        lax.fori_loop(0, cpp // 2 - 1, body, 0)

        pltpu.make_async_copy(g_hbm.at[pl.ds(0, KA)], rows0, sem0).wait()
        pltpu.sync_copy(rows0, agg_sh.at[idx_d.at[cpp - 2]], add=True)
        pltpu.make_async_copy(g_hbm.at[pl.ds(0, KA)], rows1, sem1).wait()
        pltpu.sync_copy(rows1, agg_sh.at[idx_d.at[cpp - 1]], add=True)

    plsc.subcore_barrier()
    pltpu.sync_copy(
        agg_sh.at[pl.ds(sid * ROWS_PER_SUB, ROWS_PER_SUB)],
        out_hbm.at[cid, pl.ds(sid * ROWS_PER_SUB, ROWS_PER_SUB)])



BR = 1000
GRID = N // BR


def _dis(c0, c1):
    return lax.rsqrt(1.0 + c0 + c1)


def _scale_matmul_body(x_ref, w_ref, c0_ref, c1_ref, out_ref):
    h = jnp.dot(x_ref[...], w_ref[...], preferred_element_type=jnp.float32)
    out_ref[...] = h * _dis(c0_ref[...], c1_ref[...])


def _mid_body(a_ref, g_ref, c0_ref, c1_ref, b_ref, w_ref, out_ref):
    dis = _dis(c0_ref[...], c1_ref[...])
    z = (a_ref[0] + a_ref[1] + g_ref[...]) * dis + b_ref[...]
    y = jnp.maximum(z, 0.0)
    out_ref[...] = jnp.dot(y, w_ref[...], preferred_element_type=jnp.float32) * dis


def _final_body(a_ref, g_ref, c0_ref, c1_ref, b_ref, out_ref):
    dis = _dis(c0_ref[...], c1_ref[...])
    z = (a_ref[0] + a_ref[1] + g_ref[...]) * dis + b_ref[...]
    m = jnp.max(z, axis=1, keepdims=True)
    s = z - m
    lse = jnp.log(jnp.sum(jnp.exp(s), axis=1, keepdims=True))
    out_ref[...] = s - lse


_row_spec = pl.BlockSpec((BR, D), lambda i: (i, 0))
_agg_spec = pl.BlockSpec((2, BR, D), lambda i: (0, i, 0))
_col_spec = pl.BlockSpec((BR, 1), lambda i: (i, 0))
_w_spec = pl.BlockSpec((D, D), lambda i: (0, 0))
_b_spec = pl.BlockSpec((1, D), lambda i: (0, 0))
_out_shape = jax.ShapeDtypeStruct((N, D), jnp.float32)


def kernel(x, edge_index, W1, b1, W2, b2):
    src = edge_index[0]
    dst = edge_index[1]
    npad_e = EPAD - E
    pidx = jnp.arange(npad_e, dtype=jnp.int32)
    src_p = jnp.concatenate([src, pidx]).reshape(NW, NCHUNKA, KA)
    dst_p = jnp.concatenate([dst, N + (pidx & 127)]).reshape(NW, NCHUNKA, KA)

    counts = _degree_kernel(dst_p)
    c0 = counts[0][:, None]
    c1 = counts[1][:, None]

    b1r = b1.reshape(1, D)
    b2r = b2.reshape(1, D)

    g1 = pl.pallas_call(
        _scale_matmul_body,
        grid=(GRID,),
        in_specs=[_row_spec, _w_spec, _col_spec, _col_spec],
        out_specs=_row_spec,
        out_shape=_out_shape,
    )(x, W1, c0, c1)

    agg1 = _aggregate_kernel(g1, src_p, dst_p)

    g2 = pl.pallas_call(
        _mid_body,
        grid=(GRID,),
        in_specs=[_agg_spec, _row_spec, _col_spec, _col_spec,
                  _b_spec, _w_spec],
        out_specs=_row_spec,
        out_shape=_out_shape,
    )(agg1, g1, c0, c1, b1r, W2)

    agg2 = _aggregate_kernel(g2, src_p, dst_p)

    out = pl.pallas_call(
        _final_body,
        grid=(GRID,),
        in_specs=[_agg_spec, _row_spec, _col_spec, _col_spec,
                  _b_spec],
        out_specs=_row_spec,
        out_shape=_out_shape,
    )(agg2, g2, c0, c1, b2r)

    return out

# --- scband reference (transcript-rebuilt; emitter-appended) ---
"""Pipeline reference for scband-generalized-gnn-36893769073229 (READ-ONLY COPY).

The authoritative reference and input builder live on the scoring server;
editing this copy changes nothing except your own understanding.
"""

import jax, jax.numpy as jnp
import numpy as np

N = 10000
E = 320000
D_IN = 128
D_H = 128
D_OUT = 128


def setup_inputs(seed: int = 0) -> dict:
    key = jax.random.key(seed)
    k1, k2, k3, k4 = jax.random.split(key, 4)
    x = jax.random.normal(k1, (N, D_IN), dtype=jnp.float32)
    edge_index = jax.random.randint(k2, (2, E), 0, N, dtype=jnp.int32)
    # GCNConv layer 0: Linear(D_IN, D_H, bias) -> weight [D_IN, D_H] (x @ W convention)
    W1 = jax.random.normal(k3, (D_IN, D_H), dtype=jnp.float32) * (1.0 / np.sqrt(D_IN))
    b1 = jnp.zeros((D_H,), dtype=jnp.float32)
    # GCNConv layer 1: Linear(D_H, D_OUT, bias)
    W2 = jax.random.normal(k4, (D_H, D_OUT), dtype=jnp.float32) * (1.0 / np.sqrt(D_H))
    b2 = jnp.zeros((D_OUT,), dtype=jnp.float32)
    return {"x": x, "edge_index": edge_index, "W1": W1, "b1": b1, "W2": W2, "b2": b2}


def gcn_conv(x, edge_index, W, b):
    # PyG GCNConv: add self-loops, symmetric normalization D^-1/2 A D^-1/2, then XW + b
    src = edge_index[0]
    dst = edge_index[1]
    loop = jnp.arange(N, dtype=src.dtype)
    src = jnp.concatenate([src, loop])
    dst = jnp.concatenate([dst, loop])
    ones = jnp.ones(src.shape[0], dtype=x.dtype)
    deg = jnp.zeros((N,), dtype=x.dtype).at[dst].add(ones)
    deg_inv_sqrt = jax.lax.rsqrt(jnp.maximum(deg, 1e-12))
    norm = deg_inv_sqrt[src] * deg_inv_sqrt[dst]
    h = x @ W
    msg = h[src] * norm[:, None]
    out = jnp.zeros((N, W.shape[1]), dtype=x.dtype).at[dst].add(msg)
    return out + b


def reference(x, edge_index, W1, b1, W2, b2):
    # layer 0 -> relu -> dropout (eval mode: identity) -> layer 1 -> log_softmax
    h = gcn_conv(x, edge_index, W1, b1)
    h = jax.nn.relu(h)
    out = gcn_conv(h, edge_index, W2, b2)
    return jax.nn.log_softmax(out, axis=1)

if __name__ == "__main__":
    import jax
    _d = setup_inputs()
    print(jax.jit(kernel)(*tuple(_d.values())))

</pallas_src>

<mosaic_0001>
#map = affine_map<(d0, d1) -> (0, 0, 0)>
#map1 = affine_map<(d0, d1) -> (0, 0)>
module attributes {stable_mosaic.version = 14 : i64} {
  func.func @_degree_kernel(%arg0: i32, %arg1: i32, %arg2: memref<32x80x128xi32, #tpu.memory_space<hbm>>, %arg3: memref<2x10240xf32, #tpu.memory_space<hbm>>, %arg4: memref<40x128xi32, #tpu.memory_space<vmem>>, %arg5: memref<128xf32, #tpu.memory_space<vmem>>, %arg6: memref<128xf32, #tpu.memory_space<vmem>>, %arg7: memref<10240xf32, #tpu.memory_space<vmem_shared>>) attributes {dimension_semantics = [#tpu.dimension_semantics<core_parallel>, #tpu.dimension_semantics<subcore_parallel>], iteration_bounds = array<i64: 2, 16>, scalar_prefetch = 0 : i64, scratch_operands = 4 : i64, tpu.core_type = #tpu.core_type<sc_vector_subcore>, window_params = [{transform_indices = #map}, {transform_indices = #map1}]} {
    %mul3A = arith.constant 2 : i32
    %mul3A_0 = arith.muli %arg1, %mul3A : i32
    %add3A = arith.addi %mul3A_0, %arg0 : i32
    %scan3A = arith.constant 0 : i32
    %scan3A_1 = arith.constant 0 : i32
    %scan3A_2 = arith.constant 8 : i32
    %scan3A_3 = arith.addi %scan3A_1, %scan3A_2 : i32
    %scan3A_4 = arith.constant 1 : i32
    %scan3A_5 = scf.for %scan3A_53 = %scan3A_1 to %scan3A_3 step %scan3A_4 iter_args(%scan3A_54 = %scan3A) -> (i32)  : i32 {
      %broadcast_in_dim3A = arith.constant 0.000000e+00 : f32
      %broadcast_in_dim3A_55 = vector.broadcast %broadcast_in_dim3A : f32 to vector<16xf32>
      %mul3A_56 = arith.constant 16 : i32
      %mul3A_57 = arith.muli %scan3A_53, %mul3A_56 : i32
      %swap3A = arith.index_cast %mul3A_57 : i32 to index
      %swap3A_58 = tpu.vector_load %arg6[%swap3A] {strides = array<i32>} : memref<128xf32, #tpu.memory_space<vmem>>, vector<16xf32>,
      %swap3A_59 = vector.shape_cast %swap3A_58 : vector<16xf32> to vector<16xf32>
      %swap3A_60 = vector.shape_cast %broadcast_in_dim3A_55 : vector<16xf32> to vector<16xf32>
      tpu.vector_store %arg6[%swap3A], %swap3A_60 {strides = array<i32>} : memref<128xf32, #tpu.memory_space<vmem>>, vector<16xf32>,
      %scan3A_61 = arith.constant 0 : i32
      scf.yield %scan3A_61 : i32
    }
    %scan3A_6 = arith.constant 8 : i32
    %scan3A_7 = arith.constant 0 : i32
    %scan3A_8 = arith.constant 0 : i32
    %scan3A_9 = arith.constant 8 : i32
    %scan3A_10 = arith.addi %scan3A_8, %scan3A_9 : i32
    %scan3A_11 = arith.constant 1 : i32
    %scan3A_12 = scf.for %scan3A_53 = %scan3A_8 to %scan3A_10 step %scan3A_11 iter_args(%scan3A_54 = %scan3A_7) -> (i32)  : i32 {
      %broadcast_in_dim3A = arith.constant 1.000000e+00 : f32
      %broadcast_in_dim3A_55 = vector.broadcast %broadcast_in_dim3A : f32 to vector<16xf32>
      %mul3A_56 = arith.constant 16 : i32
      %mul3A_57 = arith.muli %scan3A_53, %mul3A_56 : i32
      %swap3A = arith.index_cast %mul3A_57 : i32 to index
      %swap3A_58 = tpu.vector_load %arg5[%swap3A] {strides = array<i32>} : memref<128xf32, #tpu.memory_space<vmem>>, vector<16xf32>,
      %swap3A_59 = vector.shape_cast %swap3A_58 : vector<16xf32> to vector<16xf32>
      %swap3A_60 = vector.shape_cast %broadcast_in_dim3A_55 : vector<16xf32> to vector<16xf32>
      tpu.vector_store %arg5[%swap3A], %swap3A_60 {strides = array<i32>} : memref<128xf32, #tpu.memory_space<vmem>>, vector<16xf32>,
      %scan3A_61 = arith.constant 0 : i32
      scf.yield %scan3A_61 : i32
    }
    %scan3A_13 = arith.constant 8 : i32
    %mul3A_14 = arith.constant 640 : i32
    %mul3A_15 = arith.muli %arg1, %mul3A_14 : i32
    %add3A_16 = arith.constant 0 : i32
    %add3A_17 = arith.addi %mul3A_15, %add3A_16 : i32
    "tpu.region"() ({
      %run_scoped3A = tpu.sem_alloc : memref<!tpu.dma_semaphore, #tpu.memory_space<semaphore_mem>>
      %dma_start3A = tpu.memref_slice %arg7[%add3A_17] : memref<10240xf32, #tpu.memory_space<vmem_shared>> -> memref<128xf32, #tpu.memory_space<vmem_shared>>
      %dma_start3A_53 = tpu.memref_slice %arg7[%add3A_17] : memref<10240xf32, #tpu.memory_space<vmem_shared>> -> memref<128xf32, #tpu.memory_space<vmem_shared>>
      tpu.enqueue_dma source(%arg6 : memref<128xf32, #tpu.memory_space<vmem>>) target(%dma_start3A_53 : memref<128xf32, #tpu.memory_space<vmem_shared>>) target_semaphore(%run_scoped3A : memref<!tpu.dma_semaphore, #tpu.memory_space<semaphore_mem>>)
      %dma_wait3A = tpu.memref_slice %arg7[%add3A_17] : memref<10240xf32, #tpu.memory_space<vmem_shared>> -> memref<128xf32, #tpu.memory_space<vmem_shared>>
      %dma_wait3A_54 = tpu.memref_slice %arg7[%add3A_17] : memref<10240xf32, #tpu.memory_space<vmem_shared>> -> memref<128xf32, #tpu.memory_space<vmem_shared>>
      tpu.wait_dma2 semaphore(%run_scoped3A : memref<!tpu.dma_semaphore, #tpu.memory_space<semaphore_mem>>) src(%arg6 : memref<128xf32, #tpu.memory_space<vmem>>) dst(%dma_wait3A_54 : memref<128xf32, #tpu.memory_space<vmem_shared>>)
      tpu.yield
    }) : () -> ()
    %mul3A_18 = arith.constant 640 : i32
    %mul3A_19 = arith.muli %arg1, %mul3A_18 : i32
    %add3A_20 = arith.constant 128 : i32
    %add3A_21 = arith.addi %mul3A_19, %add3A_20 : i32
    "tpu.region"() ({
      %run_scoped3A = tpu.sem_alloc : memref<!tpu.dma_semaphore, #tpu.memory_space<semaphore_mem>>
      %dma_start3A = tpu.memref_slice %arg7[%add3A_21] : memref<10240xf32, #tpu.memory_space<vmem_shared>> -> memref<128xf32, #tpu.memory_space<vmem_shared>>
      %dma_start3A_53 = tpu.memref_slice %arg7[%add3A_21] : memref<10240xf32, #tpu.memory_space<vmem_shared>> -> memref<128xf32, #tpu.memory_space<vmem_shared>>
      tpu.enqueue_dma source(%arg6 : memref<128xf32, #tpu.memory_space<vmem>>) target(%dma_start3A_53 : memref<128xf32, #tpu.memory_space<vmem_shared>>) target_semaphore(%run_scoped3A : memref<!tpu.dma_semaphore, #tpu.memory_space<semaphore_mem>>)
      %dma_wait3A = tpu.memref_slice %arg7[%add3A_21] : memref<10240xf32, #tpu.memory_space<vmem_shared>> -> memref<128xf32, #tpu.memory_space<vmem_shared>>
      %dma_wait3A_54 = tpu.memref_slice %arg7[%add3A_21] : memref<10240xf32, #tpu.memory_space<vmem_shared>> -> memref<128xf32, #tpu.memory_space<vmem_shared>>
      tpu.wait_dma2 semaphore(%run_scoped3A : memref<!tpu.dma_semaphore, #tpu.memory_space<semaphore_mem>>) src(%arg6 : memref<128xf32, #tpu.memory_space<vmem>>) dst(%dma_wait3A_54 : memref<128xf32, #tpu.memory_space<vmem_shared>>)
      tpu.yield
    }) : () -> ()
    %mul3A_22 = arith.constant 640 : i32
    %mul3A_23 = arith.muli %arg1, %mul3A_22 : i32
    %add3A_24 = arith.constant 256 : i32
    %add3A_25 = arith.addi %mul3A_23, %add3A_24 : i32
    "tpu.region"() ({
      %run_scoped3A = tpu.sem_alloc : memref<!tpu.dma_semaphore, #tpu.memory_space<semaphore_mem>>
      %dma_start3A = tpu.memref_slice %arg7[%add3A_25] : memref<10240xf32, #tpu.memory_space<vmem_shared>> -> memref<128xf32, #tpu.memory_space<vmem_shared>>
      %dma_start3A_53 = tpu.memref_slice %arg7[%add3A_25] : memref<10240xf32, #tpu.memory_space<vmem_shared>> -> memref<128xf32, #tpu.memory_space<vmem_shared>>
      tpu.enqueue_dma source(%arg6 : memref<128xf32, #tpu.memory_space<vmem>>) target(%dma_start3A_53 : memref<128xf32, #tpu.memory_space<vmem_shared>>) target_semaphore(%run_scoped3A : memref<!tpu.dma_semaphore, #tpu.memory_space<semaphore_mem>>)
      %dma_wait3A = tpu.memref_slice %arg7[%add3A_25] : memref<10240xf32, #tpu.memory_space<vmem_shared>> -> memref<128xf32, #tpu.memory_space<vmem_shared>>
      %dma_wait3A_54 = tpu.memref_slice %arg7[%add3A_25] : memref<10240xf32, #tpu.memory_space<vmem_shared>> -> memref<128xf32, #tpu.memory_space<vmem_shared>>
      tpu.wait_dma2 semaphore(%run_scoped3A : memref<!tpu.dma_semaphore, #tpu.memory_space<semaphore_mem>>) src(%arg6 : memref<128xf32, #tpu.memory_space<vmem>>) dst(%dma_wait3A_54 : memref<128xf32, #tpu.memory_space<vmem_shared>>)
      tpu.yield
    }) : () -> ()
    %mul3A_26 = arith.constant 640 : i32
    %mul3A_27 = arith.muli %arg1, %mul3A_26 : i32
    %add3A_28 = arith.constant 384 : i32
    %add3A_29 = arith.addi %mul3A_27, %add3A_28 : i32
    "tpu.region"() ({
      %run_scoped3A = tpu.sem_alloc : memref<!tpu.dma_semaphore, #tpu.memory_space<semaphore_mem>>
      %dma_start3A = tpu.memref_slice %arg7[%add3A_29] : memref<10240xf32, #tpu.memory_space<vmem_shared>> -> memref<128xf32, #tpu.memory_space<vmem_shared>>
      %dma_start3A_53 = tpu.memref_slice %arg7[%add3A_29] : memref<10240xf32, #tpu.memory_space<vmem_shared>> -> memref<128xf32, #tpu.memory_space<vmem_shared>>
      tpu.enqueue_dma source(%arg6 : memref<128xf32, #tpu.memory_space<vmem>>) target(%dma_start3A_53 : memref<128xf32, #tpu.memory_space<vmem_shared>>) target_semaphore(%run_scoped3A : memref<!tpu.dma_semaphore, #tpu.memory_space<semaphore_mem>>)
      %dma_wait3A = tpu.memref_slice %arg7[%add3A_29] : memref<10240xf32, #tpu.memory_space<vmem_shared>> -> memref<128xf32, #tpu.memory_space<vmem_shared>>
      %dma_wait3A_54 = tpu.memref_slice %arg7[%add3A_29] : memref<10240xf32, #tpu.memory_space<vmem_shared>> -> memref<128xf32, #tpu.memory_space<vmem_shared>>
      tpu.wait_dma2 semaphore(%run_scoped3A : memref<!tpu.dma_semaphore, #tpu.memory_space<semaphore_mem>>) src(%arg6 : memref<128xf32, #tpu.memory_space<vmem>>) dst(%dma_wait3A_54 : memref<128xf32, #tpu.memory_space<vmem_shared>>)
      tpu.yield
    }) : () -> ()
    %mul3A_30 = arith.constant 640 : i32
    %mul3A_31 = arith.muli %arg1, %mul3A_30 : i32
    %add3A_32 = arith.constant 512 : i32
    %add3A_33 = arith.addi %mul3A_31, %add3A_32 : i32
    "tpu.region"() ({
      %run_scoped3A = tpu.sem_alloc : memref<!tpu.dma_semaphore, #tpu.memory_space<semaphore_mem>>
      %dma_start3A = tpu.memref_slice %arg7[%add3A_33] : memref<10240xf32, #tpu.memory_space<vmem_shared>> -> memref<128xf32, #tpu.memory_space<vmem_shared>>
      %dma_start3A_53 = tpu.memref_slice %arg7[%add3A_33] : memref<10240xf32, #tpu.memory_space<vmem_shared>> -> memref<128xf32, #tpu.memory_space<vmem_shared>>
      tpu.enqueue_dma source(%arg6 : memref<128xf32, #tpu.memory_space<vmem>>) target(%dma_start3A_53 : memref<128xf32, #tpu.memory_space<vmem_shared>>) target_semaphore(%run_scoped3A : memref<!tpu.dma_semaphore, #tpu.memory_space<semaphore_mem>>)
      %dma_wait3A = tpu.memref_slice %arg7[%add3A_33] : memref<10240xf32, #tpu.memory_space<vmem_shared>> -> memref<128xf32, #tpu.memory_space<vmem_shared>>
      %dma_wait3A_54 = tpu.memref_slice %arg7[%add3A_33] : memref<10240xf32, #tpu.memory_space<vmem_shared>> -> memref<128xf32, #tpu.memory_space<vmem_shared>>
      tpu.wait_dma2 semaphore(%run_scoped3A : memref<!tpu.dma_semaphore, #tpu.memory_space<semaphore_mem>>) src(%arg6 : memref<128xf32, #tpu.memory_space<vmem>>) dst(%dma_wait3A_54 : memref<128xf32, #tpu.memory_space<vmem_shared>>)
      tpu.yield
    }) : () -> ()
    %barrier3A = arith.constant 0 : index
    tpu.barrier barrier_id(%barrier3A)
    "tpu.region"() ({
      %run_scoped3A = tpu.sem_alloc : memref<!tpu.dma_semaphore, #tpu.memory_space<semaphore_mem>>
      %dma_start3A = arith.constant 0 : i32
      %dma_start3A_53 = arith.constant 0 : i32
      %dma_start3A_54 = tpu.memref_slice %arg2[%add3A, %dma_start3A, %dma_start3A_53] : memref<32x80x128xi32, #tpu.memory_space<hbm>> -> memref<1x40x128xi32, #tpu.memory_space<hbm>>
      %dma_start3A_55 = tpu.memref_squeeze %dma_start3A_54 : memref<1x40x128xi32, #tpu.memory_space<hbm>> -> memref<40x128xi32, #tpu.memory_space<hbm>>
      %dma_start3A_56 = arith.constant 0 : i32
      %dma_start3A_57 = arith.constant 0 : i32
      %dma_start3A_58 = tpu.memref_slice %arg2[%add3A, %dma_start3A_56, %dma_start3A_57] : memref<32x80x128xi32, #tpu.memory_space<hbm>> -> memref<1x40x128xi32, #tpu.memory_space<hbm>>
      %dma_start3A_59 = tpu.memref_squeeze %dma_start3A_58 : memref<1x40x128xi32, #tpu.memory_space<hbm>> -> memref<40x128xi32, #tpu.memory_space<hbm>>
      tpu.enqueue_dma source(%dma_start3A_59 : memref<40x128xi32, #tpu.memory_space<hbm>>) target(%arg4 : memref<40x128xi32, #tpu.memory_space<vmem>>) target_semaphore(%run_scoped3A : memref<!tpu.dma_semaphore, #tpu.memory_space<semaphore_mem>>)
      %dma_wait3A = arith.constant 0 : i32
      %dma_wait3A_60 = arith.constant 0 : i32
      %dma_wait3A_61 = tpu.memref_slice %arg2[%add3A, %dma_wait3A, %dma_wait3A_60] : memref<32x80x128xi32, #tpu.memory_space<hbm>> -> memref<1x40x128xi32, #tpu.memory_space<hbm>>
      %dma_wait3A_62 = tpu.memref_squeeze %dma_wait3A_61 : memref<1x40x128xi32, #tpu.memory_space<hbm>> -> memref<40x128xi32, #tpu.memory_space<hbm>>
      %dma_wait3A_63 = arith.constant 0 : i32
      %dma_wait3A_64 = arith.constant 0 : i32
      %dma_wait3A_65 = tpu.memref_slice %arg2[%add3A, %dma_wait3A_63, %dma_wait3A_64] : memref<32x80x128xi32, #tpu.memory_space<hbm>> -> memref<1x40x128xi32, #tpu.memory_space<hbm>>
      %dma_wait3A_66 = tpu.memref_squeeze %dma_wait3A_65 : memref<1x40x128xi32, #tpu.memory_space<hbm>> -> memref<40x128xi32, #tpu.memory_space<hbm>>
      tpu.wait_dma2 semaphore(%run_scoped3A : memref<!tpu.dma_semaphore, #tpu.memory_space<semaphore_mem>>) src(%dma_wait3A_66 : memref<40x128xi32, #tpu.memory_space<hbm>>) dst(%arg4 : memref<40x128xi32, #tpu.memory_space<vmem>>)
      tpu.yield
    }) : () -> ()
    %scan3A_34 = arith.constant 0 : i32
    %scan3A_35 = arith.constant 0 : i32
    %scan3A_36 = arith.constant 40 : i32
    %scan3A_37 = arith.addi %scan3A_35, %scan3A_36 : i32
    %scan3A_38 = arith.constant 1 : i32
    %scan3A_39 = scf.for %scan3A_53 = %scan3A_35 to %scan3A_37 step %scan3A_38 iter_args(%scan3A_54 = %scan3A_34) -> (i32)  : i32 {
      "tpu.region"() ({
        %run_scoped3A = tpu.sem_alloc : memref<!tpu.dma_semaphore, #tpu.memory_space<semaphore_mem>>
        %dma_start3A = arith.constant 0 : i32
        %dma_start3A_56 = tpu.memref_slice %arg4[%scan3A_53, %dma_start3A] : memref<40x128xi32, #tpu.memory_space<vmem>> -> memref<1x128xi32, #tpu.memory_space<vmem>>
        %dma_start3A_57 = tpu.memref_squeeze %dma_start3A_56 : memref<1x128xi32, #tpu.memory_space<vmem>> -> memref<128xi32, #tpu.memory_space<vmem>>
        %dma_start3A_58 = arith.constant 0 : i32
        %dma_start3A_59 = tpu.memref_slice %arg7[%dma_start3A_58] : memref<10240xf32, #tpu.memory_space<vmem_shared>> -> memref<10240xf32, #tpu.memory_space<vmem_shared>>
        tpu.enqueue_indirect_dma source(%arg5 : memref<128xf32, #tpu.memory_space<vmem>>) target(%dma_start3A_59 : memref<10240xf32, #tpu.memory_space<vmem_shared>>) offsets(%dma_start3A_57 : memref<128xi32, #tpu.memory_space<vmem>>) semaphore(%run_scoped3A : memref<!tpu.dma_semaphore, #tpu.memory_space<semaphore_mem>>) {add = true}
        %dma_wait3A = arith.constant 0 : i32
        %dma_wait3A_60 = tpu.memref_slice %arg4[%scan3A_53, %dma_wait3A] : memref<40x128xi32, #tpu.memory_space<vmem>> -> memref<1x128xi32, #tpu.memory_space<vmem>>
        %dma_wait3A_61 = tpu.memref_squeeze %dma_wait3A_60 : memref<1x128xi32, #tpu.memory_space<vmem>> -> memref<128xi32, #tpu.memory_space<vmem>>
        %dma_wait3A_62 = arith.constant 0 : i32
        %dma_wait3A_63 = tpu.memref_slice %arg7[%dma_wait3A_62] : memref<10240xf32, #tpu.memory_space<vmem_shared>> -> memref<10240xf32, #tpu.memory_space<vmem_shared>>
        tpu.wait_indirect_dma semaphore(%run_scoped3A : memref<!tpu.dma_semaphore, #tpu.memory_space<semaphore_mem>>) src(%arg5 : memref<128xf32, #tpu.memory_space<vmem>>) dst(%dma_wait3A_63 : memref<10240xf32, #tpu.memory_space<vmem_shared>>)
        tpu.yield
      }) : () -> ()
      %scan3A_55 = arith.constant 0 : i32
      scf.yield %scan3A_55 : i32
    }
    %scan3A_40 = arith.constant 40 : i32
    "tpu.region"() ({
      %run_scoped3A = tpu.sem_alloc : memref<!tpu.dma_semaphore, #tpu.memory_space<semaphore_mem>>
      %dma_start3A = arith.constant 40 : i32
      %dma_start3A_53 = arith.constant 0 : i32
      %dma_start3A_54 = tpu.memref_slice %arg2[%add3A, %dma_start3A, %dma_start3A_53] : memref<32x80x128xi32, #tpu.memory_space<hbm>> -> memref<1x40x128xi32, #tpu.memory_space<hbm>>
      %dma_start3A_55 = tpu.memref_squeeze %dma_start3A_54 : memref<1x40x128xi32, #tpu.memory_space<hbm>> -> memref<40x128xi32, #tpu.memory_space<hbm>>
      %dma_start3A_56 = arith.constant 40 : i32
      %dma_start3A_57 = arith.constant 0 : i32
      %dma_start3A_58 = tpu.memref_slice %arg2[%add3A, %dma_start3A_56, %dma_start3A_57] : memref<32x80x128xi32, #tpu.memory_space<hbm>> -> memref<1x40x128xi32, #tpu.memory_space<hbm>>
      %dma_start3A_59 = tpu.memref_squeeze %dma_start3A_58 : memref<1x40x128xi32, #tpu.memory_space<hbm>> -> memref<40x128xi32, #tpu.memory_space<hbm>>
      tpu.enqueue_dma source(%dma_start3A_59 : memref<40x128xi32, #tpu.memory_space<hbm>>) target(%arg4 : memref<40x128xi32, #tpu.memory_space<vmem>>) target_semaphore(%run_scoped3A : memref<!tpu.dma_semaphore, #tpu.memory_space<semaphore_mem>>)
      %dma_wait3A = arith.constant 40 : i32
      %dma_wait3A_60 = arith.constant 0 : i32
      %dma_wait3A_61 = tpu.memref_slice %arg2[%add3A, %dma_wait3A, %dma_wait3A_60] : memref<32x80x128xi32, #tpu.memory_space<hbm>> -> memref<1x40x128xi32, #tpu.memory_space<hbm>>
      %dma_wait3A_62 = tpu.memref_squeeze %dma_wait3A_61 : memref<1x40x128xi32, #tpu.memory_space<hbm>> -> memref<40x128xi32, #tpu.memory_space<hbm>>
      %dma_wait3A_63 = arith.constant 40 : i32
      %dma_wait3A_64 = arith.constant 0 : i32
      %dma_wait3A_65 = tpu.memref_slice %arg2[%add3A, %dma_wait3A_63, %dma_wait3A_64] : memref<32x80x128xi32, #tpu.memory_space<hbm>> -> memref<1x40x128xi32, #tpu.memory_space<hbm>>
      %dma_wait3A_66 = tpu.memref_squeeze %dma_wait3A_65 : memref<1x40x128xi32, #tpu.memory_space<hbm>> -> memref<40x128xi32, #tpu.memory_space<hbm>>
      tpu.wait_dma2 semaphore(%run_scoped3A : memref<!tpu.dma_semaphore, #tpu.memory_space<semaphore_mem>>) src(%dma_wait3A_66 : memref<40x128xi32, #tpu.memory_space<hbm>>) dst(%arg4 : memref<40x128xi32, #tpu.memory_space<vmem>>)
      tpu.yield
    }) : () -> ()
    %scan3A_41 = arith.constant 0 : i32
    %scan3A_42 = arith.constant 0 : i32
    %scan3A_43 = arith.constant 40 : i32
    %scan3A_44 = arith.addi %scan3A_42, %scan3A_43 : i32
    %scan3A_45 = arith.constant 1 : i32
    %scan3A_46 = scf.for %scan3A_53 = %scan3A_42 to %scan3A_44 step %scan3A_45 iter_args(%scan3A_54 = %scan3A_41) -> (i32)  : i32 {
      "tpu.region"() ({
        %run_scoped3A = tpu.sem_alloc : memref<!tpu.dma_semaphore, #tpu.memory_space<semaphore_mem>>
        %dma_start3A = arith.constant 0 : i32
        %dma_start3A_56 = tpu.memref_slice %arg4[%scan3A_53, %dma_start3A] : memref<40x128xi32, #tpu.memory_space<vmem>> -> memref<1x128xi32, #tpu.memory_space<vmem>>
        %dma_start3A_57 = tpu.memref_squeeze %dma_start3A_56 : memref<1x128xi32, #tpu.memory_space<vmem>> -> memref<128xi32, #tpu.memory_space<vmem>>
        %dma_start3A_58 = arith.constant 0 : i32
        %dma_start3A_59 = tpu.memref_slice %arg7[%dma_start3A_58] : memref<10240xf32, #tpu.memory_space<vmem_shared>> -> memref<10240xf32, #tpu.memory_space<vmem_shared>>
        tpu.enqueue_indirect_dma source(%arg5 : memref<128xf32, #tpu.memory_space<vmem>>) target(%dma_start3A_59 : memref<10240xf32, #tpu.memory_space<vmem_shared>>) offsets(%dma_start3A_57 : memref<128xi32, #tpu.memory_space<vmem>>) semaphore(%run_scoped3A : memref<!tpu.dma_semaphore, #tpu.memory_space<semaphore_mem>>) {add = true}
        %dma_wait3A = arith.constant 0 : i32
        %dma_wait3A_60 = tpu.memref_slice %arg4[%scan3A_53, %dma_wait3A] : memref<40x128xi32, #tpu.memory_space<vmem>> -> memref<1x128xi32, #tpu.memory_space<vmem>>
        %dma_wait3A_61 = tpu.memref_squeeze %dma_wait3A_60 : memref<1x128xi32, #tpu.memory_space<vmem>> -> memref<128xi32, #tpu.memory_space<vmem>>
        %dma_wait3A_62 = arith.constant 0 : i32
        %dma_wait3A_63 = tpu.memref_slice %arg7[%dma_wait3A_62] : memref<10240xf32, #tpu.memory_space<vmem_shared>> -> memref<10240xf32, #tpu.memory_space<vmem_shared>>
        tpu.wait_indirect_dma semaphore(%run_scoped3A : memref<!tpu.dma_semaphore, #tpu.memory_space<semaphore_mem>>) src(%arg5 : memref<128xf32, #tpu.memory_space<vmem>>) dst(%dma_wait3A_63 : memref<10240xf32, #tpu.memory_space<vmem_shared>>)
        tpu.yield
      }) : () -> ()
      %scan3A_55 = arith.constant 0 : i32
      scf.yield %scan3A_55 : i32
    }
    %scan3A_47 = arith.constant 40 : i32
    %barrier3A_48 = arith.constant 0 : index
    tpu.barrier barrier_id(%barrier3A_48)
    %mul3A_49 = arith.constant 640 : i32
    %mul3A_50 = arith.muli %arg1, %mul3A_49 : i32
    %mul3A_51 = arith.constant 640 : i32
    %mul3A_52 = arith.muli %arg1, %mul3A_51 : i32
    "tpu.region"() ({
      %run_scoped3A = tpu.sem_alloc : memref<!tpu.dma_semaphore, #tpu.memory_space<semaphore_mem>>
      %dma_start3A = tpu.memref_slice %arg3[%arg0, %mul3A_52] : memref<2x10240xf32, #tpu.memory_space<hbm>> -> memref<1x640xf32, #tpu.memory_space<hbm>>
      %dma_start3A_53 = tpu.memref_squeeze %dma_start3A : memref<1x640xf32, #tpu.memory_space<hbm>> -> memref<640xf32, #tpu.memory_space<hbm>>
      %dma_start3A_54 = tpu.memref_slice %arg7[%mul3A_50] : memref<10240xf32, #tpu.memory_space<vmem_shared>> -> memref<640xf32, #tpu.memory_space<vmem_shared>>
      tpu.enqueue_dma source(%dma_start3A_54 : memref<640xf32, #tpu.memory_space<vmem_shared>>) target(%dma_start3A_53 : memref<640xf32, #tpu.memory_space<hbm>>) target_semaphore(%run_scoped3A : memref<!tpu.dma_semaphore, #tpu.memory_space<semaphore_mem>>)
      %dma_wait3A = tpu.memref_slice %arg3[%arg0, %mul3A_52] : memref<2x10240xf32, #tpu.memory_space<hbm>> -> memref<1x640xf32, #tpu.memory_space<hbm>>
      %dma_wait3A_55 = tpu.memref_squeeze %dma_wait3A : memref<1x640xf32, #tpu.memory_space<hbm>> -> memref<640xf32, #tpu.memory_space<hbm>>
      %dma_wait3A_56 = tpu.memref_slice %arg7[%mul3A_50] : memref<10240xf32, #tpu.memory_space<vmem_shared>> -> memref<640xf32, #tpu.memory_space<vmem_shared>>
      tpu.wait_dma2 semaphore(%run_scoped3A : memref<!tpu.dma_semaphore, #tpu.memory_space<semaphore_mem>>) src(%dma_wait3A_56 : memref<640xf32, #tpu.memory_space<vmem_shared>>) dst(%dma_wait3A_55 : memref<640xf32, #tpu.memory_space<hbm>>)
      tpu.yield
    }) : () -> ()
    return
  }
}

#map = affine_map<(d0, d1) -> (0, 0)>
#map1 = affine_map<(d0, d1) -> (0, 0, 0)>
module attributes {stable_mosaic.version = 14 : i64} {
  func.func @_aggregate_kernel(%arg0: i32, %arg1: i32, %arg2: memref<10000x128xf32, #tpu.memory_space<hbm>>, %arg3: memref<32x80x128xi32, #tpu.memory_space<hbm>>, %arg4: memref<32x80x128xi32, #tpu.memory_space<hbm>>, %arg5: memref<2x10240x128xf32, #tpu.memory_space<hbm>>, %arg6: memref<40x128xi32, #tpu.memory_space<vmem>>, %arg7: memref<40x128xi32, #tpu.memory_space<vmem>>, %arg8: memref<128x128xf32, #tpu.memory_space<vmem>>, %arg9: memref<128x128xf32, #tpu.memory_space<vmem>>, %arg10: memref<10240x128xf32, #tpu.memory_space<vmem_shared>>, %arg11: memref<!tpu.dma_semaphore, #tpu.memory_space<semaphore_mem>>, %arg12: memref<!tpu.dma_semaphore, #tpu.memory_space<semaphore_mem>>) attributes {dimension_semantics = [#tpu.dimension_semantics<core_parallel>, #tpu.dimension_semantics<subcore_parallel>], iteration_bounds = array<i64: 2, 16>, scalar_prefetch = 0 : i64, scratch_operands = 7 : i64, tpu.core_type = #tpu.core_type<sc_vector_subcore>, window_params = [{transform_indices = #map}, {transform_indices = #map1}, {transform_indices = #map1}, {transform_indices = #map1}]} {
    %mul3A = arith.constant 2 : i32
    %mul3A_0 = arith.muli %arg1, %mul3A : i32
    %add3A = arith.addi %mul3A_0, %arg0 : i32
    %scan3A = arith.constant 0 : i32
    %scan3A_1 = arith.constant 0 : i32
    %scan3A_2 = arith.constant 1024 : i32
    %scan3A_3 = arith.addi %scan3A_1, %scan3A_2 : i32
    %scan3A_4 = arith.constant 1 : i32
    %scan3A_5 = scf.for %scan3A_99 = %scan3A_1 to %scan3A_3 step %scan3A_4 iter_args(%scan3A_100 = %scan3A) -> (i32)  : i32 {
      %jit3A = arith.constant 8 : i32
      %div3A = arith.divsi %scan3A_99, %jit3A : i32
      %sign3A = arith.constant 0 : i32
      %sign3A_101 = arith.cmpi sgt, %scan3A_99, %sign3A : i32
      %sign3A_102 = arith.extui %sign3A_101 : i1 to i32
      %sign3A_103 = arith.constant 0 : i32
      %sign3A_104 = arith.cmpi slt, %scan3A_99, %sign3A_103 : i32
      %sign3A_105 = arith.extui %sign3A_104 : i1 to i32
      %sign3A_106 = arith.subi %sign3A_102, %sign3A_105 : i32
      %sign3A_107 = arith.constant 0 : i32
      %sign3A_108 = arith.cmpi sgt, %jit3A, %sign3A_107 : i32
      %sign3A_109 = arith.extui %sign3A_108 : i1 to i32
      %sign3A_110 = arith.constant 0 : i32
      %sign3A_111 = arith.cmpi slt, %jit3A, %sign3A_110 : i32
      %sign3A_112 = arith.extui %sign3A_111 : i1 to i32
      %sign3A_113 = arith.subi %sign3A_109, %sign3A_112 : i32
      %ne3A = arith.cmpi ne, %sign3A_106, %sign3A_113 : i32
      %rem3A = arith.remsi %scan3A_99, %jit3A : i32
      %ne3A_114 = arith.constant 0 : i32
      %ne3A_115 = arith.cmpi ne, %rem3A, %ne3A_114 : i32
      %and3A = arith.andi %ne3A, %ne3A_115 : i1
      %sub3A = arith.constant 1 : i32
      %sub3A_116 = arith.subi %div3A, %sub3A : i32
      %select_n3A = arith.select %and3A, %sub3A_116, %div3A : i32
      %jit3A_117 = arith.constant 8 : i32
      %eq3A = arith.constant 0 : i32
      %eq3A_118 = arith.cmpi eq, %jit3A_117, %eq3A : i32
      %jit3A_119 = arith.constant 1 : i32
      %select_n3A_120 = arith.select %eq3A_118, %jit3A_119, %jit3A_117 : i32
      %rem3A_121 = arith.remsi %scan3A_99, %select_n3A_120 : i32
      %ne3A_122 = arith.constant 0 : i32
      %ne3A_123 = arith.cmpi ne, %rem3A_121, %ne3A_122 : i32
      %lt3A = arith.constant 0 : i32
      %lt3A_124 = arith.cmpi slt, %rem3A_121, %lt3A : i32
      %lt3A_125 = arith.constant 0 : i32
      %lt3A_126 = arith.cmpi slt, %select_n3A_120, %lt3A_125 : i32
      %ne3A_127 = arith.xori %lt3A_124, %lt3A_126 : i1
      %and3A_128 = arith.andi %ne3A_127, %ne3A_123 : i1
      %add3A_129 = arith.addi %rem3A_121, %select_n3A_120 : i32
      %select_n3A_130 = arith.select %and3A_128, %add3A_129, %rem3A_121 : i32
      %mul3A_131 = arith.constant 16 : i32
      %mul3A_132 = arith.muli %select_n3A_130, %mul3A_131 : i32
      %broadcast_in_dim3A = arith.constant 0.000000e+00 : f32
      %broadcast_in_dim3A_133 = vector.broadcast %broadcast_in_dim3A : f32 to vector<16xf32>
      %swap3A = arith.index_cast %select_n3A : i32 to index
      %swap3A_134 = arith.index_cast %mul3A_132 : i32 to index
      %swap3A_135 = tpu.vector_load %arg8[%swap3A, %swap3A_134] {strides = array<i32>} : memref<128x128xf32, #tpu.memory_space<vmem>>, vector<1x16xf32>,
      %swap3A_136 = vector.shape_cast %swap3A_135 : vector<1x16xf32> to vector<16xf32>
      %swap3A_137 = vector.shape_cast %broadcast_in_dim3A_133 : vector<16xf32> to vector<1x16xf32>
      tpu.vector_store %arg8[%swap3A, %swap3A_134], %swap3A_137 {strides = array<i32>} : memref<128x128xf32, #tpu.memory_space<vmem>>, vector<1x16xf32>,
      %scan3A_138 = arith.constant 0 : i32
      scf.yield %scan3A_138 : i32
    }
    %scan3A_6 = arith.constant 1024 : i32
    %mul3A_7 = arith.constant 640 : i32
    %mul3A_8 = arith.muli %arg1, %mul3A_7 : i32
    %add3A_9 = arith.constant 0 : i32
    %add3A_10 = arith.addi %mul3A_8, %add3A_9 : i32
    "tpu.region"() ({
      %run_scoped3A_99 = tpu.sem_alloc : memref<!tpu.dma_semaphore, #tpu.memory_space<semaphore_mem>>
      %dma_start3A_100 = arith.constant 0 : i32
      %dma_start3A_101 = tpu.memref_slice %arg10[%add3A_10, %dma_start3A_100] : memref<10240x128xf32, #tpu.memory_space<vmem_shared>> -> memref<128x128xf32, #tpu.memory_space<vmem_shared>>
      %dma_start3A_102 = arith.constant 0 : i32
      %dma_start3A_103 = tpu.memref_slice %arg10[%add3A_10, %dma_start3A_102] : memref<10240x128xf32, #tpu.memory_space<vmem_shared>> -> memref<128x128xf32, #tpu.memory_space<vmem_shared>>
      tpu.enqueue_dma source(%arg8 : memref<128x128xf32, #tpu.memory_space<vmem>>) target(%dma_start3A_103 : memref<128x128xf32, #tpu.memory_space<vmem_shared>>) target_semaphore(%run_scoped3A_99 : memref<!tpu.dma_semaphore, #tpu.memory_space<semaphore_mem>>)
      %dma_wait3A_104 = arith.constant 0 : i32
      %dma_wait3A_105 = tpu.memref_slice %arg10[%add3A_10, %dma_wait3A_104] : memref<10240x128xf32, #tpu.memory_space<vmem_shared>> -> memref<128x128xf32, #tpu.memory_space<vmem_shared>>
      %dma_wait3A_106 = arith.constant 0 : i32
      %dma_wait3A_107 = tpu.memref_slice %arg10[%add3A_10, %dma_wait3A_106] : memref<10240x128xf32, #tpu.memory_space<vmem_shared>> -> memref<128x128xf32, #tpu.memory_space<vmem_shared>>
      tpu.wait_dma2 semaphore(%run_scoped3A_99 : memref<!tpu.dma_semaphore, #tpu.memory_space<semaphore_mem>>) src(%arg8 : memref<128x128xf32, #tpu.memory_space<vmem>>) dst(%dma_wait3A_107 : memref<128x128xf32, #tpu.memory_space<vmem_shared>>)
      tpu.yield
    }) : () -> ()
    %mul3A_11 = arith.constant 640 : i32
    %mul3A_12 = arith.muli %arg1, %mul3A_11 : i32
    %add3A_13 = arith.constant 128 : i32
    %add3A_14 = arith.addi %mul3A_12, %add3A_13 : i32
    "tpu.region"() ({
      %run_scoped3A_99 = tpu.sem_alloc : memref<!tpu.dma_semaphore, #tpu.memory_space<semaphore_mem>>
      %dma_start3A_100 = arith.constant 0 : i32
      %dma_start3A_101 = tpu.memref_slice %arg10[%add3A_14, %dma_start3A_100] : memref<10240x128xf32, #tpu.memory_space<vmem_shared>> -> memref<128x128xf32, #tpu.memory_space<vmem_shared>>
      %dma_start3A_102 = arith.constant 0 : i32
      %dma_start3A_103 = tpu.memref_slice %arg10[%add3A_14, %dma_start3A_102] : memref<10240x128xf32, #tpu.memory_space<vmem_shared>> -> memref<128x128xf32, #tpu.memory_space<vmem_shared>>
      tpu.enqueue_dma source(%arg8 : memref<128x128xf32, #tpu.memory_space<vmem>>) target(%dma_start3A_103 : memref<128x128xf32, #tpu.memory_space<vmem_shared>>) target_semaphore(%run_scoped3A_99 : memref<!tpu.dma_semaphore, #tpu.memory_space<semaphore_mem>>)
      %dma_wait3A_104 = arith.constant 0 : i32
      %dma_wait3A_105 = tpu.memref_slice %arg10[%add3A_14, %dma_wait3A_104] : memref<10240x128xf32, #tpu.memory_space<vmem_shared>> -> memref<128x128xf32, #tpu.memory_space<vmem_shared>>
      %dma_wait3A_106 = arith.constant 0 : i32
      %dma_wait3A_107 = tpu.memref_slice %arg10[%add3A_14, %dma_wait3A_106] : memref<10240x128xf32, #tpu.memory_space<vmem_shared>> -> memref<128x128xf32, #tpu.memory_space<vmem_shared>>
      tpu.wait_dma2 semaphore(%run_scoped3A_99 : memref<!tpu.dma_semaphore, #tpu.memory_space<semaphore_mem>>) src(%arg8 : memref<128x128xf32, #tpu.memory_space<vmem>>) dst(%dma_wait3A_107 : memref<128x128xf32, #tpu.memory_space<vmem_shared>>)
      tpu.yield
    }) : () -> ()
    %mul3A_15 = arith.constant 640 : i32
    %mul3A_16 = arith.muli %arg1, %mul3A_15 : i32
    %add3A_17 = arith.constant 256 : i32
    %add3A_18 = arith.addi %mul3A_16, %add3A_17 : i32
    "tpu.region"() ({
      %run_scoped3A_99 = tpu.sem_alloc : memref<!tpu.dma_semaphore, #tpu.memory_space<semaphore_mem>>
      %dma_start3A_100 = arith.constant 0 : i32
      %dma_start3A_101 = tpu.memref_slice %arg10[%add3A_18, %dma_start3A_100] : memref<10240x128xf32, #tpu.memory_space<vmem_shared>> -> memref<128x128xf32, #tpu.memory_space<vmem_shared>>
      %dma_start3A_102 = arith.constant 0 : i32
      %dma_start3A_103 = tpu.memref_slice %arg10[%add3A_18, %dma_start3A_102] : memref<10240x128xf32, #tpu.memory_space<vmem_shared>> -> memref<128x128xf32, #tpu.memory_space<vmem_shared>>
      tpu.enqueue_dma source(%arg8 : memref<128x128xf32, #tpu.memory_space<vmem>>) target(%dma_start3A_103 : memref<128x128xf32, #tpu.memory_space<vmem_shared>>) target_semaphore(%run_scoped3A_99 : memref<!tpu.dma_semaphore, #tpu.memory_space<semaphore_mem>>)
      %dma_wait3A_104 = arith.constant 0 : i32
      %dma_wait3A_105 = tpu.memref_slice %arg10[%add3A_18, %dma_wait3A_104] : memref<10240x128xf32, #tpu.memory_space<vmem_shared>> -> memref<128x128xf32, #tpu.memory_space<vmem_shared>>
      %dma_wait3A_106 = arith.constant 0 : i32
      %dma_wait3A_107 = tpu.memref_slice %arg10[%add3A_18, %dma_wait3A_106] : memref<10240x128xf32, #tpu.memory_space<vmem_shared>> -> memref<128x128xf32, #tpu.memory_space<vmem_shared>>
      tpu.wait_dma2 semaphore(%run_scoped3A_99 : memref<!tpu.dma_semaphore, #tpu.memory_space<semaphore_mem>>) src(%arg8 : memref<128x128xf32, #tpu.memory_space<vmem>>) dst(%dma_wait3A_107 : memref<128x128xf32, #tpu.memory_space<vmem_shared>>)
      tpu.yield
    }) : () -> ()
    %mul3A_19 = arith.constant 640 : i32
    %mul3A_20 = arith.muli %arg1, %mul3A_19 : i32
    %add3A_21 = arith.constant 384 : i32
    %add3A_22 = arith.addi %mul3A_20, %add3A_21 : i32
    "tpu.region"() ({
      %run_scoped3A_99 = tpu.sem_alloc : memref<!tpu.dma_semaphore, #tpu.memory_space<semaphore_mem>>
      %dma_start3A_100 = arith.constant 0 : i32
      %dma_start3A_101 = tpu.memref_slice %arg10[%add3A_22, %dma_start3A_100] : memref<10240x128xf32, #tpu.memory_space<vmem_shared>> -> memref<128x128xf32, #tpu.memory_space<vmem_shared>>
      %dma_start3A_102 = arith.constant 0 : i32
      %dma_start3A_103 = tpu.memref_slice %arg10[%add3A_22, %dma_start3A_102] : memref<10240x128xf32, #tpu.memory_space<vmem_shared>> -> memref<128x128xf32, #tpu.memory_space<vmem_shared>>
      tpu.enqueue_dma source(%arg8 : memref<128x128xf32, #tpu.memory_space<vmem>>) target(%dma_start3A_103 : memref<128x128xf32, #tpu.memory_space<vmem_shared>>) target_semaphore(%run_scoped3A_99 : memref<!tpu.dma_semaphore, #tpu.memory_space<semaphore_mem>>)
      %dma_wait3A_104 = arith.constant 0 : i32
      %dma_wait3A_105 = tpu.memref_slice %arg10[%add3A_22, %dma_wait3A_104] : memref<10240x128xf32, #tpu.memory_space<vmem_shared>> -> memref<128x128xf32, #tpu.memory_space<vmem_shared>>
      %dma_wait3A_106 = arith.constant 0 : i32
      %dma_wait3A_107 = tpu.memref_slice %arg10[%add3A_22, %dma_wait3A_106] : memref<10240x128xf32, #tpu.memory_space<vmem_shared>> -> memref<128x128xf32, #tpu.memory_space<vmem_shared>>
      tpu.wait_dma2 semaphore(%run_scoped3A_99 : memref<!tpu.dma_semaphore, #tpu.memory_space<semaphore_mem>>) src(%arg8 : memref<128x128xf32, #tpu.memory_space<vmem>>) dst(%dma_wait3A_107 : memref<128x128xf32, #tpu.memory_space<vmem_shared>>)
      tpu.yield
    }) : () -> ()
    %mul3A_23 = arith.constant 640 : i32
    %mul3A_24 = arith.muli %arg1, %mul3A_23 : i32
    %add3A_25 = arith.constant 512 : i32
    %add3A_26 = arith.addi %mul3A_24, %add3A_25 : i32
    "tpu.region"() ({
      %run_scoped3A_99 = tpu.sem_alloc : memref<!tpu.dma_semaphore, #tpu.memory_space<semaphore_mem>>
      %dma_start3A_100 = arith.constant 0 : i32
      %dma_start3A_101 = tpu.memref_slice %arg10[%add3A_26, %dma_start3A_100] : memref<10240x128xf32, #tpu.memory_space<vmem_shared>> -> memref<128x128xf32, #tpu.memory_space<vmem_shared>>
      %dma_start3A_102 = arith.constant 0 : i32
      %dma_start3A_103 = tpu.memref_slice %arg10[%add3A_26, %dma_start3A_102] : memref<10240x128xf32, #tpu.memory_space<vmem_shared>> -> memref<128x128xf32, #tpu.memory_space<vmem_shared>>
      tpu.enqueue_dma source(%arg8 : memref<128x128xf32, #tpu.memory_space<vmem>>) target(%dma_start3A_103 : memref<128x128xf32, #tpu.memory_space<vmem_shared>>) target_semaphore(%run_scoped3A_99 : memref<!tpu.dma_semaphore, #tpu.memory_space<semaphore_mem>>)
      %dma_wait3A_104 = arith.constant 0 : i32
      %dma_wait3A_105 = tpu.memref_slice %arg10[%add3A_26, %dma_wait3A_104] : memref<10240x128xf32, #tpu.memory_space<vmem_shared>> -> memref<128x128xf32, #tpu.memory_space<vmem_shared>>
      %dma_wait3A_106 = arith.constant 0 : i32
      %dma_wait3A_107 = tpu.memref_slice %arg10[%add3A_26, %dma_wait3A_106] : memref<10240x128xf32, #tpu.memory_space<vmem_shared>> -> memref<128x128xf32, #tpu.memory_space<vmem_shared>>
      tpu.wait_dma2 semaphore(%run_scoped3A_99 : memref<!tpu.dma_semaphore, #tpu.memory_space<semaphore_mem>>) src(%arg8 : memref<128x128xf32, #tpu.memory_space<vmem>>) dst(%dma_wait3A_107 : memref<128x128xf32, #tpu.memory_space<vmem_shared>>)
      tpu.yield
    }) : () -> ()
    %barrier3A = arith.constant 0 : index
    tpu.barrier barrier_id(%barrier3A)
    "tpu.region"() ({
      %run_scoped3A_99 = tpu.sem_alloc : memref<!tpu.dma_semaphore, #tpu.memory_space<semaphore_mem>>
      %dma_start3A_100 = arith.constant 0 : i32
      %dma_start3A_101 = arith.constant 0 : i32
      %dma_start3A_102 = tpu.memref_slice %arg3[%add3A, %dma_start3A_100, %dma_start3A_101] : memref<32x80x128xi32, #tpu.memory_space<hbm>> -> memref<1x40x128xi32, #tpu.memory_space<hbm>>
      %dma_start3A_103 = tpu.memref_squeeze %dma_start3A_102 : memref<1x40x128xi32, #tpu.memory_space<hbm>> -> memref<40x128xi32, #tpu.memory_space<hbm>>
      %dma_start3A_104 = arith.constant 0 : i32
      %dma_start3A_105 = arith.constant 0 : i32
      %dma_start3A_106 = tpu.memref_slice %arg3[%add3A, %dma_start3A_104, %dma_start3A_105] : memref<32x80x128xi32, #tpu.memory_space<hbm>> -> memref<1x40x128xi32, #tpu.memory_space<hbm>>
      %dma_start3A_107 = tpu.memref_squeeze %dma_start3A_106 : memref<1x40x128xi32, #tpu.memory_space<hbm>> -> memref<40x128xi32, #tpu.memory_space<hbm>>
      tpu.enqueue_dma source(%dma_start3A_107 : memref<40x128xi32, #tpu.memory_space<hbm>>) target(%arg6 : memref<40x128xi32, #tpu.memory_space<vmem>>) target_semaphore(%run_scoped3A_99 : memref<!tpu.dma_semaphore, #tpu.memory_space<semaphore_mem>>)
      %dma_wait3A_108 = arith.constant 0 : i32
      %dma_wait3A_109 = arith.constant 0 : i32
      %dma_wait3A_110 = tpu.memref_slice %arg3[%add3A, %dma_wait3A_108, %dma_wait3A_109] : memref<32x80x128xi32, #tpu.memory_space<hbm>> -> memref<1x40x128xi32, #tpu.memory_space<hbm>>
      %dma_wait3A_111 = tpu.memref_squeeze %dma_wait3A_110 : memref<1x40x128xi32, #tpu.memory_space<hbm>> -> memref<40x128xi32, #tpu.memory_space<hbm>>
      %dma_wait3A_112 = arith.constant 0 : i32
      %dma_wait3A_113 = arith.constant 0 : i32
      %dma_wait3A_114 = tpu.memref_slice %arg3[%add3A, %dma_wait3A_112, %dma_wait3A_113] : memref<32x80x128xi32, #tpu.memory_space<hbm>> -> memref<1x40x128xi32, #tpu.memory_space<hbm>>
      %dma_wait3A_115 = tpu.memref_squeeze %dma_wait3A_114 : memref<1x40x128xi32, #tpu.memory_space<hbm>> -> memref<40x128xi32, #tpu.memory_space<hbm>>
      tpu.wait_dma2 semaphore(%run_scoped3A_99 : memref<!tpu.dma_semaphore, #tpu.memory_space<semaphore_mem>>) src(%dma_wait3A_115 : memref<40x128xi32, #tpu.memory_space<hbm>>) dst(%arg6 : memref<40x128xi32, #tpu.memory_space<vmem>>)
      tpu.yield
    }) : () -> ()
    "tpu.region"() ({
      %run_scoped3A_99 = tpu.sem_alloc : memref<!tpu.dma_semaphore, #tpu.memory_space<semaphore_mem>>
      %dma_start3A_100 = arith.constant 0 : i32
      %dma_start3A_101 = arith.constant 0 : i32
      %dma_start3A_102 = tpu.memref_slice %arg4[%add3A, %dma_start3A_100, %dma_start3A_101] : memref<32x80x128xi32, #tpu.memory_space<hbm>> -> memref<1x40x128xi32, #tpu.memory_space<hbm>>
      %dma_start3A_103 = tpu.memref_squeeze %dma_start3A_102 : memref<1x40x128xi32, #tpu.memory_space<hbm>> -> memref<40x128xi32, #tpu.memory_space<hbm>>
      %dma_start3A_104 = arith.constant 0 : i32
      %dma_start3A_105 = arith.constant 0 : i32
      %dma_start3A_106 = tpu.memref_slice %arg4[%add3A, %dma_start3A_104, %dma_start3A_105] : memref<32x80x128xi32, #tpu.memory_space<hbm>> -> memref<1x40x128xi32, #tpu.memory_space<hbm>>
      %dma_start3A_107 = tpu.memref_squeeze %dma_start3A_106 : memref<1x40x128xi32, #tpu.memory_space<hbm>> -> memref<40x128xi32, #tpu.memory_space<hbm>>
      tpu.enqueue_dma source(%dma_start3A_107 : memref<40x128xi32, #tpu.memory_space<hbm>>) target(%arg7 : memref<40x128xi32, #tpu.memory_space<vmem>>) target_semaphore(%run_scoped3A_99 : memref<!tpu.dma_semaphore, #tpu.memory_space<semaphore_mem>>)
      %dma_wait3A_108 = arith.constant 0 : i32
      %dma_wait3A_109 = arith.constant 0 : i32
      %dma_wait3A_110 = tpu.memref_slice %arg4[%add3A, %dma_wait3A_108, %dma_wait3A_109] : memref<32x80x128xi32, #tpu.memory_space<hbm>> -> memref<1x40x128xi32, #tpu.memory_space<hbm>>
      %dma_wait3A_111 = tpu.memref_squeeze %dma_wait3A_110 : memref<1x40x128xi32, #tpu.memory_space<hbm>> -> memref<40x128xi32, #tpu.memory_space<hbm>>
      %dma_wait3A_112 = arith.constant 0 : i32
      %dma_wait3A_113 = arith.constant 0 : i32
      %dma_wait3A_114 = tpu.memref_slice %arg4[%add3A, %dma_wait3A_112, %dma_wait3A_113] : memref<32x80x128xi32, #tpu.memory_space<hbm>> -> memref<1x40x128xi32, #tpu.memory_space<hbm>>
      %dma_wait3A_115 = tpu.memref_squeeze %dma_wait3A_114 : memref<1x40x128xi32, #tpu.memory_space<hbm>> -> memref<40x128xi32, #tpu.memory_space<hbm>>
      tpu.wait_dma2 semaphore(%run_scoped3A_99 : memref<!tpu.dma_semaphore, #tpu.memory_space<semaphore_mem>>) src(%dma_wait3A_115 : memref<40x128xi32, #tpu.memory_space<hbm>>) dst(%arg7 : memref<40x128xi32, #tpu.memory_space<vmem>>)
      tpu.yield
    }) : () -> ()
    %dma_start3A = arith.constant 0 : i32
    %dma_start3A_27 = arith.constant 0 : i32
    %dma_start3A_28 = tpu.memref_slice %arg6[%dma_start3A, %dma_start3A_27] : memref<40x128xi32, #tpu.memory_space<vmem>> -> memref<1x128xi32, #tpu.memory_space<vmem>>
    %dma_start3A_29 = tpu.memref_squeeze %dma_start3A_28 : memref<1x128xi32, #tpu.memory_space<vmem>> -> memref<128xi32, #tpu.memory_space<vmem>>
    %dma_start3A_30 = arith.constant 0 : i32
    %dma_start3A_31 = arith.constant 0 : i32
    %dma_start3A_32 = tpu.memref_slice %arg2[%dma_start3A_30, %dma_start3A_31] : memref<10000x128xf32, #tpu.memory_space<hbm>> -> memref<10000x128xf32, #tpu.memory_space<hbm>>
    tpu.enqueue_indirect_dma source(%dma_start3A_32 : memref<10000x128xf32, #tpu.memory_space<hbm>>) target(%arg8 : memref<128x128xf32, #tpu.memory_space<vmem>>) offsets(%dma_start3A_29 : memref<128xi32, #tpu.memory_space<vmem>>) semaphore(%arg11 : memref<!tpu.dma_semaphore, #tpu.memory_space<semaphore_mem>>)
    %dma_start3A_33 = arith.constant 1 : i32
    %dma_start3A_34 = arith.constant 0 : i32
    %dma_start3A_35 = tpu.memref_slice %arg6[%dma_start3A_33, %dma_start3A_34] : memref<40x128xi32, #tpu.memory_space<vmem>> -> memref<1x128xi32, #tpu.memory_space<vmem>>
    %dma_start3A_36 = tpu.memref_squeeze %dma_start3A_35 : memref<1x128xi32, #tpu.memory_space<vmem>> -> memref<128xi32, #tpu.memory_space<vmem>>
    %dma_start3A_37 = arith.constant 0 : i32
    %dma_start3A_38 = arith.constant 0 : i32
    %dma_start3A_39 = tpu.memref_slice %arg2[%dma_start3A_37, %dma_start3A_38] : memref<10000x128xf32, #tpu.memory_space<hbm>> -> memref<10000x128xf32, #tpu.memory_space<hbm>>
    tpu.enqueue_indirect_dma source(%dma_start3A_39 : memref<10000x128xf32, #tpu.memory_space<hbm>>) target(%arg9 : memref<128x128xf32, #tpu.memory_space<vmem>>) offsets(%dma_start3A_36 : memref<128xi32, #tpu.memory_space<vmem>>) semaphore(%arg12 : memref<!tpu.dma_semaphore, #tpu.memory_space<semaphore_mem>>)
    %scan3A_40 = arith.constant 0 : i32
    %scan3A_41 = arith.constant 0 : i32
    %scan3A_42 = arith.constant 19 : i32
    %scan3A_43 = arith.addi %scan3A_41, %scan3A_42 : i32
    %scan3A_44 = arith.constant 1 : i32
    %scan3A_45 = scf.for %scan3A_99 = %scan3A_41 to %scan3A_43 step %scan3A_44 iter_args(%scan3A_100 = %scan3A_40) -> (i32)  : i32 {
      %mul3A_101 = arith.constant 2 : i32
      %mul3A_102 = arith.muli %mul3A_101, %scan3A_99 : i32
      %dma_wait3A_103 = arith.constant 0 : i32
      %dma_wait3A_104 = arith.constant 0 : i32
      %dma_wait3A_105 = tpu.memref_slice %arg2[%dma_wait3A_103, %dma_wait3A_104] : memref<10000x128xf32, #tpu.memory_space<hbm>> -> memref<128x128xf32, #tpu.memory_space<hbm>>
      %dma_wait3A_106 = arith.constant 0 : i32
      %dma_wait3A_107 = arith.constant 0 : i32
      %dma_wait3A_108 = tpu.memref_slice %arg2[%dma_wait3A_106, %dma_wait3A_107] : memref<10000x128xf32, #tpu.memory_space<hbm>> -> memref<128x128xf32, #tpu.memory_space<hbm>>
      tpu.wait_dma2 semaphore(%arg11 : memref<!tpu.dma_semaphore, #tpu.memory_space<semaphore_mem>>) src(%dma_wait3A_108 : memref<128x128xf32, #tpu.memory_space<hbm>>) dst(%arg8 : memref<128x128xf32, #tpu.memory_space<vmem>>)
      "tpu.region"() ({
        %run_scoped3A_134 = tpu.sem_alloc : memref<!tpu.dma_semaphore, #tpu.memory_space<semaphore_mem>>
        %dma_start3A_135 = arith.constant 0 : i32
        %dma_start3A_136 = tpu.memref_slice %arg7[%mul3A_102, %dma_start3A_135] : memref<40x128xi32, #tpu.memory_space<vmem>> -> memref<1x128xi32, #tpu.memory_space<vmem>>
        %dma_start3A_137 = tpu.memref_squeeze %dma_start3A_136 : memref<1x128xi32, #tpu.memory_space<vmem>> -> memref<128xi32, #tpu.memory_space<vmem>>
        %dma_start3A_138 = arith.constant 0 : i32
        %dma_start3A_139 = arith.constant 0 : i32
        %dma_start3A_140 = tpu.memref_slice %arg10[%dma_start3A_138, %dma_start3A_139] : memref<10240x128xf32, #tpu.memory_space<vmem_shared>> -> memref<10240x128xf32, #tpu.memory_space<vmem_shared>>
        tpu.enqueue_indirect_dma source(%arg8 : memref<128x128xf32, #tpu.memory_space<vmem>>) target(%dma_start3A_140 : memref<10240x128xf32, #tpu.memory_space<vmem_shared>>) offsets(%dma_start3A_137 : memref<128xi32, #tpu.memory_space<vmem>>) semaphore(%run_scoped3A_134 : memref<!tpu.dma_semaphore, #tpu.memory_space<semaphore_mem>>) {add = true}
        %dma_wait3A_141 = arith.constant 0 : i32
        %dma_wait3A_142 = tpu.memref_slice %arg7[%mul3A_102, %dma_wait3A_141] : memref<40x128xi32, #tpu.memory_space<vmem>> -> memref<1x128xi32, #tpu.memory_space<vmem>>
        %dma_wait3A_143 = tpu.memref_squeeze %dma_wait3A_142 : memref<1x128xi32, #tpu.memory_space<vmem>> -> memref<128xi32, #tpu.memory_space<vmem>>
        %dma_wait3A_144 = arith.constant 0 : i32
        %dma_wait3A_145 = arith.constant 0 : i32
        %dma_wait3A_146 = tpu.memref_slice %arg10[%dma_wait3A_144, %dma_wait3A_145] : memref<10240x128xf32, #tpu.memory_space<vmem_shared>> -> memref<10240x128xf32, #tpu.memory_space<vmem_shared>>
        tpu.wait_indirect_dma semaphore(%run_scoped3A_134 : memref<!tpu.dma_semaphore, #tpu.memory_space<semaphore_mem>>) src(%arg8 : memref<128x128xf32, #tpu.memory_space<vmem>>) dst(%dma_wait3A_146 : memref<10240x128xf32, #tpu.memory_space<vmem_shared>>)
        tpu.yield
      }) : () -> ()
      %add3A_109 = arith.constant 2 : i32
      %add3A_110 = arith.addi %mul3A_102, %add3A_109 : i32
      %dma_start3A_111 = arith.constant 0 : i32
      %dma_start3A_112 = tpu.memref_slice %arg6[%add3A_110, %dma_start3A_111] : memref<40x128xi32, #tpu.memory_space<vmem>> -> memref<1x128xi32, #tpu.memory_space<vmem>>
      %dma_start3A_113 = tpu.memref_squeeze %dma_start3A_112 : memref<1x128xi32, #tpu.memory_space<vmem>> -> memref<128xi32, #tpu.memory_space<vmem>>
      %dma_start3A_114 = arith.constant 0 : i32
      %dma_start3A_115 = arith.constant 0 : i32
      %dma_start3A_116 = tpu.memref_slice %arg2[%dma_start3A_114, %dma_start3A_115] : memref<10000x128xf32, #tpu.memory_space<hbm>> -> memref<10000x128xf32, #tpu.memory_space<hbm>>
      tpu.enqueue_indirect_dma source(%dma_start3A_116 : memref<10000x128xf32, #tpu.memory_space<hbm>>) target(%arg8 : memref<128x128xf32, #tpu.memory_space<vmem>>) offsets(%dma_start3A_113 : memref<128xi32, #tpu.memory_space<vmem>>) semaphore(%arg11 : memref<!tpu.dma_semaphore, #tpu.memory_space<semaphore_mem>>)
      %dma_wait3A_117 = arith.constant 0 : i32
      %dma_wait3A_118 = arith.constant 0 : i32
      %dma_wait3A_119 = tpu.memref_slice %arg2[%dma_wait3A_117, %dma_wait3A_118] : memref<10000x128xf32, #tpu.memory_space<hbm>> -> memref<128x128xf32, #tpu.memory_space<hbm>>
      %dma_wait3A_120 = arith.constant 0 : i32
      %dma_wait3A_121 = arith.constant 0 : i32
      %dma_wait3A_122 = tpu.memref_slice %arg2[%dma_wait3A_120, %dma_wait3A_121] : memref<10000x128xf32, #tpu.memory_space<hbm>> -> memref<128x128xf32, #tpu.memory_space<hbm>>
      tpu.wait_dma2 semaphore(%arg12 : memref<!tpu.dma_semaphore, #tpu.memory_space<semaphore_mem>>) src(%dma_wait3A_122 : memref<128x128xf32, #tpu.memory_space<hbm>>) dst(%arg9 : memref<128x128xf32, #tpu.memory_space<vmem>>)
      %add3A_123 = arith.constant 1 : i32
      %add3A_124 = arith.addi %mul3A_102, %add3A_123 : i32
      "tpu.region"() ({
        %run_scoped3A_134 = tpu.sem_alloc : memref<!tpu.dma_semaphore, #tpu.memory_space<semaphore_mem>>
        %dma_start3A_135 = arith.constant 0 : i32
        %dma_start3A_136 = tpu.memref_slice %arg7[%add3A_124, %dma_start3A_135] : memref<40x128xi32, #tpu.memory_space<vmem>> -> memref<1x128xi32, #tpu.memory_space<vmem>>
        %dma_start3A_137 = tpu.memref_squeeze %dma_start3A_136 : memref<1x128xi32, #tpu.memory_space<vmem>> -> memref<128xi32, #tpu.memory_space<vmem>>
        %dma_start3A_138 = arith.constant 0 : i32
        %dma_start3A_139 = arith.constant 0 : i32
        %dma_start3A_140 = tpu.memref_slice %arg10[%dma_start3A_138, %dma_start3A_139] : memref<10240x128xf32, #tpu.memory_space<vmem_shared>> -> memref<10240x128xf32, #tpu.memory_space<vmem_shared>>
        tpu.enqueue_indirect_dma source(%arg9 : memref<128x128xf32, #tpu.memory_space<vmem>>) target(%dma_start3A_140 : memref<10240x128xf32, #tpu.memory_space<vmem_shared>>) offsets(%dma_start3A_137 : memref<128xi32, #tpu.memory_space<vmem>>) semaphore(%run_scoped3A_134 : memref<!tpu.dma_semaphore, #tpu.memory_space<semaphore_mem>>) {add = true}
        %dma_wait3A_141 = arith.constant 0 : i32
        %dma_wait3A_142 = tpu.memref_slice %arg7[%add3A_124, %dma_wait3A_141] : memref<40x128xi32, #tpu.memory_space<vmem>> -> memref<1x128xi32, #tpu.memory_space<vmem>>
        %dma_wait3A_143 = tpu.memref_squeeze %dma_wait3A_142 : memref<1x128xi32, #tpu.memory_space<vmem>> -> memref<128xi32, #tpu.memory_space<vmem>>
        %dma_wait3A_144 = arith.constant 0 : i32
        %dma_wait3A_145 = arith.constant 0 : i32
        %dma_wait3A_146 = tpu.memref_slice %arg10[%dma_wait3A_144, %dma_wait3A_145] : memref<10240x128xf32, #tpu.memory_space<vmem_shared>> -> memref<10240x128xf32, #tpu.memory_space<vmem_shared>>
        tpu.wait_indirect_dma semaphore(%run_scoped3A_134 : memref<!tpu.dma_semaphore, #tpu.memory_space<semaphore_mem>>) src(%arg9 : memref<128x128xf32, #tpu.memory_space<vmem>>) dst(%dma_wait3A_146 : memref<10240x128xf32, #tpu.memory_space<vmem_shared>>)
        tpu.yield
      }) : () -> ()
      %add3A_125 = arith.constant 3 : i32
      %add3A_126 = arith.addi %mul3A_102, %add3A_125 : i32
      %dma_start3A_127 = arith.constant 0 : i32
      %dma_start3A_128 = tpu.memref_slice %arg6[%add3A_126, %dma_start3A_127] : memref<40x128xi32, #tpu.memory_space<vmem>> -> memref<1x128xi32, #tpu.memory_space<vmem>>
      %dma_start3A_129 = tpu.memref_squeeze %dma_start3A_128 : memref<1x128xi32, #tpu.memory_space<vmem>> -> memref<128xi32, #tpu.memory_space<vmem>>
      %dma_start3A_130 = arith.constant 0 : i32
      %dma_start3A_131 = arith.constant 0 : i32
      %dma_start3A_132 = tpu.memref_slice %arg2[%dma_start3A_130, %dma_start3A_131] : memref<10000x128xf32, #tpu.memory_space<hbm>> -> memref<10000x128xf32, #tpu.memory_space<hbm>>
      tpu.enqueue_indirect_dma source(%dma_start3A_132 : memref<10000x128xf32, #tpu.memory_space<hbm>>) target(%arg9 : memref<128x128xf32, #tpu.memory_space<vmem>>) offsets(%dma_start3A_129 : memref<128xi32, #tpu.memory_space<vmem>>) semaphore(%arg12 : memref<!tpu.dma_semaphore, #tpu.memory_space<semaphore_mem>>)
      %scan3A_133 = arith.constant 0 : i32
      scf.yield %scan3A_133 : i32
    }
    %scan3A_46 = arith.constant 19 : i32
    %dma_wait3A = arith.constant 0 : i32
    %dma_wait3A_47 = arith.constant 0 : i32
    %dma_wait3A_48 = tpu.memref_slice %arg2[%dma_wait3A, %dma_wait3A_47] : memref<10000x128xf32, #tpu.memory_space<hbm>> -> memref<128x128xf32, #tpu.memory_space<hbm>>
    %dma_wait3A_49 = arith.constant 0 : i32
    %dma_wait3A_50 = arith.constant 0 : i32
    %dma_wait3A_51 = tpu.memref_slice %arg2[%dma_wait3A_49, %dma_wait3A_50] : memref<10000x128xf32, #tpu.memory_space<hbm>> -> memref<128x128xf32, #tpu.memory_space<hbm>>
    tpu.wait_dma2 semaphore(%arg11 : memref<!tpu.dma_semaphore, #tpu.memory_space<semaphore_mem>>) src(%dma_wait3A_51 : memref<128x128xf32, #tpu.memory_space<hbm>>) dst(%arg8 : memref<128x128xf32, #tpu.memory_space<vmem>>)
    %run_scoped3A = arith.constant 38 : i32
    "tpu.region"() ({
      %run_scoped3A_99 = tpu.sem_alloc : memref<!tpu.dma_semaphore, #tpu.memory_space<semaphore_mem>>
      %dma_start3A_100 = arith.constant 0 : i32
      %dma_start3A_101 = tpu.memref_slice %arg7[%run_scoped3A, %dma_start3A_100] : memref<40x128xi32, #tpu.memory_space<vmem>> -> memref<1x128xi32, #tpu.memory_space<vmem>>
      %dma_start3A_102 = tpu.memref_squeeze %dma_start3A_101 : memref<1x128xi32, #tpu.memory_space<vmem>> -> memref<128xi32, #tpu.memory_space<vmem>>
      %dma_start3A_103 = arith.constant 0 : i32
      %dma_start3A_104 = arith.constant 0 : i32
      %dma_start3A_105 = tpu.memref_slice %arg10[%dma_start3A_103, %dma_start3A_104] : memref<10240x128xf32, #tpu.memory_space<vmem_shared>> -> memref<10240x128xf32, #tpu.memory_space<vmem_shared>>
      tpu.enqueue_indirect_dma source(%arg8 : memref<128x128xf32, #tpu.memory_space<vmem>>) target(%dma_start3A_105 : memref<10240x128xf32, #tpu.memory_space<vmem_shared>>) offsets(%dma_start3A_102 : memref<128xi32, #tpu.memory_space<vmem>>) semaphore(%run_scoped3A_99 : memref<!tpu.dma_semaphore, #tpu.memory_space<semaphore_mem>>) {add = true}
      %dma_wait3A_106 = arith.constant 0 : i32
      %dma_wait3A_107 = tpu.memref_slice %arg7[%run_scoped3A, %dma_wait3A_106] : memref<40x128xi32, #tpu.memory_space<vmem>> -> memref<1x128xi32, #tpu.memory_space<vmem>>
      %dma_wait3A_108 = tpu.memref_squeeze %dma_wait3A_107 : memref<1x128xi32, #tpu.memory_space<vmem>> -> memref<128xi32, #tpu.memory_space<vmem>>
      %dma_wait3A_109 = arith.constant 0 : i32
      %dma_wait3A_110 = arith.constant 0 : i32
      %dma_wait3A_111 = tpu.memref_slice %arg10[%dma_wait3A_109, %dma_wait3A_110] : memref<10240x128xf32, #tpu.memory_space<vmem_shared>> -> memref<10240x128xf32, #tpu.memory_space<vmem_shared>>
      tpu.wait_indirect_dma semaphore(%run_scoped3A_99 : memref<!tpu.dma_semaphore, #tpu.memory_space<semaphore_mem>>) src(%arg8 : memref<128x128xf32, #tpu.memory_space<vmem>>) dst(%dma_wait3A_111 : memref<10240x128xf32, #tpu.memory_space<vmem_shared>>)
      tpu.yield
    }) : () -> ()
    %dma_wait3A_52 = arith.constant 0 : i32
    %dma_wait3A_53 = arith.constant 0 : i32
    %dma_wait3A_54 = tpu.memref_slice %arg2[%dma_wait3A_52, %dma_wait3A_53] : memref<10000x128xf32, #tpu.memory_space<hbm>> -> memref<128x128xf32, #tpu.memory_space<hbm>>
    %dma_wait3A_55 = arith.constant 0 : i32
    %dma_wait3A_56 = arith.constant 0 : i32
    %dma_wait3A_57 = tpu.memref_slice %arg2[%dma_wait3A_55, %dma_wait3A_56] : memref<10000x128xf32, #tpu.memory_space<hbm>> -> memref<128x128xf32, #tpu.memory_space<hbm>>
    tpu.wait_dma2 semaphore(%arg12 : memref<!tpu.dma_semaphore, #tpu.memory_space<semaphore_mem>>) src(%dma_wait3A_57 : memref<128x128xf32, #tpu.memory_space<hbm>>) dst(%arg9 : memref<128x128xf32, #tpu.memory_space<vmem>>)
    %run_scoped3A_58 = arith.constant 39 : i32
    "tpu.region"() ({
      %run_scoped3A_99 = tpu.sem_alloc : memref<!tpu.dma_semaphore, #tpu.memory_space<semaphore_mem>>
      %dma_start3A_100 = arith.constant 0 : i32
      %dma_start3A_101 = tpu.memref_slice %arg7[%run_scoped3A_58, %dma_start3A_100] : memref<40x128xi32, #tpu.memory_space<vmem>> -> memref<1x128xi32, #tpu.memory_space<vmem>>
      %dma_start3A_102 = tpu.memref_squeeze %dma_start3A_101 : memref<1x128xi32, #tpu.memory_space<vmem>> -> memref<128xi32, #tpu.memory_space<vmem>>
      %dma_start3A_103 = arith.constant 0 : i32
      %dma_start3A_104 = arith.constant 0 : i32
      %dma_start3A_105 = tpu.memref_slice %arg10[%dma_start3A_103, %dma_start3A_104] : memref<10240x128xf32, #tpu.memory_space<vmem_shared>> -> memref<10240x128xf32, #tpu.memory_space<vmem_shared>>
      tpu.enqueue_indirect_dma source(%arg9 : memref<128x128xf32, #tpu.memory_space<vmem>>) target(%dma_start3A_105 : memref<10240x128xf32, #tpu.memory_space<vmem_shared>>) offsets(%dma_start3A_102 : memref<128xi32, #tpu.memory_space<vmem>>) semaphore(%run_scoped3A_99 : memref<!tpu.dma_semaphore, #tpu.memory_space<semaphore_mem>>) {add = true}
      %dma_wait3A_106 = arith.constant 0 : i32
      %dma_wait3A_107 = tpu.memref_slice %arg7[%run_scoped3A_58, %dma_wait3A_106] : memref<40x128xi32, #tpu.memory_space<vmem>> -> memref<1x128xi32, #tpu.memory_space<vmem>>
      %dma_wait3A_108 = tpu.memref_squeeze %dma_wait3A_107 : memref<1x128xi32, #tpu.memory_space<vmem>> -> memref<128xi32, #tpu.memory_space<vmem>>
      %dma_wait3A_109 = arith.constant 0 : i32
      %dma_wait3A_110 = arith.constant 0 : i32
      %dma_wait3A_111 = tpu.memref_slice %arg10[%dma_wait3A_109, %dma_wait3A_110] : memref<10240x128xf32, #tpu.memory_space<vmem_shared>> -> memref<10240x128xf32, #tpu.memory_space<vmem_shared>>
      tpu.wait_indirect_dma semaphore(%run_scoped3A_99 : memref<!tpu.dma_semaphore, #tpu.memory_space<semaphore_mem>>) src(%arg9 : memref<128x128xf32, #tpu.memory_space<vmem>>) dst(%dma_wait3A_111 : memref<10240x128xf32, #tpu.memory_space<vmem_shared>>)
      tpu.yield
    }) : () -> ()
    "tpu.region"() ({
      %run_scoped3A_99 = tpu.sem_alloc : memref<!tpu.dma_semaphore, #tpu.memory_space<semaphore_mem>>
      %dma_start3A_100 = arith.constant 40 : i32
      %dma_start3A_101 = arith.constant 0 : i32
      %dma_start3A_102 = tpu.memref_slice %arg3[%add3A, %dma_start3A_100, %dma_start3A_101] : memref<32x80x128xi32, #tpu.memory_space<hbm>> -> memref<1x40x128xi32, #tpu.memory_space<hbm>>
      %dma_start3A_103 = tpu.memref_squeeze %dma_start3A_102 : memref<1x40x128xi32, #tpu.memory_space<hbm>> -> memref<40x128xi32, #tpu.memory_space<hbm>>
      %dma_start3A_104 = arith.constant 40 : i32
      %dma_start3A_105 = arith.constant 0 : i32
      %dma_start3A_106 = tpu.memref_slice %arg3[%add3A, %dma_start3A_104, %dma_start3A_105] : memref<32x80x128xi32, #tpu.memory_space<hbm>> -> memref<1x40x128xi32, #tpu.memory_space<hbm>>
      %dma_start3A_107 = tpu.memref_squeeze %dma_start3A_106 : memref<1x40x128xi32, #tpu.memory_space<hbm>> -> memref<40x128xi32, #tpu.memory_space<hbm>>
      tpu.enqueue_dma source(%dma_start3A_107 : memref<40x128xi32, #tpu.memory_space<hbm>>) target(%arg6 : memref<40x128xi32, #tpu.memory_space<vmem>>) target_semaphore(%run_scoped3A_99 : memref<!tpu.dma_semaphore, #tpu.memory_space<semaphore_mem>>)
      %dma_wait3A_108 = arith.constant 40 : i32
      %dma_wait3A_109 = arith.constant 0 : i32
      %dma_wait3A_110 = tpu.memref_slice %arg3[%add3A, %dma_wait3A_108, %dma_wait3A_109] : memref<32x80x128xi32, #tpu.memory_space<hbm>> -> memref<1x40x128xi32, #tpu.memory_space<hbm>>
      %dma_wait3A_111 = tpu.memref_squeeze %dma_wait3A_110 : memref<1x40x128xi32, #tpu.memory_space<hbm>> -> memref<40x128xi32, #tpu.memory_space<hbm>>
      %dma_wait3A_112 = arith.constant 40 : i32
      %dma_wait3A_113 = arith.constant 0 : i32
      %dma_wait3A_114 = tpu.memref_slice %arg3[%add3A, %dma_wait3A_112, %dma_wait3A_113] : memref<32x80x128xi32, #tpu.memory_space<hbm>> -> memref<1x40x128xi32, #tpu.memory_space<hbm>>
      %dma_wait3A_115 = tpu.memref_squeeze %dma_wait3A_114 : memref<1x40x128xi32, #tpu.memory_space<hbm>> -> memref<40x128xi32, #tpu.memory_space<hbm>>
      tpu.wait_dma2 semaphore(%run_scoped3A_99 : memref<!tpu.dma_semaphore, #tpu.memory_space<semaphore_mem>>) src(%dma_wait3A_115 : memref<40x128xi32, #tpu.memory_space<hbm>>) dst(%arg6 : memref<40x128xi32, #tpu.memory_space<vmem>>)
      tpu.yield
    }) : () -> ()
    "tpu.region"() ({
      %run_scoped3A_99 = tpu.sem_alloc : memref<!tpu.dma_semaphore, #tpu.memory_space<semaphore_mem>>
      %dma_start3A_100 = arith.constant 40 : i32
      %dma_start3A_101 = arith.constant 0 : i32
      %dma_start3A_102 = tpu.memref_slice %arg4[%add3A, %dma_start3A_100, %dma_start3A_101] : memref<32x80x128xi32, #tpu.memory_space<hbm>> -> memref<1x40x128xi32, #tpu.memory_space<hbm>>
      %dma_start3A_103 = tpu.memref_squeeze %dma_start3A_102 : memref<1x40x128xi32, #tpu.memory_space<hbm>> -> memref<40x128xi32, #tpu.memory_space<hbm>>
      %dma_start3A_104 = arith.constant 40 : i32
      %dma_start3A_105 = arith.constant 0 : i32
      %dma_start3A_106 = tpu.memref_slice %arg4[%add3A, %dma_start3A_104, %dma_start3A_105] : memref<32x80x128xi32, #tpu.memory_space<hbm>> -> memref<1x40x128xi32, #tpu.memory_space<hbm>>
      %dma_start3A_107 = tpu.memref_squeeze %dma_start3A_106 : memref<1x40x128xi32, #tpu.memory_space<hbm>> -> memref<40x128xi32, #tpu.memory_space<hbm>>
      tpu.enqueue_dma source(%dma_start3A_107 : memref<40x128xi32, #tpu.memory_space<hbm>>) target(%arg7 : memref<40x128xi32, #tpu.memory_space<vmem>>) target_semaphore(%run_scoped3A_99 : memref<!tpu.dma_semaphore, #tpu.memory_space<semaphore_mem>>)
      %dma_wait3A_108 = arith.constant 40 : i32
      %dma_wait3A_109 = arith.constant 0 : i32
      %dma_wait3A_110 = tpu.memref_slice %arg4[%add3A, %dma_wait3A_108, %dma_wait3A_109] : memref<32x80x128xi32, #tpu.memory_space<hbm>> -> memref<1x40x128xi32, #tpu.memory_space<hbm>>
      %dma_wait3A_111 = tpu.memref_squeeze %dma_wait3A_110 : memref<1x40x128xi32, #tpu.memory_space<hbm>> -> memref<40x128xi32, #tpu.memory_space<hbm>>
      %dma_wait3A_112 = arith.constant 40 : i32
      %dma_wait3A_113 = arith.constant 0 : i32
      %dma_wait3A_114 = tpu.memref_slice %arg4[%add3A, %dma_wait3A_112, %dma_wait3A_113] : memref<32x80x128xi32, #tpu.memory_space<hbm>> -> memref<1x40x128xi32, #tpu.memory_space<hbm>>
      %dma_wait3A_115 = tpu.memref_squeeze %dma_wait3A_114 : memref<1x40x128xi32, #tpu.memory_space<hbm>> -> memref<40x128xi32, #tpu.memory_space<hbm>>
      tpu.wait_dma2 semaphore(%run_scoped3A_99 : memref<!tpu.dma_semaphore, #tpu.memory_space<semaphore_mem>>) src(%dma_wait3A_115 : memref<40x128xi32, #tpu.memory_space<hbm>>) dst(%arg7 : memref<40x128xi32, #tpu.memory_space<vmem>>)
      tpu.yield
    }) : () -> ()
    %dma_start3A_59 = arith.constant 0 : i32
    %dma_start3A_60 = arith.constant 0 : i32
    %dma_start3A_61 = tpu.memref_slice %arg6[%dma_start3A_59, %dma_start3A_60] : memref<40x128xi32, #tpu.memory_space<vmem>> -> memref<1x128xi32, #tpu.memory_space<vmem>>
    %dma_start3A_62 = tpu.memref_squeeze %dma_start3A_61 : memref<1x128xi32, #tpu.memory_space<vmem>> -> memref<128xi32, #tpu.memory_space<vmem>>
    %dma_start3A_63 = arith.constant 0 : i32
    %dma_start3A_64 = arith.constant 0 : i32
    %dma_start3A_65 = tpu.memref_slice %arg2[%dma_start3A_63, %dma_start3A_64] : memref<10000x128xf32, #tpu.memory_space<hbm>> -> memref<10000x128xf32, #tpu.memory_space<hbm>>
    tpu.enqueue_indirect_dma source(%dma_start3A_65 : memref<10000x128xf32, #tpu.memory_space<hbm>>) target(%arg8 : memref<128x128xf32, #tpu.memory_space<vmem>>) offsets(%dma_start3A_62 : memref<128xi32, #tpu.memory_space<vmem>>) semaphore(%arg11 : memref<!tpu.dma_semaphore, #tpu.memory_space<semaphore_mem>>)
    %dma_start3A_66 = arith.constant 1 : i32
    %dma_start3A_67 = arith.constant 0 : i32
    %dma_start3A_68 = tpu.memref_slice %arg6[%dma_start3A_66, %dma_start3A_67] : memref<40x128xi32, #tpu.memory_space<vmem>> -> memref<1x128xi32, #tpu.memory_space<vmem>>
    %dma_start3A_69 = tpu.memref_squeeze %dma_start3A_68 : memref<1x128xi32, #tpu.memory_space<vmem>> -> memref<128xi32, #tpu.memory_space<vmem>>
    %dma_start3A_70 = arith.constant 0 : i32
    %dma_start3A_71 = arith.constant 0 : i32
    %dma_start3A_72 = tpu.memref_slice %arg2[%dma_start3A_70, %dma_start3A_71] : memref<10000x128xf32, #tpu.memory_space<hbm>> -> memref<10000x128xf32, #tpu.memory_space<hbm>>
    tpu.enqueue_indirect_dma source(%dma_start3A_72 : memref<10000x128xf32, #tpu.memory_space<hbm>>) target(%arg9 : memref<128x128xf32, #tpu.memory_space<vmem>>) offsets(%dma_start3A_69 : memref<128xi32, #tpu.memory_space<vmem>>) semaphore(%arg12 : memref<!tpu.dma_semaphore, #tpu.memory_space<semaphore_mem>>)
    %scan3A_73 = arith.constant 0 : i32
    %scan3A_74 = arith.constant 0 : i32
    %scan3A_75 = arith.constant 19 : i32
    %scan3A_76 = arith.addi %scan3A_74, %scan3A_75 : i32
    %scan3A_77 = arith.constant 1 : i32
    %scan3A_78 = scf.for %scan3A_99 = %scan3A_74 to %scan3A_76 step %scan3A_77 iter_args(%scan3A_100 = %scan3A_73) -> (i32)  : i32 {
      %mul3A_101 = arith.constant 2 : i32
      %mul3A_102 = arith.muli %mul3A_101, %scan3A_99 : i32
      %dma_wait3A_103 = arith.constant 0 : i32
      %dma_wait3A_104 = arith.constant 0 : i32
      %dma_wait3A_105 = tpu.memref_slice %arg2[%dma_wait3A_103, %dma_wait3A_104] : memref<10000x128xf32, #tpu.memory_space<hbm>> -> memref<128x128xf32, #tpu.memory_space<hbm>>
      %dma_wait3A_106 = arith.constant 0 : i32
      %dma_wait3A_107 = arith.constant 0 : i32
      %dma_wait3A_108 = tpu.memref_slice %arg2[%dma_wait3A_106, %dma_wait3A_107] : memref<10000x128xf32, #tpu.memory_space<hbm>> -> memref<128x128xf32, #tpu.memory_space<hbm>>
      tpu.wait_dma2 semaphore(%arg11 : memref<!tpu.dma_semaphore, #tpu.memory_space<semaphore_mem>>) src(%dma_wait3A_108 : memref<128x128xf32, #tpu.memory_space<hbm>>) dst(%arg8 : memref<128x128xf32, #tpu.memory_space<vmem>>)
      "tpu.region"() ({
        %run_scoped3A_134 = tpu.sem_alloc : memref<!tpu.dma_semaphore, #tpu.memory_space<semaphore_mem>>
        %dma_start3A_135 = arith.constant 0 : i32
        %dma_start3A_136 = tpu.memref_slice %arg7[%mul3A_102, %dma_start3A_135] : memref<40x128xi32, #tpu.memory_space<vmem>> -> memref<1x128xi32, #tpu.memory_space<vmem>>
        %dma_start3A_137 = tpu.memref_squeeze %dma_start3A_136 : memref<1x128xi32, #tpu.memory_space<vmem>> -> memref<128xi32, #tpu.memory_space<vmem>>
        %dma_start3A_138 = arith.constant 0 : i32
        %dma_start3A_139 = arith.constant 0 : i32
        %dma_start3A_140 = tpu.memref_slice %arg10[%dma_start3A_138, %dma_start3A_139] : memref<10240x128xf32, #tpu.memory_space<vmem_shared>> -> memref<10240x128xf32, #tpu.memory_space<vmem_shared>>
        tpu.enqueue_indirect_dma source(%arg8 : memref<128x128xf32, #tpu.memory_space<vmem>>) target(%dma_start3A_140 : memref<10240x128xf32, #tpu.memory_space<vmem_shared>>) offsets(%dma_start3A_137 : memref<128xi32, #tpu.memory_space<vmem>>) semaphore(%run_scoped3A_134 : memref<!tpu.dma_semaphore, #tpu.memory_space<semaphore_mem>>) {add = true}
        %dma_wait3A_141 = arith.constant 0 : i32
        %dma_wait3A_142 = tpu.memref_slice %arg7[%mul3A_102, %dma_wait3A_141] : memref<40x128xi32, #tpu.memory_space<vmem>> -> memref<1x128xi32, #tpu.memory_space<vmem>>
        %dma_wait3A_143 = tpu.memref_squeeze %dma_wait3A_142 : memref<1x128xi32, #tpu.memory_space<vmem>> -> memref<128xi32, #tpu.memory_space<vmem>>
        %dma_wait3A_144 = arith.constant 0 : i32
        %dma_wait3A_145 = arith.constant 0 : i32
        %dma_wait3A_146 = tpu.memref_slice %arg10[%dma_wait3A_144, %dma_wait3A_145] : memref<10240x128xf32, #tpu.memory_space<vmem_shared>> -> memref<10240x128xf32, #tpu.memory_space<vmem_shared>>
        tpu.wait_indirect_dma semaphore(%run_scoped3A_134 : memref<!tpu.dma_semaphore, #tpu.memory_space<semaphore_mem>>) src(%arg8 : memref<128x128xf32, #tpu.memory_space<vmem>>) dst(%dma_wait3A_146 : memref<10240x128xf32, #tpu.memory_space<vmem_shared>>)
        tpu.yield
      }) : () -> ()
      %add3A_109 = arith.constant 2 : i32
      %add3A_110 = arith.addi %mul3A_102, %add3A_109 : i32
      %dma_start3A_111 = arith.constant 0 : i32
      %dma_start3A_112 = tpu.memref_slice %arg6[%add3A_110, %dma_start3A_111] : memref<40x128xi32, #tpu.memory_space<vmem>> -> memref<1x128xi32, #tpu.memory_space<vmem>>
      %dma_start3A_113 = tpu.memref_squeeze %dma_start3A_112 : memref<1x128xi32, #tpu.memory_space<vmem>> -> memref<128xi32, #tpu.memory_space<vmem>>
      %dma_start3A_114 = arith.constant 0 : i32
      %dma_start3A_115 = arith.constant 0 : i32
      %dma_start3A_116 = tpu.memref_slice %arg2[%dma_start3A_114, %dma_start3A_115] : memref<10000x128xf32, #tpu.memory_space<hbm>> -> memref<10000x128xf32, #tpu.memory_space<hbm>>
      tpu.enqueue_indirect_dma source(%dma_start3A_116 : memref<10000x128xf32, #tpu.memory_space<hbm>>) target(%arg8 : memref<128x128xf32, #tpu.memory_space<vmem>>) offsets(%dma_start3A_113 : memref<128xi32, #tpu.memory_space<vmem>>) semaphore(%arg11 : memref<!tpu.dma_semaphore, #tpu.memory_space<semaphore_mem>>)
      %dma_wait3A_117 = arith.constant 0 : i32
      %dma_wait3A_118 = arith.constant 0 : i32
      %dma_wait3A_119 = tpu.memref_slice %arg2[%dma_wait3A_117, %dma_wait3A_118] : memref<10000x128xf32, #tpu.memory_space<hbm>> -> memref<128x128xf32, #tpu.memory_space<hbm>>
      %dma_wait3A_120 = arith.constant 0 : i32
      %dma_wait3A_121 = arith.constant 0 : i32
      %dma_wait3A_122 = tpu.memref_slice %arg2[%dma_wait3A_120, %dma_wait3A_121] : memref<10000x128xf32, #tpu.memory_space<hbm>> -> memref<128x128xf32, #tpu.memory_space<hbm>>
      tpu.wait_dma2 semaphore(%arg12 : memref<!tpu.dma_semaphore, #tpu.memory_space<semaphore_mem>>) src(%dma_wait3A_122 : memref<128x128xf32, #tpu.memory_space<hbm>>) dst(%arg9 : memref<128x128xf32, #tpu.memory_space<vmem>>)
      %add3A_123 = arith.constant 1 : i32
      %add3A_124 = arith.addi %mul3A_102, %add3A_123 : i32
      "tpu.region"() ({
        %run_scoped3A_134 = tpu.sem_alloc : memref<!tpu.dma_semaphore, #tpu.memory_space<semaphore_mem>>
        %dma_start3A_135 = arith.constant 0 : i32
        %dma_start3A_136 = tpu.memref_slice %arg7[%add3A_124, %dma_start3A_135] : memref<40x128xi32, #tpu.memory_space<vmem>> -> memref<1x128xi32, #tpu.memory_space<vmem>>
        %dma_start3A_137 = tpu.memref_squeeze %dma_start3A_136 : memref<1x128xi32, #tpu.memory_space<vmem>> -> memref<128xi32, #tpu.memory_space<vmem>>
        %dma_start3A_138 = arith.constant 0 : i32
        %dma_start3A_139 = arith.constant 0 : i32
        %dma_start3A_140 = tpu.memref_slice %arg10[%dma_start3A_138, %dma_start3A_139] : memref<10240x128xf32, #tpu.memory_space<vmem_shared>> -> memref<10240x128xf32, #tpu.memory_space<vmem_shared>>
        tpu.enqueue_indirect_dma source(%arg9 : memref<128x128xf32, #tpu.memory_space<vmem>>) target(%dma_start3A_140 : memref<10240x128xf32, #tpu.memory_space<vmem_shared>>) offsets(%dma_start3A_137 : memref<128xi32, #tpu.memory_space<vmem>>) semaphore(%run_scoped3A_134 : memref<!tpu.dma_semaphore, #tpu.memory_space<semaphore_mem>>) {add = true}
        %dma_wait3A_141 = arith.constant 0 : i32
        %dma_wait3A_142 = tpu.memref_slice %arg7[%add3A_124, %dma_wait3A_141] : memref<40x128xi32, #tpu.memory_space<vmem>> -> memref<1x128xi32, #tpu.memory_space<vmem>>
        %dma_wait3A_143 = tpu.memref_squeeze %dma_wait3A_142 : memref<1x128xi32, #tpu.memory_space<vmem>> -> memref<128xi32, #tpu.memory_space<vmem>>
        %dma_wait3A_144 = arith.constant 0 : i32
        %dma_wait3A_145 = arith.constant 0 : i32
        %dma_wait3A_146 = tpu.memref_slice %arg10[%dma_wait3A_144, %dma_wait3A_145] : memref<10240x128xf32, #tpu.memory_space<vmem_shared>> -> memref<10240x128xf32, #tpu.memory_space<vmem_shared>>
        tpu.wait_indirect_dma semaphore(%run_scoped3A_134 : memref<!tpu.dma_semaphore, #tpu.memory_space<semaphore_mem>>) src(%arg9 : memref<128x128xf32, #tpu.memory_space<vmem>>) dst(%dma_wait3A_146 : memref<10240x128xf32, #tpu.memory_space<vmem_shared>>)
        tpu.yield
      }) : () -> ()
      %add3A_125 = arith.constant 3 : i32
      %add3A_126 = arith.addi %mul3A_102, %add3A_125 : i32
      %dma_start3A_127 = arith.constant 0 : i32
      %dma_start3A_128 = tpu.memref_slice %arg6[%add3A_126, %dma_start3A_127] : memref<40x128xi32, #tpu.memory_space<vmem>> -> memref<1x128xi32, #tpu.memory_space<vmem>>
      %dma_start3A_129 = tpu.memref_squeeze %dma_start3A_128 : memref<1x128xi32, #tpu.memory_space<vmem>> -> memref<128xi32, #tpu.memory_space<vmem>>
      %dma_start3A_130 = arith.constant 0 : i32
      %dma_start3A_131 = arith.constant 0 : i32
      %dma_start3A_132 = tpu.memref_slice %arg2[%dma_start3A_130, %dma_start3A_131] : memref<10000x128xf32, #tpu.memory_space<hbm>> -> memref<10000x128xf32, #tpu.memory_space<hbm>>
      tpu.enqueue_indirect_dma source(%dma_start3A_132 : memref<10000x128xf32, #tpu.memory_space<hbm>>) target(%arg9 : memref<128x128xf32, #tpu.memory_space<vmem>>) offsets(%dma_start3A_129 : memref<128xi32, #tpu.memory_space<vmem>>) semaphore(%arg12 : memref<!tpu.dma_semaphore, #tpu.memory_space<semaphore_mem>>)
      %scan3A_133 = arith.constant 0 : i32
      scf.yield %scan3A_133 : i32
    }
    %scan3A_79 = arith.constant 19 : i32
    %dma_wait3A_80 = arith.constant 0 : i32
    %dma_wait3A_81 = arith.constant 0 : i32
    %dma_wait3A_82 = tpu.memref_slice %arg2[%dma_wait3A_80, %dma_wait3A_81] : memref<10000x128xf32, #tpu.memory_space<hbm>> -> memref<128x128xf32, #tpu.memory_space<hbm>>
    %dma_wait3A_83 = arith.constant 0 : i32
    %dma_wait3A_84 = arith.constant 0 : i32
    %dma_wait3A_85 = tpu.memref_slice %arg2[%dma_wait3A_83, %dma_wait3A_84] : memref<10000x128xf32, #tpu.memory_space<hbm>> -> memref<128x128xf32, #tpu.memory_space<hbm>>
    tpu.wait_dma2 semaphore(%arg11 : memref<!tpu.dma_semaphore, #tpu.memory_space<semaphore_mem>>) src(%dma_wait3A_85 : memref<128x128xf32, #tpu.memory_space<hbm>>) dst(%arg8 : memref<128x128xf32, #tpu.memory_space<vmem>>)
    %run_scoped3A_86 = arith.constant 38 : i32
    "tpu.region"() ({
      %run_scoped3A_99 = tpu.sem_alloc : memref<!tpu.dma_semaphore, #tpu.memory_space<semaphore_mem>>
      %dma_start3A_100 = arith.constant 0 : i32
      %dma_start3A_101 = tpu.memref_slice %arg7[%run_scoped3A_86, %dma_start3A_100] : memref<40x128xi32, #tpu.memory_space<vmem>> -> memref<1x128xi32, #tpu.memory_space<vmem>>
      %dma_start3A_102 = tpu.memref_squeeze %dma_start3A_101 : memref<1x128xi32, #tpu.memory_space<vmem>> -> memref<128xi32, #tpu.memory_space<vmem>>
      %dma_start3A_103 = arith.constant 0 : i32
      %dma_start3A_104 = arith.constant 0 : i32
      %dma_start3A_105 = tpu.memref_slice %arg10[%dma_start3A_103, %dma_start3A_104] : memref<10240x128xf32, #tpu.memory_space<vmem_shared>> -> memref<10240x128xf32, #tpu.memory_space<vmem_shared>>
      tpu.enqueue_indirect_dma source(%arg8 : memref<128x128xf32, #tpu.memory_space<vmem>>) target(%dma_start3A_105 : memref<10240x128xf32, #tpu.memory_space<vmem_shared>>) offsets(%dma_start3A_102 : memref<128xi32, #tpu.memory_space<vmem>>) semaphore(%run_scoped3A_99 : memref<!tpu.dma_semaphore, #tpu.memory_space<semaphore_mem>>) {add = true}
      %dma_wait3A_106 = arith.constant 0 : i32
      %dma_wait3A_107 = tpu.memref_slice %arg7[%run_scoped3A_86, %dma_wait3A_106] : memref<40x128xi32, #tpu.memory_space<vmem>> -> memref<1x128xi32, #tpu.memory_space<vmem>>
      %dma_wait3A_108 = tpu.memref_squeeze %dma_wait3A_107 : memref<1x128xi32, #tpu.memory_space<vmem>> -> memref<128xi32, #tpu.memory_space<vmem>>
      %dma_wait3A_109 = arith.constant 0 : i32
      %dma_wait3A_110 = arith.constant 0 : i32
      %dma_wait3A_111 = tpu.memref_slice %arg10[%dma_wait3A_109, %dma_wait3A_110] : memref<10240x128xf32, #tpu.memory_space<vmem_shared>> -> memref<10240x128xf32, #tpu.memory_space<vmem_shared>>
      tpu.wait_indirect_dma semaphore(%run_scoped3A_99 : memref<!tpu.dma_semaphore, #tpu.memory_space<semaphore_mem>>) src(%arg8 : memref<128x128xf32, #tpu.memory_space<vmem>>) dst(%dma_wait3A_111 : memref<10240x128xf32, #tpu.memory_space<vmem_shared>>)
      tpu.yield
    }) : () -> ()
    %dma_wait3A_87 = arith.constant 0 : i32
    %dma_wait3A_88 = arith.constant 0 : i32
    %dma_wait3A_89 = tpu.memref_slice %arg2[%dma_wait3A_87, %dma_wait3A_88] : memref<10000x128xf32, #tpu.memory_space<hbm>> -> memref<128x128xf32, #tpu.memory_space<hbm>>
    %dma_wait3A_90 = arith.constant 0 : i32
    %dma_wait3A_91 = arith.constant 0 : i32
    %dma_wait3A_92 = tpu.memref_slice %arg2[%dma_wait3A_90, %dma_wait3A_91] : memref<10000x128xf32, #tpu.memory_space<hbm>> -> memref<128x128xf32, #tpu.memory_space<hbm>>
    tpu.wait_dma2 semaphore(%arg12 : memref<!tpu.dma_semaphore, #tpu.memory_space<semaphore_mem>>) src(%dma_wait3A_92 : memref<128x128xf32, #tpu.memory_space<hbm>>) dst(%arg9 : memref<128x128xf32, #tpu.memory_space<vmem>>)
    %run_scoped3A_93 = arith.constant 39 : i32
    "tpu.region"() ({
      %run_scoped3A_99 = tpu.sem_alloc : memref<!tpu.dma_semaphore, #tpu.memory_space<semaphore_mem>>
      %dma_start3A_100 = arith.constant 0 : i32
      %dma_start3A_101 = tpu.memref_slice %arg7[%run_scoped3A_93, %dma_start3A_100] : memref<40x128xi32, #tpu.memory_space<vmem>> -> memref<1x128xi32, #tpu.memory_space<vmem>>
      %dma_start3A_102 = tpu.memref_squeeze %dma_start3A_101 : memref<1x128xi32, #tpu.memory_space<vmem>> -> memref<128xi32, #tpu.memory_space<vmem>>
      %dma_start3A_103 = arith.constant 0 : i32
      %dma_start3A_104 = arith.constant 0 : i32
      %dma_start3A_105 = tpu.memref_slice %arg10[%dma_start3A_103, %dma_start3A_104] : memref<10240x128xf32, #tpu.memory_space<vmem_shared>> -> memref<10240x128xf32, #tpu.memory_space<vmem_shared>>
      tpu.enqueue_indirect_dma source(%arg9 : memref<128x128xf32, #tpu.memory_space<vmem>>) target(%dma_start3A_105 : memref<10240x128xf32, #tpu.memory_space<vmem_shared>>) offsets(%dma_start3A_102 : memref<128xi32, #tpu.memory_space<vmem>>) semaphore(%run_scoped3A_99 : memref<!tpu.dma_semaphore, #tpu.memory_space<semaphore_mem>>) {add = true}
      %dma_wait3A_106 = arith.constant 0 : i32
      %dma_wait3A_107 = tpu.memref_slice %arg7[%run_scoped3A_93, %dma_wait3A_106] : memref<40x128xi32, #tpu.memory_space<vmem>> -> memref<1x128xi32, #tpu.memory_space<vmem>>
      %dma_wait3A_108 = tpu.memref_squeeze %dma_wait3A_107 : memref<1x128xi32, #tpu.memory_space<vmem>> -> memref<128xi32, #tpu.memory_space<vmem>>
      %dma_wait3A_109 = arith.constant 0 : i32
      %dma_wait3A_110 = arith.constant 0 : i32
      %dma_wait3A_111 = tpu.memref_slice %arg10[%dma_wait3A_109, %dma_wait3A_110] : memref<10240x128xf32, #tpu.memory_space<vmem_shared>> -> memref<10240x128xf32, #tpu.memory_space<vmem_shared>>
      tpu.wait_indirect_dma semaphore(%run_scoped3A_99 : memref<!tpu.dma_semaphore, #tpu.memory_space<semaphore_mem>>) src(%arg9 : memref<128x128xf32, #tpu.memory_space<vmem>>) dst(%dma_wait3A_111 : memref<10240x128xf32, #tpu.memory_space<vmem_shared>>)
      tpu.yield
    }) : () -> ()
    %barrier3A_94 = arith.constant 0 : index
    tpu.barrier barrier_id(%barrier3A_94)
    %mul3A_95 = arith.constant 640 : i32
    %mul3A_96 = arith.muli %arg1, %mul3A_95 : i32
    %mul3A_97 = arith.constant 640 : i32
    %mul3A_98 = arith.muli %arg1, %mul3A_97 : i32
    "tpu.region"() ({
      %run_scoped3A_99 = tpu.sem_alloc : memref<!tpu.dma_semaphore, #tpu.memory_space<semaphore_mem>>
      %dma_start3A_100 = arith.constant 0 : i32
      %dma_start3A_101 = tpu.memref_slice %arg5[%arg0, %mul3A_98, %dma_start3A_100] : memref<2x10240x128xf32, #tpu.memory_space<hbm>> -> memref<1x640x128xf32, #tpu.memory_space<hbm>>
      %dma_start3A_102 = tpu.memref_squeeze %dma_start3A_101 : memref<1x640x128xf32, #tpu.memory_space<hbm>> -> memref<640x128xf32, #tpu.memory_space<hbm>>
      %dma_start3A_103 = arith.constant 0 : i32
      %dma_start3A_104 = tpu.memref_slice %arg10[%mul3A_96, %dma_start3A_103] : memref<10240x128xf32, #tpu.memory_space<vmem_shared>> -> memref<640x128xf32, #tpu.memory_space<vmem_shared>>
      tpu.enqueue_dma source(%dma_start3A_104 : memref<640x128xf32, #tpu.memory_space<vmem_shared>>) target(%dma_start3A_102 : memref<640x128xf32, #tpu.memory_space<hbm>>) target_semaphore(%run_scoped3A_99 : memref<!tpu.dma_semaphore, #tpu.memory_space<semaphore_mem>>)
      %dma_wait3A_105 = arith.constant 0 : i32
      %dma_wait3A_106 = tpu.memref_slice %arg5[%arg0, %mul3A_98, %dma_wait3A_105] : memref<2x10240x128xf32, #tpu.memory_space<hbm>> -> memref<1x640x128xf32, #tpu.memory_space<hbm>>
      %dma_wait3A_107 = tpu.memref_squeeze %dma_wait3A_106 : memref<1x640x128xf32, #tpu.memory_space<hbm>> -> memref<640x128xf32, #tpu.memory_space<hbm>>
      %dma_wait3A_108 = arith.constant 0 : i32
      %dma_wait3A_109 = tpu.memref_slice %arg10[%mul3A_96, %dma_wait3A_108] : memref<10240x128xf32, #tpu.memory_space<vmem_shared>> -> memref<640x128xf32, #tpu.memory_space<vmem_shared>>
      tpu.wait_dma2 semaphore(%run_scoped3A_99 : memref<!tpu.dma_semaphore, #tpu.memory_space<semaphore_mem>>) src(%dma_wait3A_109 : memref<640x128xf32, #tpu.memory_space<vmem_shared>>) dst(%dma_wait3A_107 : memref<640x128xf32, #tpu.memory_space<hbm>>)
      tpu.yield
    }) : () -> ()
    return
  }
}

#map = affine_map<(d0, d1) -> (0, 0)>
#map1 = affine_map<(d0, d1) -> (0, 0, 0)>
module attributes {stable_mosaic.version = 14 : i64} {
  func.func @_aggregate_kernel(%arg0: i32, %arg1: i32, %arg2: memref<10000x128xf32, #tpu.memory_space<hbm>>, %arg3: memref<32x80x128xi32, #tpu.memory_space<hbm>>, %arg4: memref<32x80x128xi32, #tpu.memory_space<hbm>>, %arg5: memref<2x10240x128xf32, #tpu.memory_space<hbm>>, %arg6: memref<40x128xi32, #tpu.memory_space<vmem>>, %arg7: memref<40x128xi32, #tpu.memory_space<vmem>>, %arg8: memref<128x128xf32, #tpu.memory_space<vmem>>, %arg9: memref<128x128xf32, #tpu.memory_space<vmem>>, %arg10: memref<10240x128xf32, #tpu.memory_space<vmem_shared>>, %arg11: memref<!tpu.dma_semaphore, #tpu.memory_space<semaphore_mem>>, %arg12: memref<!tpu.dma_semaphore, #tpu.memory_space<semaphore_mem>>) attributes {dimension_semantics = [#tpu.dimension_semantics<core_parallel>, #tpu.dimension_semantics<subcore_parallel>], iteration_bounds = array<i64: 2, 16>, scalar_prefetch = 0 : i64, scratch_operands = 7 : i64, tpu.core_type = #tpu.core_type<sc_vector_subcore>, window_params = [{transform_indices = #map}, {transform_indices = #map1}, {transform_indices = #map1}, {transform_indices = #map1}]} {
    %mul3A = arith.constant 2 : i32
    %mul3A_0 = arith.muli %arg1, %mul3A : i32
    %add3A = arith.addi %mul3A_0, %arg0 : i32
    %scan3A = arith.constant 0 : i32
    %scan3A_1 = arith.constant 0 : i32
    %scan3A_2 = arith.constant 1024 : i32
    %scan3A_3 = arith.addi %scan3A_1, %scan3A_2 : i32
    %scan3A_4 = arith.constant 1 : i32
    %scan3A_5 = scf.for %scan3A_99 = %scan3A_1 to %scan3A_3 step %scan3A_4 iter_args(%scan3A_100 = %scan3A) -> (i32)  : i32 {
      %jit3A = arith.constant 8 : i32
      %div3A = arith.divsi %scan3A_99, %jit3A : i32
      %sign3A = arith.constant 0 : i32
      %sign3A_101 = arith.cmpi sgt, %scan3A_99, %sign3A : i32
      %sign3A_102 = arith.extui %sign3A_101 : i1 to i32
      %sign3A_103 = arith.constant 0 : i32
      %sign3A_104 = arith.cmpi slt, %scan3A_99, %sign3A_103 : i32
      %sign3A_105 = arith.extui %sign3A_104 : i1 to i32
      %sign3A_106 = arith.subi %sign3A_102, %sign3A_105 : i32
      %sign3A_107 = arith.constant 0 : i32
      %sign3A_108 = arith.cmpi sgt, %jit3A, %sign3A_107 : i32
      %sign3A_109 = arith.extui %sign3A_108 : i1 to i32
      %sign3A_110 = arith.constant 0 : i32
      %sign3A_111 = arith.cmpi slt, %jit3A, %sign3A_110 : i32
      %sign3A_112 = arith.extui %sign3A_111 : i1 to i32
      %sign3A_113 = arith.subi %sign3A_109, %sign3A_112 : i32
      %ne3A = arith.cmpi ne, %sign3A_106, %sign3A_113 : i32
      %rem3A = arith.remsi %scan3A_99, %jit3A : i32
      %ne3A_114 = arith.constant 0 : i32
      %ne3A_115 = arith.cmpi ne, %rem3A, %ne3A_114 : i32
      %and3A = arith.andi %ne3A, %ne3A_115 : i1
      %sub3A = arith.constant 1 : i32
      %sub3A_116 = arith.subi %div3A, %sub3A : i32
      %select_n3A = arith.select %and3A, %sub3A_116, %div3A : i32
      %jit3A_117 = arith.constant 8 : i32
      %eq3A = arith.constant 0 : i32
      %eq3A_118 = arith.cmpi eq, %jit3A_117, %eq3A : i32
      %jit3A_119 = arith.constant 1 : i32
      %select_n3A_120 = arith.select %eq3A_118, %jit3A_119, %jit3A_117 : i32
      %rem3A_121 = arith.remsi %scan3A_99, %select_n3A_120 : i32
      %ne3A_122 = arith.constant 0 : i32
      %ne3A_123 = arith.cmpi ne, %rem3A_121, %ne3A_122 : i32
      %lt3A = arith.constant 0 : i32
      %lt3A_124 = arith.cmpi slt, %rem3A_121, %lt3A : i32
      %lt3A_125 = arith.constant 0 : i32
      %lt3A_126 = arith.cmpi slt, %select_n3A_120, %lt3A_125 : i32
      %ne3A_127 = arith.xori %lt3A_124, %lt3A_126 : i1
      %and3A_128 = arith.andi %ne3A_127, %ne3A_123 : i1
      %add3A_129 = arith.addi %rem3A_121, %select_n3A_120 : i32
      %select_n3A_130 = arith.select %and3A_128, %add3A_129, %rem3A_121 : i32
      %mul3A_131 = arith.constant 16 : i32
      %mul3A_132 = arith.muli %select_n3A_130, %mul3A_131 : i32
      %broadcast_in_dim3A = arith.constant 0.000000e+00 : f32
      %broadcast_in_dim3A_133 = vector.broadcast %broadcast_in_dim3A : f32 to vector<16xf32>
      %swap3A = arith.index_cast %select_n3A : i32 to index
      %swap3A_134 = arith.index_cast %mul3A_132 : i32 to index
      %swap3A_135 = tpu.vector_load %arg8[%swap3A, %swap3A_134] {strides = array<i32>} : memref<128x128xf32, #tpu.memory_space<vmem>>, vector<1x16xf32>,
      %swap3A_136 = vector.shape_cast %swap3A_135 : vector<1x16xf32> to vector<16xf32>
      %swap3A_137 = vector.shape_cast %broadcast_in_dim3A_133 : vector<16xf32> to vector<1x16xf32>
      tpu.vector_store %arg8[%swap3A, %swap3A_134], %swap3A_137 {strides = array<i32>} : memref<128x128xf32, #tpu.memory_space<vmem>>, vector<1x16xf32>,
      %scan3A_138 = arith.constant 0 : i32
      scf.yield %scan3A_138 : i32
    }
    %scan3A_6 = arith.constant 1024 : i32
    %mul3A_7 = arith.constant 640 : i32
    %mul3A_8 = arith.muli %arg1, %mul3A_7 : i32
    %add3A_9 = arith.constant 0 : i32
    %add3A_10 = arith.addi %mul3A_8, %add3A_9 : i32
    "tpu.region"() ({
      %run_scoped3A_99 = tpu.sem_alloc : memref<!tpu.dma_semaphore, #tpu.memory_space<semaphore_mem>>
      %dma_start3A_100 = arith.constant 0 : i32
      %dma_start3A_101 = tpu.memref_slice %arg10[%add3A_10, %dma_start3A_100] : memref<10240x128xf32, #tpu.memory_space<vmem_shared>> -> memref<128x128xf32, #tpu.memory_space<vmem_shared>>
      %dma_start3A_102 = arith.constant 0 : i32
      %dma_start3A_103 = tpu.memref_slice %arg10[%add3A_10, %dma_start3A_102] : memref<10240x128xf32, #tpu.memory_space<vmem_shared>> -> memref<128x128xf32, #tpu.memory_space<vmem_shared>>
      tpu.enqueue_dma source(%arg8 : memref<128x128xf32, #tpu.memory_space<vmem>>) target(%dma_start3A_103 : memref<128x128xf32, #tpu.memory_space<vmem_shared>>) target_semaphore(%run_scoped3A_99 : memref<!tpu.dma_semaphore, #tpu.memory_space<semaphore_mem>>)
      %dma_wait3A_104 = arith.constant 0 : i32
      %dma_wait3A_105 = tpu.memref_slice %arg10[%add3A_10, %dma_wait3A_104] : memref<10240x128xf32, #tpu.memory_space<vmem_shared>> -> memref<128x128xf32, #tpu.memory_space<vmem_shared>>
      %dma_wait3A_106 = arith.constant 0 : i32
      %dma_wait3A_107 = tpu.memref_slice %arg10[%add3A_10, %dma_wait3A_106] : memref<10240x128xf32, #tpu.memory_space<vmem_shared>> -> memref<128x128xf32, #tpu.memory_space<vmem_shared>>
      tpu.wait_dma2 semaphore(%run_scoped3A_99 : memref<!tpu.dma_semaphore, #tpu.memory_space<semaphore_mem>>) src(%arg8 : memref<128x128xf32, #tpu.memory_space<vmem>>) dst(%dma_wait3A_107 : memref<128x128xf32, #tpu.memory_space<vmem_shared>>)
      tpu.yield
    }) : () -> ()
    %mul3A_11 = arith.constant 640 : i32
    %mul3A_12 = arith.muli %arg1, %mul3A_11 : i32
    %add3A_13 = arith.constant 128 : i32
    %add3A_14 = arith.addi %mul3A_12, %add3A_13 : i32
    "tpu.region"() ({
      %run_scoped3A_99 = tpu.sem_alloc : memref<!tpu.dma_semaphore, #tpu.memory_space<semaphore_mem>>
      %dma_start3A_100 = arith.constant 0 : i32
      %dma_start3A_101 = tpu.memref_slice %arg10[%add3A_14, %dma_start3A_100] : memref<10240x128xf32, #tpu.memory_space<vmem_shared>> -> memref<128x128xf32, #tpu.memory_space<vmem_shared>>
      %dma_start3A_102 = arith.constant 0 : i32
      %dma_start3A_103 = tpu.memref_slice %arg10[%add3A_14, %dma_start3A_102] : memref<10240x128xf32, #tpu.memory_space<vmem_shared>> -> memref<128x128xf32, #tpu.memory_space<vmem_shared>>
      tpu.enqueue_dma source(%arg8 : memref<128x128xf32, #tpu.memory_space<vmem>>) target(%dma_start3A_103 : memref<128x128xf32, #tpu.memory_space<vmem_shared>>) target_semaphore(%run_scoped3A_99 : memref<!tpu.dma_semaphore, #tpu.memory_space<semaphore_mem>>)
      %dma_wait3A_104 = arith.constant 0 : i32
      %dma_wait3A_105 = tpu.memref_slice %arg10[%add3A_14, %dma_wait3A_104] : memref<10240x128xf32, #tpu.memory_space<vmem_shared>> -> memref<128x128xf32, #tpu.memory_space<vmem_shared>>
      %dma_wait3A_106 = arith.constant 0 : i32
      %dma_wait3A_107 = tpu.memref_slice %arg10[%add3A_14, %dma_wait3A_106] : memref<10240x128xf32, #tpu.memory_space<vmem_shared>> -> memref<128x128xf32, #tpu.memory_space<vmem_shared>>
      tpu.wait_dma2 semaphore(%run_scoped3A_99 : memref<!tpu.dma_semaphore, #tpu.memory_space<semaphore_mem>>) src(%arg8 : memref<128x128xf32, #tpu.memory_space<vmem>>) dst(%dma_wait3A_107 : memref<128x128xf32, #tpu.memory_space<vmem_shared>>)
      tpu.yield
    }) : () -> ()
    %mul3A_15 = arith.constant 640 : i32
    %mul3A_16 = arith.muli %arg1, %mul3A_15 : i32
    %add3A_17 = arith.constant 256 : i32
    %add3A_18 = arith.addi %mul3A_16, %add3A_17 : i32
    "tpu.region"() ({
      %run_scoped3A_99 = tpu.sem_alloc : memref<!tpu.dma_semaphore, #tpu.memory_space<semaphore_mem>>
      %dma_start3A_100 = arith.constant 0 : i32
      %dma_start3A_101 = tpu.memref_slice %arg10[%add3A_18, %dma_start3A_100] : memref<10240x128xf32, #tpu.memory_space<vmem_shared>> -> memref<128x128xf32, #tpu.memory_space<vmem_shared>>
      %dma_start3A_102 = arith.constant 0 : i32
      %dma_start3A_103 = tpu.memref_slice %arg10[%add3A_18, %dma_start3A_102] : memref<10240x128xf32, #tpu.memory_space<vmem_shared>> -> memref<128x128xf32, #tpu.memory_space<vmem_shared>>
      tpu.enqueue_dma source(%arg8 : memref<128x128xf32, #tpu.memory_space<vmem>>) target(%dma_start3A_103 : memref<128x128xf32, #tpu.memory_space<vmem_shared>>) target_semaphore(%run_scoped3A_99 : memref<!tpu.dma_semaphore, #tpu.memory_space<semaphore_mem>>)
      %dma_wait3A_104 = arith.constant 0 : i32
      %dma_wait3A_105 = tpu.memref_slice %arg10[%add3A_18, %dma_wait3A_104] : memref<10240x128xf32, #tpu.memory_space<vmem_shared>> -> memref<128x128xf32, #tpu.memory_space<vmem_shared>>
      %dma_wait3A_106 = arith.constant 0 : i32
      %dma_wait3A_107 = tpu.memref_slice %arg10[%add3A_18, %dma_wait3A_106] : memref<10240x128xf32, #tpu.memory_space<vmem_shared>> -> memref<128x128xf32, #tpu.memory_space<vmem_shared>>
      tpu.wait_dma2 semaphore(%run_scoped3A_99 : memref<!tpu.dma_semaphore, #tpu.memory_space<semaphore_mem>>) src(%arg8 : memref<128x128xf32, #tpu.memory_space<vmem>>) dst(%dma_wait3A_107 : memref<128x128xf32, #tpu.memory_space<vmem_shared>>)
      tpu.yield
    }) : () -> ()
    %mul3A_19 = arith.constant 640 : i32
    %mul3A_20 = arith.muli %arg1, %mul3A_19 : i32
    %add3A_21 = arith.constant 384 : i32
    %add3A_22 = arith.addi %mul3A_20, %add3A_21 : i32
    "tpu.region"() ({
      %run_scoped3A_99 = tpu.sem_alloc : memref<!tpu.dma_semaphore, #tpu.memory_space<semaphore_mem>>
      %dma_start3A_100 = arith.constant 0 : i32
      %dma_start3A_101 = tpu.memref_slice %arg10[%add3A_22, %dma_start3A_100] : memref<10240x128xf32, #tpu.memory_space<vmem_shared>> -> memref<128x128xf32, #tpu.memory_space<vmem_shared>>
      %dma_start3A_102 = arith.constant 0 : i32
      %dma_start3A_103 = tpu.memref_slice %arg10[%add3A_22, %dma_start3A_102] : memref<10240x128xf32, #tpu.memory_space<vmem_shared>> -> memref<128x128xf32, #tpu.memory_space<vmem_shared>>
      tpu.enqueue_dma source(%arg8 : memref<128x128xf32, #tpu.memory_space<vmem>>) target(%dma_start3A_103 : memref<128x128xf32, #tpu.memory_space<vmem_shared>>) target_semaphore(%run_scoped3A_99 : memref<!tpu.dma_semaphore, #tpu.memory_space<semaphore_mem>>)
      %dma_wait3A_104 = arith.constant 0 : i32
      %dma_wait3A_105 = tpu.memref_slice %arg10[%add3A_22, %dma_wait3A_104] : memref<10240x128xf32, #tpu.memory_space<vmem_shared>> -> memref<128x128xf32, #tpu.memory_space<vmem_shared>>
      %dma_wait3A_106 = arith.constant 0 : i32
      %dma_wait3A_107 = tpu.memref_slice %arg10[%add3A_22, %dma_wait3A_106] : memref<10240x128xf32, #tpu.memory_space<vmem_shared>> -> memref<128x128xf32, #tpu.memory_space<vmem_shared>>
      tpu.wait_dma2 semaphore(%run_scoped3A_99 : memref<!tpu.dma_semaphore, #tpu.memory_space<semaphore_mem>>) src(%arg8 : memref<128x128xf32, #tpu.memory_space<vmem>>) dst(%dma_wait3A_107 : memref<128x128xf32, #tpu.memory_space<vmem_shared>>)
      tpu.yield
    }) : () -> ()
    %mul3A_23 = arith.constant 640 : i32
    %mul3A_24 = arith.muli %arg1, %mul3A_23 : i32
    %add3A_25 = arith.constant 512 : i32
    %add3A_26 = arith.addi %mul3A_24, %add3A_25 : i32
    "tpu.region"() ({
      %run_scoped3A_99 = tpu.sem_alloc : memref<!tpu.dma_semaphore, #tpu.memory_space<semaphore_mem>>
      %dma_start3A_100 = arith.constant 0 : i32
      %dma_start3A_101 = tpu.memref_slice %arg10[%add3A_26, %dma_start3A_100] : memref<10240x128xf32, #tpu.memory_space<vmem_shared>> -> memref<128x128xf32, #tpu.memory_space<vmem_shared>>
      %dma_start3A_102 = arith.constant 0 : i32
      %dma_start3A_103 = tpu.memref_slice %arg10[%add3A_26, %dma_start3A_102] : memref<10240x128xf32, #tpu.memory_space<vmem_shared>> -> memref<128x128xf32, #tpu.memory_space<vmem_shared>>
      tpu.enqueue_dma source(%arg8 : memref<128x128xf32, #tpu.memory_space<vmem>>) target(%dma_start3A_103 : memref<128x128xf32, #tpu.memory_space<vmem_shared>>) target_semaphore(%run_scoped3A_99 : memref<!tpu.dma_semaphore, #tpu.memory_space<semaphore_mem>>)
      %dma_wait3A_104 = arith.constant 0 : i32
      %dma_wait3A_105 = tpu.memref_slice %arg10[%add3A_26, %dma_wait3A_104] : memref<10240x128xf32, #tpu.memory_space<vmem_shared>> -> memref<128x128xf32, #tpu.memory_space<vmem_shared>>
      %dma_wait3A_106 = arith.constant 0 : i32
      %dma_wait3A_107 = tpu.memref_slice %arg10[%add3A_26, %dma_wait3A_106] : memref<10240x128xf32, #tpu.memory_space<vmem_shared>> -> memref<128x128xf32, #tpu.memory_space<vmem_shared>>
      tpu.wait_dma2 semaphore(%run_scoped3A_99 : memref<!tpu.dma_semaphore, #tpu.memory_space<semaphore_mem>>) src(%arg8 : memref<128x128xf32, #tpu.memory_space<vmem>>) dst(%dma_wait3A_107 : memref<128x128xf32, #tpu.memory_space<vmem_shared>>)
      tpu.yield
    }) : () -> ()
    %barrier3A = arith.constant 0 : index
    tpu.barrier barrier_id(%barrier3A)
    "tpu.region"() ({
      %run_scoped3A_99 = tpu.sem_alloc : memref<!tpu.dma_semaphore, #tpu.memory_space<semaphore_mem>>
      %dma_start3A_100 = arith.constant 0 : i32
      %dma_start3A_101 = arith.constant 0 : i32
      %dma_start3A_102 = tpu.memref_slice %arg3[%add3A, %dma_start3A_100, %dma_start3A_101] : memref<32x80x128xi32, #tpu.memory_space<hbm>> -> memref<1x40x128xi32, #tpu.memory_space<hbm>>
      %dma_start3A_103 = tpu.memref_squeeze %dma_start3A_102 : memref<1x40x128xi32, #tpu.memory_space<hbm>> -> memref<40x128xi32, #tpu.memory_space<hbm>>
      %dma_start3A_104 = arith.constant 0 : i32
      %dma_start3A_105 = arith.constant 0 : i32
      %dma_start3A_106 = tpu.memref_slice %arg3[%add3A, %dma_start3A_104, %dma_start3A_105] : memref<32x80x128xi32, #tpu.memory_space<hbm>> -> memref<1x40x128xi32, #tpu.memory_space<hbm>>
      %dma_start3A_107 = tpu.memref_squeeze %dma_start3A_106 : memref<1x40x128xi32, #tpu.memory_space<hbm>> -> memref<40x128xi32, #tpu.memory_space<hbm>>
      tpu.enqueue_dma source(%dma_start3A_107 : memref<40x128xi32, #tpu.memory_space<hbm>>) target(%arg6 : memref<40x128xi32, #tpu.memory_space<vmem>>) target_semaphore(%run_scoped3A_99 : memref<!tpu.dma_semaphore, #tpu.memory_space<semaphore_mem>>)
      %dma_wait3A_108 = arith.constant 0 : i32
      %dma_wait3A_109 = arith.constant 0 : i32
      %dma_wait3A_110 = tpu.memref_slice %arg3[%add3A, %dma_wait3A_108, %dma_wait3A_109] : memref<32x80x128xi32, #tpu.memory_space<hbm>> -> memref<1x40x128xi32, #tpu.memory_space<hbm>>
      %dma_wait3A_111 = tpu.memref_squeeze %dma_wait3A_110 : memref<1x40x128xi32, #tpu.memory_space<hbm>> -> memref<40x128xi32, #tpu.memory_space<hbm>>
      %dma_wait3A_112 = arith.constant 0 : i32
      %dma_wait3A_113 = arith.constant 0 : i32
      %dma_wait3A_114 = tpu.memref_slice %arg3[%add3A, %dma_wait3A_112, %dma_wait3A_113] : memref<32x80x128xi32, #tpu.memory_space<hbm>> -> memref<1x40x128xi32, #tpu.memory_space<hbm>>
      %dma_wait3A_115 = tpu.memref_squeeze %dma_wait3A_114 : memref<1x40x128xi32, #tpu.memory_space<hbm>> -> memref<40x128xi32, #tpu.memory_space<hbm>>
      tpu.wait_dma2 semaphore(%run_scoped3A_99 : memref<!tpu.dma_semaphore, #tpu.memory_space<semaphore_mem>>) src(%dma_wait3A_115 : memref<40x128xi32, #tpu.memory_space<hbm>>) dst(%arg6 : memref<40x128xi32, #tpu.memory_space<vmem>>)
      tpu.yield
    }) : () -> ()
    "tpu.region"() ({
      %run_scoped3A_99 = tpu.sem_alloc : memref<!tpu.dma_semaphore, #tpu.memory_space<semaphore_mem>>
      %dma_start3A_100 = arith.constant 0 : i32
      %dma_start3A_101 = arith.constant 0 : i32
      %dma_start3A_102 = tpu.memref_slice %arg4[%add3A, %dma_start3A_100, %dma_start3A_101] : memref<32x80x128xi32, #tpu.memory_space<hbm>> -> memref<1x40x128xi32, #tpu.memory_space<hbm>>
      %dma_start3A_103 = tpu.memref_squeeze %dma_start3A_102 : memref<1x40x128xi32, #tpu.memory_space<hbm>> -> memref<40x128xi32, #tpu.memory_space<hbm>>
      %dma_start3A_104 = arith.constant 0 : i32
      %dma_start3A_105 = arith.constant 0 : i32
      %dma_start3A_106 = tpu.memref_slice %arg4[%add3A, %dma_start3A_104, %dma_start3A_105] : memref<32x80x128xi32, #tpu.memory_space<hbm>> -> memref<1x40x128xi32, #tpu.memory_space<hbm>>
      %dma_start3A_107 = tpu.memref_squeeze %dma_start3A_106 : memref<1x40x128xi32, #tpu.memory_space<hbm>> -> memref<40x128xi32, #tpu.memory_space<hbm>>
      tpu.enqueue_dma source(%dma_start3A_107 : memref<40x128xi32, #tpu.memory_space<hbm>>) target(%arg7 : memref<40x128xi32, #tpu.memory_space<vmem>>) target_semaphore(%run_scoped3A_99 : memref<!tpu.dma_semaphore, #tpu.memory_space<semaphore_mem>>)
      %dma_wait3A_108 = arith.constant 0 : i32
      %dma_wait3A_109 = arith.constant 0 : i32
      %dma_wait3A_110 = tpu.memref_slice %arg4[%add3A, %dma_wait3A_108, %dma_wait3A_109] : memref<32x80x128xi32, #tpu.memory_space<hbm>> -> memref<1x40x128xi32, #tpu.memory_space<hbm>>
      %dma_wait3A_111 = tpu.memref_squeeze %dma_wait3A_110 : memref<1x40x128xi32, #tpu.memory_space<hbm>> -> memref<40x128xi32, #tpu.memory_space<hbm>>
      %dma_wait3A_112 = arith.constant 0 : i32
      %dma_wait3A_113 = arith.constant 0 : i32
      %dma_wait3A_114 = tpu.memref_slice %arg4[%add3A, %dma_wait3A_112, %dma_wait3A_113] : memref<32x80x128xi32, #tpu.memory_space<hbm>> -> memref<1x40x128xi32, #tpu.memory_space<hbm>>
      %dma_wait3A_115 = tpu.memref_squeeze %dma_wait3A_114 : memref<1x40x128xi32, #tpu.memory_space<hbm>> -> memref<40x128xi32, #tpu.memory_space<hbm>>
      tpu.wait_dma2 semaphore(%run_scoped3A_99 : memref<!tpu.dma_semaphore, #tpu.memory_space<semaphore_mem>>) src(%dma_wait3A_115 : memref<40x128xi32, #tpu.memory_space<hbm>>) dst(%arg7 : memref<40x128xi32, #tpu.memory_space<vmem>>)
      tpu.yield
    }) : () -> ()
    %dma_start3A = arith.constant 0 : i32
    %dma_start3A_27 = arith.constant 0 : i32
    %dma_start3A_28 = tpu.memref_slice %arg6[%dma_start3A, %dma_start3A_27] : memref<40x128xi32, #tpu.memory_space<vmem>> -> memref<1x128xi32, #tpu.memory_space<vmem>>
    %dma_start3A_29 = tpu.memref_squeeze %dma_start3A_28 : memref<1x128xi32, #tpu.memory_space<vmem>> -> memref<128xi32, #tpu.memory_space<vmem>>
    %dma_start3A_30 = arith.constant 0 : i32
    %dma_start3A_31 = arith.constant 0 : i32
    %dma_start3A_32 = tpu.memref_slice %arg2[%dma_start3A_30, %dma_start3A_31] : memref<10000x128xf32, #tpu.memory_space<hbm>> -> memref<10000x128xf32, #tpu.memory_space<hbm>>
    tpu.enqueue_indirect_dma source(%dma_start3A_32 : memref<10000x128xf32, #tpu.memory_space<hbm>>) target(%arg8 : memref<128x128xf32, #tpu.memory_space<vmem>>) offsets(%dma_start3A_29 : memref<128xi32, #tpu.memory_space<vmem>>) semaphore(%arg11 : memref<!tpu.dma_semaphore, #tpu.memory_space<semaphore_mem>>)
    %dma_start3A_33 = arith.constant 1 : i32
    %dma_start3A_34 = arith.constant 0 : i32
    %dma_start3A_35 = tpu.memref_slice %arg6[%dma_start3A_33, %dma_start3A_34] : memref<40x128xi32, #tpu.memory_space<vmem>> -> memref<1x128xi32, #tpu.memory_space<vmem>>
    %dma_start3A_36 = tpu.memref_squeeze %dma_start3A_35 : memref<1x128xi32, #tpu.memory_space<vmem>> -> memref<128xi32, #tpu.memory_space<vmem>>
    %dma_start3A_37 = arith.constant 0 : i32
    %dma_start3A_38 = arith.constant 0 : i32
    %dma_start3A_39 = tpu.memref_slice %arg2[%dma_start3A_37, %dma_start3A_38] : memref<10000x128xf32, #tpu.memory_space<hbm>> -> memref<10000x128xf32, #tpu.memory_space<hbm>>
    tpu.enqueue_indirect_dma source(%dma_start3A_39 : memref<10000x128xf32, #tpu.memory_space<hbm>>) target(%arg9 : memref<128x128xf32, #tpu.memory_space<vmem>>) offsets(%dma_start3A_36 : memref<128xi32, #tpu.memory_space<vmem>>) semaphore(%arg12 : memref<!tpu.dma_semaphore, #tpu.memory_space<semaphore_mem>>)
    %scan3A_40 = arith.constant 0 : i32
    %scan3A_41 = arith.constant 0 : i32
    %scan3A_42 = arith.constant 19 : i32
    %scan3A_43 = arith.addi %scan3A_41, %scan3A_42 : i32
    %scan3A_44 = arith.constant 1 : i32
    %scan3A_45 = scf.for %scan3A_99 = %scan3A_41 to %scan3A_43 step %scan3A_44 iter_args(%scan3A_100 = %scan3A_40) -> (i32)  : i32 {
      %mul3A_101 = arith.constant 2 : i32
      %mul3A_102 = arith.muli %mul3A_101, %scan3A_99 : i32
      %dma_wait3A_103 = arith.constant 0 : i32
      %dma_wait3A_104 = arith.constant 0 : i32
      %dma_wait3A_105 = tpu.memref_slice %arg2[%dma_wait3A_103, %dma_wait3A_104] : memref<10000x128xf32, #tpu.memory_space<hbm>> -> memref<128x128xf32, #tpu.memory_space<hbm>>
      %dma_wait3A_106 = arith.constant 0 : i32
      %dma_wait3A_107 = arith.constant 0 : i32
      %dma_wait3A_108 = tpu.memref_slice %arg2[%dma_wait3A_106, %dma_wait3A_107] : memref<10000x128xf32, #tpu.memory_space<hbm>> -> memref<128x128xf32, #tpu.memory_space<hbm>>
      tpu.wait_dma2 semaphore(%arg11 : memref<!tpu.dma_semaphore, #tpu.memory_space<semaphore_mem>>) src(%dma_wait3A_108 : memref<128x128xf32, #tpu.memory_space<hbm>>) dst(%arg8 : memref<128x128xf32, #tpu.memory_space<vmem>>)
      "tpu.region"() ({
        %run_scoped3A_134 = tpu.sem_alloc : memref<!tpu.dma_semaphore, #tpu.memory_space<semaphore_mem>>
        %dma_start3A_135 = arith.constant 0 : i32
        %dma_start3A_136 = tpu.memref_slice %arg7[%mul3A_102, %dma_start3A_135] : memref<40x128xi32, #tpu.memory_space<vmem>> -> memref<1x128xi32, #tpu.memory_space<vmem>>
        %dma_start3A_137 = tpu.memref_squeeze %dma_start3A_136 : memref<1x128xi32, #tpu.memory_space<vmem>> -> memref<128xi32, #tpu.memory_space<vmem>>
        %dma_start3A_138 = arith.constant 0 : i32
        %dma_start3A_139 = arith.constant 0 : i32
        %dma_start3A_140 = tpu.memref_slice %arg10[%dma_start3A_138, %dma_start3A_139] : memref<10240x128xf32, #tpu.memory_space<vmem_shared>> -> memref<10240x128xf32, #tpu.memory_space<vmem_shared>>
        tpu.enqueue_indirect_dma source(%arg8 : memref<128x128xf32, #tpu.memory_space<vmem>>) target(%dma_start3A_140 : memref<10240x128xf32, #tpu.memory_space<vmem_shared>>) offsets(%dma_start3A_137 : memref<128xi32, #tpu.memory_space<vmem>>) semaphore(%run_scoped3A_134 : memref<!tpu.dma_semaphore, #tpu.memory_space<semaphore_mem>>) {add = true}
        %dma_wait3A_141 = arith.constant 0 : i32
        %dma_wait3A_142 = tpu.memref_slice %arg7[%mul3A_102, %dma_wait3A_141] : memref<40x128xi32, #tpu.memory_space<vmem>> -> memref<1x128xi32, #tpu.memory_space<vmem>>
        %dma_wait3A_143 = tpu.memref_squeeze %dma_wait3A_142 : memref<1x128xi32, #tpu.memory_space<vmem>> -> memref<128xi32, #tpu.memory_space<vmem>>
        %dma_wait3A_144 = arith.constant 0 : i32
        %dma_wait3A_145 = arith.constant 0 : i32
        %dma_wait3A_146 = tpu.memref_slice %arg10[%dma_wait3A_144, %dma_wait3A_145] : memref<10240x128xf32, #tpu.memory_space<vmem_shared>> -> memref<10240x128xf32, #tpu.memory_space<vmem_shared>>
        tpu.wait_indirect_dma semaphore(%run_scoped3A_134 : memref<!tpu.dma_semaphore, #tpu.memory_space<semaphore_mem>>) src(%arg8 : memref<128x128xf32, #tpu.memory_space<vmem>>) dst(%dma_wait3A_146 : memref<10240x128xf32, #tpu.memory_space<vmem_shared>>)
        tpu.yield
      }) : () -> ()
      %add3A_109 = arith.constant 2 : i32
      %add3A_110 = arith.addi %mul3A_102, %add3A_109 : i32
      %dma_start3A_111 = arith.constant 0 : i32
      %dma_start3A_112 = tpu.memref_slice %arg6[%add3A_110, %dma_start3A_111] : memref<40x128xi32, #tpu.memory_space<vmem>> -> memref<1x128xi32, #tpu.memory_space<vmem>>
      %dma_start3A_113 = tpu.memref_squeeze %dma_start3A_112 : memref<1x128xi32, #tpu.memory_space<vmem>> -> memref<128xi32, #tpu.memory_space<vmem>>
      %dma_start3A_114 = arith.constant 0 : i32
      %dma_start3A_115 = arith.constant 0 : i32
      %dma_start3A_116 = tpu.memref_slice %arg2[%dma_start3A_114, %dma_start3A_115] : memref<10000x128xf32, #tpu.memory_space<hbm>> -> memref<10000x128xf32, #tpu.memory_space<hbm>>
      tpu.enqueue_indirect_dma source(%dma_start3A_116 : memref<10000x128xf32, #tpu.memory_space<hbm>>) target(%arg8 : memref<128x128xf32, #tpu.memory_space<vmem>>) offsets(%dma_start3A_113 : memref<128xi32, #tpu.memory_space<vmem>>) semaphore(%arg11 : memref<!tpu.dma_semaphore, #tpu.memory_space<semaphore_mem>>)
      %dma_wait3A_117 = arith.constant 0 : i32
      %dma_wait3A_118 = arith.constant 0 : i32
      %dma_wait3A_119 = tpu.memref_slice %arg2[%dma_wait3A_117, %dma_wait3A_118] : memref<10000x128xf32, #tpu.memory_space<hbm>> -> memref<128x128xf32, #tpu.memory_space<hbm>>
      %dma_wait3A_120 = arith.constant 0 : i32
      %dma_wait3A_121 = arith.constant 0 : i32
      %dma_wait3A_122 = tpu.memref_slice %arg2[%dma_wait3A_120, %dma_wait3A_121] : memref<10000x128xf32, #tpu.memory_space<hbm>> -> memref<128x128xf32, #tpu.memory_space<hbm>>
      tpu.wait_dma2 semaphore(%arg12 : memref<!tpu.dma_semaphore, #tpu.memory_space<semaphore_mem>>) src(%dma_wait3A_122 : memref<128x128xf32, #tpu.memory_space<hbm>>) dst(%arg9 : memref<128x128xf32, #tpu.memory_space<vmem>>)
      %add3A_123 = arith.constant 1 : i32
      %add3A_124 = arith.addi %mul3A_102, %add3A_123 : i32
      "tpu.region"() ({
        %run_scoped3A_134 = tpu.sem_alloc : memref<!tpu.dma_semaphore, #tpu.memory_space<semaphore_mem>>
        %dma_start3A_135 = arith.constant 0 : i32
        %dma_start3A_136 = tpu.memref_slice %arg7[%add3A_124, %dma_start3A_135] : memref<40x128xi32, #tpu.memory_space<vmem>> -> memref<1x128xi32, #tpu.memory_space<vmem>>
        %dma_start3A_137 = tpu.memref_squeeze %dma_start3A_136 : memref<1x128xi32, #tpu.memory_space<vmem>> -> memref<128xi32, #tpu.memory_space<vmem>>
        %dma_start3A_138 = arith.constant 0 : i32
        %dma_start3A_139 = arith.constant 0 : i32
        %dma_start3A_140 = tpu.memref_slice %arg10[%dma_start3A_138, %dma_start3A_139] : memref<10240x128xf32, #tpu.memory_space<vmem_shared>> -> memref<10240x128xf32, #tpu.memory_space<vmem_shared>>
        tpu.enqueue_indirect_dma source(%arg9 : memref<128x128xf32, #tpu.memory_space<vmem>>) target(%dma_start3A_140 : memref<10240x128xf32, #tpu.memory_space<vmem_shared>>) offsets(%dma_start3A_137 : memref<128xi32, #tpu.memory_space<vmem>>) semaphore(%run_scoped3A_134 : memref<!tpu.dma_semaphore, #tpu.memory_space<semaphore_mem>>) {add = true}
        %dma_wait3A_141 = arith.constant 0 : i32
        %dma_wait3A_142 = tpu.memref_slice %arg7[%add3A_124, %dma_wait3A_141] : memref<40x128xi32, #tpu.memory_space<vmem>> -> memref<1x128xi32, #tpu.memory_space<vmem>>
        %dma_wait3A_143 = tpu.memref_squeeze %dma_wait3A_142 : memref<1x128xi32, #tpu.memory_space<vmem>> -> memref<128xi32, #tpu.memory_space<vmem>>
        %dma_wait3A_144 = arith.constant 0 : i32
        %dma_wait3A_145 = arith.constant 0 : i32
        %dma_wait3A_146 = tpu.memref_slice %arg10[%dma_wait3A_144, %dma_wait3A_145] : memref<10240x128xf32, #tpu.memory_space<vmem_shared>> -> memref<10240x128xf32, #tpu.memory_space<vmem_shared>>
        tpu.wait_indirect_dma semaphore(%run_scoped3A_134 : memref<!tpu.dma_semaphore, #tpu.memory_space<semaphore_mem>>) src(%arg9 : memref<128x128xf32, #tpu.memory_space<vmem>>) dst(%dma_wait3A_146 : memref<10240x128xf32, #tpu.memory_space<vmem_shared>>)
        tpu.yield
      }) : () -> ()
      %add3A_125 = arith.constant 3 : i32
      %add3A_126 = arith.addi %mul3A_102, %add3A_125 : i32
      %dma_start3A_127 = arith.constant 0 : i32
      %dma_start3A_128 = tpu.memref_slice %arg6[%add3A_126, %dma_start3A_127] : memref<40x128xi32, #tpu.memory_space<vmem>> -> memref<1x128xi32, #tpu.memory_space<vmem>>
      %dma_start3A_129 = tpu.memref_squeeze %dma_start3A_128 : memref<1x128xi32, #tpu.memory_space<vmem>> -> memref<128xi32, #tpu.memory_space<vmem>>
      %dma_start3A_130 = arith.constant 0 : i32
      %dma_start3A_131 = arith.constant 0 : i32
      %dma_start3A_132 = tpu.memref_slice %arg2[%dma_start3A_130, %dma_start3A_131] : memref<10000x128xf32, #tpu.memory_space<hbm>> -> memref<10000x128xf32, #tpu.memory_space<hbm>>
      tpu.enqueue_indirect_dma source(%dma_start3A_132 : memref<10000x128xf32, #tpu.memory_space<hbm>>) target(%arg9 : memref<128x128xf32, #tpu.memory_space<vmem>>) offsets(%dma_start3A_129 : memref<128xi32, #tpu.memory_space<vmem>>) semaphore(%arg12 : memref<!tpu.dma_semaphore, #tpu.memory_space<semaphore_mem>>)
      %scan3A_133 = arith.constant 0 : i32
      scf.yield %scan3A_133 : i32
    }
    %scan3A_46 = arith.constant 19 : i32
    %dma_wait3A = arith.constant 0 : i32
    %dma_wait3A_47 = arith.constant 0 : i32
    %dma_wait3A_48 = tpu.memref_slice %arg2[%dma_wait3A, %dma_wait3A_47] : memref<10000x128xf32, #tpu.memory_space<hbm>> -> memref<128x128xf32, #tpu.memory_space<hbm>>
    %dma_wait3A_49 = arith.constant 0 : i32
    %dma_wait3A_50 = arith.constant 0 : i32
    %dma_wait3A_51 = tpu.memref_slice %arg2[%dma_wait3A_49, %dma_wait3A_50] : memref<10000x128xf32, #tpu.memory_space<hbm>> -> memref<128x128xf32, #tpu.memory_space<hbm>>
    tpu.wait_dma2 semaphore(%arg11 : memref<!tpu.dma_semaphore, #tpu.memory_space<semaphore_mem>>) src(%dma_wait3A_51 : memref<128x128xf32, #tpu.memory_space<hbm>>) dst(%arg8 : memref<128x128xf32, #tpu.memory_space<vmem>>)
    %run_scoped3A = arith.constant 38 : i32
    "tpu.region"() ({
      %run_scoped3A_99 = tpu.sem_alloc : memref<!tpu.dma_semaphore, #tpu.memory_space<semaphore_mem>>
      %dma_start3A_100 = arith.constant 0 : i32
      %dma_start3A_101 = tpu.memref_slice %arg7[%run_scoped3A, %dma_start3A_100] : memref<40x128xi32, #tpu.memory_space<vmem>> -> memref<1x128xi32, #tpu.memory_space<vmem>>
      %dma_start3A_102 = tpu.memref_squeeze %dma_start3A_101 : memref<1x128xi32, #tpu.memory_space<vmem>> -> memref<128xi32, #tpu.memory_space<vmem>>
      %dma_start3A_103 = arith.constant 0 : i32
      %dma_start3A_104 = arith.constant 0 : i32
      %dma_start3A_105 = tpu.memref_slice %arg10[%dma_start3A_103, %dma_start3A_104] : memref<10240x128xf32, #tpu.memory_space<vmem_shared>> -> memref<10240x128xf32, #tpu.memory_space<vmem_shared>>
      tpu.enqueue_indirect_dma source(%arg8 : memref<128x128xf32, #tpu.memory_space<vmem>>) target(%dma_start3A_105 : memref<10240x128xf32, #tpu.memory_space<vmem_shared>>) offsets(%dma_start3A_102 : memref<128xi32, #tpu.memory_space<vmem>>) semaphore(%run_scoped3A_99 : memref<!tpu.dma_semaphore, #tpu.memory_space<semaphore_mem>>) {add = true}
      %dma_wait3A_106 = arith.constant 0 : i32
      %dma_wait3A_107 = tpu.memref_slice %arg7[%run_scoped3A, %dma_wait3A_106] : memref<40x128xi32, #tpu.memory_space<vmem>> -> memref<1x128xi32, #tpu.memory_space<vmem>>
      %dma_wait3A_108 = tpu.memref_squeeze %dma_wait3A_107 : memref<1x128xi32, #tpu.memory_space<vmem>> -> memref<128xi32, #tpu.memory_space<vmem>>
      %dma_wait3A_109 = arith.constant 0 : i32
      %dma_wait3A_110 = arith.constant 0 : i32
      %dma_wait3A_111 = tpu.memref_slice %arg10[%dma_wait3A_109, %dma_wait3A_110] : memref<10240x128xf32, #tpu.memory_space<vmem_shared>> -> memref<10240x128xf32, #tpu.memory_space<vmem_shared>>
      tpu.wait_indirect_dma semaphore(%run_scoped3A_99 : memref<!tpu.dma_semaphore, #tpu.memory_space<semaphore_mem>>) src(%arg8 : memref<128x128xf32, #tpu.memory_space<vmem>>) dst(%dma_wait3A_111 : memref<10240x128xf32, #tpu.memory_space<vmem_shared>>)
      tpu.yield
    }) : () -> ()
    %dma_wait3A_52 = arith.constant 0 : i32
    %dma_wait3A_53 = arith.constant 0 : i32
    %dma_wait3A_54 = tpu.memref_slice %arg2[%dma_wait3A_52, %dma_wait3A_53] : memref<10000x128xf32, #tpu.memory_space<hbm>> -> memref<128x128xf32, #tpu.memory_space<hbm>>
    %dma_wait3A_55 = arith.constant 0 : i32
    %dma_wait3A_56 = arith.constant 0 : i32
    %dma_wait3A_57 = tpu.memref_slice %arg2[%dma_wait3A_55, %dma_wait3A_56] : memref<10000x128xf32, #tpu.memory_space<hbm>> -> memref<128x128xf32, #tpu.memory_space<hbm>>
    tpu.wait_dma2 semaphore(%arg12 : memref<!tpu.dma_semaphore, #tpu.memory_space<semaphore_mem>>) src(%dma_wait3A_57 : memref<128x128xf32, #tpu.memory_space<hbm>>) dst(%arg9 : memref<128x128xf32, #tpu.memory_space<vmem>>)
    %run_scoped3A_58 = arith.constant 39 : i32
    "tpu.region"() ({
      %run_scoped3A_99 = tpu.sem_alloc : memref<!tpu.dma_semaphore, #tpu.memory_space<semaphore_mem>>
      %dma_start3A_100 = arith.constant 0 : i32
      %dma_start3A_101 = tpu.memref_slice %arg7[%run_scoped3A_58, %dma_start3A_100] : memref<40x128xi32, #tpu.memory_space<vmem>> -> memref<1x128xi32, #tpu.memory_space<vmem>>
      %dma_start3A_102 = tpu.memref_squeeze %dma_start3A_101 : memref<1x128xi32, #tpu.memory_space<vmem>> -> memref<128xi32, #tpu.memory_space<vmem>>
      %dma_start3A_103 = arith.constant 0 : i32
      %dma_start3A_104 = arith.constant 0 : i32
      %dma_start3A_105 = tpu.memref_slice %arg10[%dma_start3A_103, %dma_start3A_104] : memref<10240x128xf32, #tpu.memory_space<vmem_shared>> -> memref<10240x128xf32, #tpu.memory_space<vmem_shared>>
      tpu.enqueue_indirect_dma source(%arg9 : memref<128x128xf32, #tpu.memory_space<vmem>>) target(%dma_start3A_105 : memref<10240x128xf32, #tpu.memory_space<vmem_shared>>) offsets(%dma_start3A_102 : memref<128xi32, #tpu.memory_space<vmem>>) semaphore(%run_scoped3A_99 : memref<!tpu.dma_semaphore, #tpu.memory_space<semaphore_mem>>) {add = true}
      %dma_wait3A_106 = arith.constant 0 : i32
      %dma_wait3A_107 = tpu.memref_slice %arg7[%run_scoped3A_58, %dma_wait3A_106] : memref<40x128xi32, #tpu.memory_space<vmem>> -> memref<1x128xi32, #tpu.memory_space<vmem>>
      %dma_wait3A_108 = tpu.memref_squeeze %dma_wait3A_107 : memref<1x128xi32, #tpu.memory_space<vmem>> -> memref<128xi32, #tpu.memory_space<vmem>>
      %dma_wait3A_109 = arith.constant 0 : i32
      %dma_wait3A_110 = arith.constant 0 : i32
      %dma_wait3A_111 = tpu.memref_slice %arg10[%dma_wait3A_109, %dma_wait3A_110] : memref<10240x128xf32, #tpu.memory_space<vmem_shared>> -> memref<10240x128xf32, #tpu.memory_space<vmem_shared>>
      tpu.wait_indirect_dma semaphore(%run_scoped3A_99 : memref<!tpu.dma_semaphore, #tpu.memory_space<semaphore_mem>>) src(%arg9 : memref<128x128xf32, #tpu.memory_space<vmem>>) dst(%dma_wait3A_111 : memref<10240x128xf32, #tpu.memory_space<vmem_shared>>)
      tpu.yield
    }) : () -> ()
    "tpu.region"() ({
      %run_scoped3A_99 = tpu.sem_alloc : memref<!tpu.dma_semaphore, #tpu.memory_space<semaphore_mem>>
      %dma_start3A_100 = arith.constant 40 : i32
      %dma_start3A_101 = arith.constant 0 : i32
      %dma_start3A_102 = tpu.memref_slice %arg3[%add3A, %dma_start3A_100, %dma_start3A_101] : memref<32x80x128xi32, #tpu.memory_space<hbm>> -> memref<1x40x128xi32, #tpu.memory_space<hbm>>
      %dma_start3A_103 = tpu.memref_squeeze %dma_start3A_102 : memref<1x40x128xi32, #tpu.memory_space<hbm>> -> memref<40x128xi32, #tpu.memory_space<hbm>>
      %dma_start3A_104 = arith.constant 40 : i32
      %dma_start3A_105 = arith.constant 0 : i32
      %dma_start3A_106 = tpu.memref_slice %arg3[%add3A, %dma_start3A_104, %dma_start3A_105] : memref<32x80x128xi32, #tpu.memory_space<hbm>> -> memref<1x40x128xi32, #tpu.memory_space<hbm>>
      %dma_start3A_107 = tpu.memref_squeeze %dma_start3A_106 : memref<1x40x128xi32, #tpu.memory_space<hbm>> -> memref<40x128xi32, #tpu.memory_space<hbm>>
      tpu.enqueue_dma source(%dma_start3A_107 : memref<40x128xi32, #tpu.memory_space<hbm>>) target(%arg6 : memref<40x128xi32, #tpu.memory_space<vmem>>) target_semaphore(%run_scoped3A_99 : memref<!tpu.dma_semaphore, #tpu.memory_space<semaphore_mem>>)
      %dma_wait3A_108 = arith.constant 40 : i32
      %dma_wait3A_109 = arith.constant 0 : i32
      %dma_wait3A_110 = tpu.memref_slice %arg3[%add3A, %dma_wait3A_108, %dma_wait3A_109] : memref<32x80x128xi32, #tpu.memory_space<hbm>> -> memref<1x40x128xi32, #tpu.memory_space<hbm>>
      %dma_wait3A_111 = tpu.memref_squeeze %dma_wait3A_110 : memref<1x40x128xi32, #tpu.memory_space<hbm>> -> memref<40x128xi32, #tpu.memory_space<hbm>>
      %dma_wait3A_112 = arith.constant 40 : i32
      %dma_wait3A_113 = arith.constant 0 : i32
      %dma_wait3A_114 = tpu.memref_slice %arg3[%add3A, %dma_wait3A_112, %dma_wait3A_113] : memref<32x80x128xi32, #tpu.memory_space<hbm>> -> memref<1x40x128xi32, #tpu.memory_space<hbm>>
      %dma_wait3A_115 = tpu.memref_squeeze %dma_wait3A_114 : memref<1x40x128xi32, #tpu.memory_space<hbm>> -> memref<40x128xi32, #tpu.memory_space<hbm>>
      tpu.wait_dma2 semaphore(%run_scoped3A_99 : memref<!tpu.dma_semaphore, #tpu.memory_space<semaphore_mem>>) src(%dma_wait3A_115 : memref<40x128xi32, #tpu.memory_space<hbm>>) dst(%arg6 : memref<40x128xi32, #tpu.memory_space<vmem>>)
      tpu.yield
    }) : () -> ()
    "tpu.region"() ({
      %run_scoped3A_99 = tpu.sem_alloc : memref<!tpu.dma_semaphore, #tpu.memory_space<semaphore_mem>>
      %dma_start3A_100 = arith.constant 40 : i32
      %dma_start3A_101 = arith.constant 0 : i32
      %dma_start3A_102 = tpu.memref_slice %arg4[%add3A, %dma_start3A_100, %dma_start3A_101] : memref<32x80x128xi32, #tpu.memory_space<hbm>> -> memref<1x40x128xi32, #tpu.memory_space<hbm>>
      %dma_start3A_103 = tpu.memref_squeeze %dma_start3A_102 : memref<1x40x128xi32, #tpu.memory_space<hbm>> -> memref<40x128xi32, #tpu.memory_space<hbm>>
      %dma_start3A_104 = arith.constant 40 : i32
      %dma_start3A_105 = arith.constant 0 : i32
      %dma_start3A_106 = tpu.memref_slice %arg4[%add3A, %dma_start3A_104, %dma_start3A_105] : memref<32x80x128xi32, #tpu.memory_space<hbm>> -> memref<1x40x128xi32, #tpu.memory_space<hbm>>
      %dma_start3A_107 = tpu.memref_squeeze %dma_start3A_106 : memref<1x40x128xi32, #tpu.memory_space<hbm>> -> memref<40x128xi32, #tpu.memory_space<hbm>>
      tpu.enqueue_dma source(%dma_start3A_107 : memref<40x128xi32, #tpu.memory_space<hbm>>) target(%arg7 : memref<40x128xi32, #tpu.memory_space<vmem>>) target_semaphore(%run_scoped3A_99 : memref<!tpu.dma_semaphore, #tpu.memory_space<semaphore_mem>>)
      %dma_wait3A_108 = arith.constant 40 : i32
      %dma_wait3A_109 = arith.constant 0 : i32
      %dma_wait3A_110 = tpu.memref_slice %arg4[%add3A, %dma_wait3A_108, %dma_wait3A_109] : memref<32x80x128xi32, #tpu.memory_space<hbm>> -> memref<1x40x128xi32, #tpu.memory_space<hbm>>
      %dma_wait3A_111 = tpu.memref_squeeze %dma_wait3A_110 : memref<1x40x128xi32, #tpu.memory_space<hbm>> -> memref<40x128xi32, #tpu.memory_space<hbm>>
      %dma_wait3A_112 = arith.constant 40 : i32
      %dma_wait3A_113 = arith.constant 0 : i32
      %dma_wait3A_114 = tpu.memref_slice %arg4[%add3A, %dma_wait3A_112, %dma_wait3A_113] : memref<32x80x128xi32, #tpu.memory_space<hbm>> -> memref<1x40x128xi32, #tpu.memory_space<hbm>>
      %dma_wait3A_115 = tpu.memref_squeeze %dma_wait3A_114 : memref<1x40x128xi32, #tpu.memory_space<hbm>> -> memref<40x128xi32, #tpu.memory_space<hbm>>
      tpu.wait_dma2 semaphore(%run_scoped3A_99 : memref<!tpu.dma_semaphore, #tpu.memory_space<semaphore_mem>>) src(%dma_wait3A_115 : memref<40x128xi32, #tpu.memory_space<hbm>>) dst(%arg7 : memref<40x128xi32, #tpu.memory_space<vmem>>)
      tpu.yield
    }) : () -> ()
    %dma_start3A_59 = arith.constant 0 : i32
    %dma_start3A_60 = arith.constant 0 : i32
    %dma_start3A_61 = tpu.memref_slice %arg6[%dma_start3A_59, %dma_start3A_60] : memref<40x128xi32, #tpu.memory_space<vmem>> -> memref<1x128xi32, #tpu.memory_space<vmem>>
    %dma_start3A_62 = tpu.memref_squeeze %dma_start3A_61 : memref<1x128xi32, #tpu.memory_space<vmem>> -> memref<128xi32, #tpu.memory_space<vmem>>
    %dma_start3A_63 = arith.constant 0 : i32
    %dma_start3A_64 = arith.constant 0 : i32
    %dma_start3A_65 = tpu.memref_slice %arg2[%dma_start3A_63, %dma_start3A_64] : memref<10000x128xf32, #tpu.memory_space<hbm>> -> memref<10000x128xf32, #tpu.memory_space<hbm>>
    tpu.enqueue_indirect_dma source(%dma_start3A_65 : memref<10000x128xf32, #tpu.memory_space<hbm>>) target(%arg8 : memref<128x128xf32, #tpu.memory_space<vmem>>) offsets(%dma_start3A_62 : memref<128xi32, #tpu.memory_space<vmem>>) semaphore(%arg11 : memref<!tpu.dma_semaphore, #tpu.memory_space<semaphore_mem>>)
    %dma_start3A_66 = arith.constant 1 : i32
    %dma_start3A_67 = arith.constant 0 : i32
    %dma_start3A_68 = tpu.memref_slice %arg6[%dma_start3A_66, %dma_start3A_67] : memref<40x128xi32, #tpu.memory_space<vmem>> -> memref<1x128xi32, #tpu.memory_space<vmem>>
    %dma_start3A_69 = tpu.memref_squeeze %dma_start3A_68 : memref<1x128xi32, #tpu.memory_space<vmem>> -> memref<128xi32, #tpu.memory_space<vmem>>
    %dma_start3A_70 = arith.constant 0 : i32
    %dma_start3A_71 = arith.constant 0 : i32
    %dma_start3A_72 = tpu.memref_slice %arg2[%dma_start3A_70, %dma_start3A_71] : memref<10000x128xf32, #tpu.memory_space<hbm>> -> memref<10000x128xf32, #tpu.memory_space<hbm>>
    tpu.enqueue_indirect_dma source(%dma_start3A_72 : memref<10000x128xf32, #tpu.memory_space<hbm>>) target(%arg9 : memref<128x128xf32, #tpu.memory_space<vmem>>) offsets(%dma_start3A_69 : memref<128xi32, #tpu.memory_space<vmem>>) semaphore(%arg12 : memref<!tpu.dma_semaphore, #tpu.memory_space<semaphore_mem>>)
    %scan3A_73 = arith.constant 0 : i32
    %scan3A_74 = arith.constant 0 : i32
    %scan3A_75 = arith.constant 19 : i32
    %scan3A_76 = arith.addi %scan3A_74, %scan3A_75 : i32
    %scan3A_77 = arith.constant 1 : i32
    %scan3A_78 = scf.for %scan3A_99 = %scan3A_74 to %scan3A_76 step %scan3A_77 iter_args(%scan3A_100 = %scan3A_73) -> (i32)  : i32 {
      %mul3A_101 = arith.constant 2 : i32
      %mul3A_102 = arith.muli %mul3A_101, %scan3A_99 : i32
      %dma_wait3A_103 = arith.constant 0 : i32
      %dma_wait3A_104 = arith.constant 0 : i32
      %dma_wait3A_105 = tpu.memref_slice %arg2[%dma_wait3A_103, %dma_wait3A_104] : memref<10000x128xf32, #tpu.memory_space<hbm>> -> memref<128x128xf32, #tpu.memory_space<hbm>>
      %dma_wait3A_106 = arith.constant 0 : i32
      %dma_wait3A_107 = arith.constant 0 : i32
      %dma_wait3A_108 = tpu.memref_slice %arg2[%dma_wait3A_106, %dma_wait3A_107] : memref<10000x128xf32, #tpu.memory_space<hbm>> -> memref<128x128xf32, #tpu.memory_space<hbm>>
      tpu.wait_dma2 semaphore(%arg11 : memref<!tpu.dma_semaphore, #tpu.memory_space<semaphore_mem>>) src(%dma_wait3A_108 : memref<128x128xf32, #tpu.memory_space<hbm>>) dst(%arg8 : memref<128x128xf32, #tpu.memory_space<vmem>>)
      "tpu.region"() ({
        %run_scoped3A_134 = tpu.sem_alloc : memref<!tpu.dma_semaphore, #tpu.memory_space<semaphore_mem>>
        %dma_start3A_135 = arith.constant 0 : i32
        %dma_start3A_136 = tpu.memref_slice %arg7[%mul3A_102, %dma_start3A_135] : memref<40x128xi32, #tpu.memory_space<vmem>> -> memref<1x128xi32, #tpu.memory_space<vmem>>
        %dma_start3A_137 = tpu.memref_squeeze %dma_start3A_136 : memref<1x128xi32, #tpu.memory_space<vmem>> -> memref<128xi32, #tpu.memory_space<vmem>>
        %dma_start3A_138 = arith.constant 0 : i32
        %dma_start3A_139 = arith.constant 0 : i32
        %dma_start3A_140 = tpu.memref_slice %arg10[%dma_start3A_138, %dma_start3A_139] : memref<10240x128xf32, #tpu.memory_space<vmem_shared>> -> memref<10240x128xf32, #tpu.memory_space<vmem_shared>>
        tpu.enqueue_indirect_dma source(%arg8 : memref<128x128xf32, #tpu.memory_space<vmem>>) target(%dma_start3A_140 : memref<10240x128xf32, #tpu.memory_space<vmem_shared>>) offsets(%dma_start3A_137 : memref<128xi32, #tpu.memory_space<vmem>>) semaphore(%run_scoped3A_134 : memref<!tpu.dma_semaphore, #tpu.memory_space<semaphore_mem>>) {add = true}
        %dma_wait3A_141 = arith.constant 0 : i32
        %dma_wait3A_142 = tpu.memref_slice %arg7[%mul3A_102, %dma_wait3A_141] : memref<40x128xi32, #tpu.memory_space<vmem>> -> memref<1x128xi32, #tpu.memory_space<vmem>>
        %dma_wait3A_143 = tpu.memref_squeeze %dma_wait3A_142 : memref<1x128xi32, #tpu.memory_space<vmem>> -> memref<128xi32, #tpu.memory_space<vmem>>
        %dma_wait3A_144 = arith.constant 0 : i32
        %dma_wait3A_145 = arith.constant 0 : i32
        %dma_wait3A_146 = tpu.memref_slice %arg10[%dma_wait3A_144, %dma_wait3A_145] : memref<10240x128xf32, #tpu.memory_space<vmem_shared>> -> memref<10240x128xf32, #tpu.memory_space<vmem_shared>>
        tpu.wait_indirect_dma semaphore(%run_scoped3A_134 : memref<!tpu.dma_semaphore, #tpu.memory_space<semaphore_mem>>) src(%arg8 : memref<128x128xf32, #tpu.memory_space<vmem>>) dst(%dma_wait3A_146 : memref<10240x128xf32, #tpu.memory_space<vmem_shared>>)
        tpu.yield
      }) : () -> ()
      %add3A_109 = arith.constant 2 : i32
      %add3A_110 = arith.addi %mul3A_102, %add3A_109 : i32
      %dma_start3A_111 = arith.constant 0 : i32
      %dma_start3A_112 = tpu.memref_slice %arg6[%add3A_110, %dma_start3A_111] : memref<40x128xi32, #tpu.memory_space<vmem>> -> memref<1x128xi32, #tpu.memory_space<vmem>>
      %dma_start3A_113 = tpu.memref_squeeze %dma_start3A_112 : memref<1x128xi32, #tpu.memory_space<vmem>> -> memref<128xi32, #tpu.memory_space<vmem>>
      %dma_start3A_114 = arith.constant 0 : i32
      %dma_start3A_115 = arith.constant 0 : i32
      %dma_start3A_116 = tpu.memref_slice %arg2[%dma_start3A_114, %dma_start3A_115] : memref<10000x128xf32, #tpu.memory_space<hbm>> -> memref<10000x128xf32, #tpu.memory_space<hbm>>
      tpu.enqueue_indirect_dma source(%dma_start3A_116 : memref<10000x128xf32, #tpu.memory_space<hbm>>) target(%arg8 : memref<128x128xf32, #tpu.memory_space<vmem>>) offsets(%dma_start3A_113 : memref<128xi32, #tpu.memory_space<vmem>>) semaphore(%arg11 : memref<!tpu.dma_semaphore, #tpu.memory_space<semaphore_mem>>)
      %dma_wait3A_117 = arith.constant 0 : i32
      %dma_wait3A_118 = arith.constant 0 : i32
      %dma_wait3A_119 = tpu.memref_slice %arg2[%dma_wait3A_117, %dma_wait3A_118] : memref<10000x128xf32, #tpu.memory_space<hbm>> -> memref<128x128xf32, #tpu.memory_space<hbm>>
      %dma_wait3A_120 = arith.constant 0 : i32
      %dma_wait3A_121 = arith.constant 0 : i32
      %dma_wait3A_122 = tpu.memref_slice %arg2[%dma_wait3A_120, %dma_wait3A_121] : memref<10000x128xf32, #tpu.memory_space<hbm>> -> memref<128x128xf32, #tpu.memory_space<hbm>>
      tpu.wait_dma2 semaphore(%arg12 : memref<!tpu.dma_semaphore, #tpu.memory_space<semaphore_mem>>) src(%dma_wait3A_122 : memref<128x128xf32, #tpu.memory_space<hbm>>) dst(%arg9 : memref<128x128xf32, #tpu.memory_space<vmem>>)
      %add3A_123 = arith.constant 1 : i32
      %add3A_124 = arith.addi %mul3A_102, %add3A_123 : i32
      "tpu.region"() ({
        %run_scoped3A_134 = tpu.sem_alloc : memref<!tpu.dma_semaphore, #tpu.memory_space<semaphore_mem>>
        %dma_start3A_135 = arith.constant 0 : i32
        %dma_start3A_136 = tpu.memref_slice %arg7[%add3A_124, %dma_start3A_135] : memref<40x128xi32, #tpu.memory_space<vmem>> -> memref<1x128xi32, #tpu.memory_space<vmem>>
        %dma_start3A_137 = tpu.memref_squeeze %dma_start3A_136 : memref<1x128xi32, #tpu.memory_space<vmem>> -> memref<128xi32, #tpu.memory_space<vmem>>
        %dma_start3A_138 = arith.constant 0 : i32
        %dma_start3A_139 = arith.constant 0 : i32
        %dma_start3A_140 = tpu.memref_slice %arg10[%dma_start3A_138, %dma_start3A_139] : memref<10240x128xf32, #tpu.memory_space<vmem_shared>> -> memref<10240x128xf32, #tpu.memory_space<vmem_shared>>
        tpu.enqueue_indirect_dma source(%arg9 : memref<128x128xf32, #tpu.memory_space<vmem>>) target(%dma_start3A_140 : memref<10240x128xf32, #tpu.memory_space<vmem_shared>>) offsets(%dma_start3A_137 : memref<128xi32, #tpu.memory_space<vmem>>) semaphore(%run_scoped3A_134 : memref<!tpu.dma_semaphore, #tpu.memory_space<semaphore_mem>>) {add = true}
        %dma_wait3A_141 = arith.constant 0 : i32
        %dma_wait3A_142 = tpu.memref_slice %arg7[%add3A_124, %dma_wait3A_141] : memref<40x128xi32, #tpu.memory_space<vmem>> -> memref<1x128xi32, #tpu.memory_space<vmem>>
        %dma_wait3A_143 = tpu.memref_squeeze %dma_wait3A_142 : memref<1x128xi32, #tpu.memory_space<vmem>> -> memref<128xi32, #tpu.memory_space<vmem>>
        %dma_wait3A_144 = arith.constant 0 : i32
        %dma_wait3A_145 = arith.constant 0 : i32
        %dma_wait3A_146 = tpu.memref_slice %arg10[%dma_wait3A_144, %dma_wait3A_145] : memref<10240x128xf32, #tpu.memory_space<vmem_shared>> -> memref<10240x128xf32, #tpu.memory_space<vmem_shared>>
        tpu.wait_indirect_dma semaphore(%run_scoped3A_134 : memref<!tpu.dma_semaphore, #tpu.memory_space<semaphore_mem>>) src(%arg9 : memref<128x128xf32, #tpu.memory_space<vmem>>) dst(%dma_wait3A_146 : memref<10240x128xf32, #tpu.memory_space<vmem_shared>>)
        tpu.yield
      }) : () -> ()
      %add3A_125 = arith.constant 3 : i32
      %add3A_126 = arith.addi %mul3A_102, %add3A_125 : i32
      %dma_start3A_127 = arith.constant 0 : i32
      %dma_start3A_128 = tpu.memref_slice %arg6[%add3A_126, %dma_start3A_127] : memref<40x128xi32, #tpu.memory_space<vmem>> -> memref<1x128xi32, #tpu.memory_space<vmem>>
      %dma_start3A_129 = tpu.memref_squeeze %dma_start3A_128 : memref<1x128xi32, #tpu.memory_space<vmem>> -> memref<128xi32, #tpu.memory_space<vmem>>
      %dma_start3A_130 = arith.constant 0 : i32
      %dma_start3A_131 = arith.constant 0 : i32
      %dma_start3A_132 = tpu.memref_slice %arg2[%dma_start3A_130, %dma_start3A_131] : memref<10000x128xf32, #tpu.memory_space<hbm>> -> memref<10000x128xf32, #tpu.memory_space<hbm>>
      tpu.enqueue_indirect_dma source(%dma_start3A_132 : memref<10000x128xf32, #tpu.memory_space<hbm>>) target(%arg9 : memref<128x128xf32, #tpu.memory_space<vmem>>) offsets(%dma_start3A_129 : memref<128xi32, #tpu.memory_space<vmem>>) semaphore(%arg12 : memref<!tpu.dma_semaphore, #tpu.memory_space<semaphore_mem>>)
      %scan3A_133 = arith.constant 0 : i32
      scf.yield %scan3A_133 : i32
    }
    %scan3A_79 = arith.constant 19 : i32
    %dma_wait3A_80 = arith.constant 0 : i32
    %dma_wait3A_81 = arith.constant 0 : i32
    %dma_wait3A_82 = tpu.memref_slice %arg2[%dma_wait3A_80, %dma_wait3A_81] : memref<10000x128xf32, #tpu.memory_space<hbm>> -> memref<128x128xf32, #tpu.memory_space<hbm>>
    %dma_wait3A_83 = arith.constant 0 : i32
    %dma_wait3A_84 = arith.constant 0 : i32
    %dma_wait3A_85 = tpu.memref_slice %arg2[%dma_wait3A_83, %dma_wait3A_84] : memref<10000x128xf32, #tpu.memory_space<hbm>> -> memref<128x128xf32, #tpu.memory_space<hbm>>
    tpu.wait_dma2 semaphore(%arg11 : memref<!tpu.dma_semaphore, #tpu.memory_space<semaphore_mem>>) src(%dma_wait3A_85 : memref<128x128xf32, #tpu.memory_space<hbm>>) dst(%arg8 : memref<128x128xf32, #tpu.memory_space<vmem>>)
    %run_scoped3A_86 = arith.constant 38 : i32
    "tpu.region"() ({
      %run_scoped3A_99 = tpu.sem_alloc : memref<!tpu.dma_semaphore, #tpu.memory_space<semaphore_mem>>
      %dma_start3A_100 = arith.constant 0 : i32
      %dma_start3A_101 = tpu.memref_slice %arg7[%run_scoped3A_86, %dma_start3A_100] : memref<40x128xi32, #tpu.memory_space<vmem>> -> memref<1x128xi32, #tpu.memory_space<vmem>>
      %dma_start3A_102 = tpu.memref_squeeze %dma_start3A_101 : memref<1x128xi32, #tpu.memory_space<vmem>> -> memref<128xi32, #tpu.memory_space<vmem>>
      %dma_start3A_103 = arith.constant 0 : i32
      %dma_start3A_104 = arith.constant 0 : i32
      %dma_start3A_105 = tpu.memref_slice %arg10[%dma_start3A_103, %dma_start3A_104] : memref<10240x128xf32, #tpu.memory_space<vmem_shared>> -> memref<10240x128xf32, #tpu.memory_space<vmem_shared>>
      tpu.enqueue_indirect_dma source(%arg8 : memref<128x128xf32, #tpu.memory_space<vmem>>) target(%dma_start3A_105 : memref<10240x128xf32, #tpu.memory_space<vmem_shared>>) offsets(%dma_start3A_102 : memref<128xi32, #tpu.memory_space<vmem>>) semaphore(%run_scoped3A_99 : memref<!tpu.dma_semaphore, #tpu.memory_space<semaphore_mem>>) {add = true}
      %dma_wait3A_106 = arith.constant 0 : i32
      %dma_wait3A_107 = tpu.memref_slice %arg7[%run_scoped3A_86, %dma_wait3A_106] : memref<40x128xi32, #tpu.memory_space<vmem>> -> memref<1x128xi32, #tpu.memory_space<vmem>>
      %dma_wait3A_108 = tpu.memref_squeeze %dma_wait3A_107 : memref<1x128xi32, #tpu.memory_space<vmem>> -> memref<128xi32, #tpu.memory_space<vmem>>
      %dma_wait3A_109 = arith.constant 0 : i32
      %dma_wait3A_110 = arith.constant 0 : i32
      %dma_wait3A_111 = tpu.memref_slice %arg10[%dma_wait3A_109, %dma_wait3A_110] : memref<10240x128xf32, #tpu.memory_space<vmem_shared>> -> memref<10240x128xf32, #tpu.memory_space<vmem_shared>>
      tpu.wait_indirect_dma semaphore(%run_scoped3A_99 : memref<!tpu.dma_semaphore, #tpu.memory_space<semaphore_mem>>) src(%arg8 : memref<128x128xf32, #tpu.memory_space<vmem>>) dst(%dma_wait3A_111 : memref<10240x128xf32, #tpu.memory_space<vmem_shared>>)
      tpu.yield
    }) : () -> ()
    %dma_wait3A_87 = arith.constant 0 : i32
    %dma_wait3A_88 = arith.constant 0 : i32
    %dma_wait3A_89 = tpu.memref_slice %arg2[%dma_wait3A_87, %dma_wait3A_88] : memref<10000x128xf32, #tpu.memory_space<hbm>> -> memref<128x128xf32, #tpu.memory_space<hbm>>
    %dma_wait3A_90 = arith.constant 0 : i32
    %dma_wait3A_91 = arith.constant 0 : i32
    %dma_wait3A_92 = tpu.memref_slice %arg2[%dma_wait3A_90, %dma_wait3A_91] : memref<10000x128xf32, #tpu.memory_space<hbm>> -> memref<128x128xf32, #tpu.memory_space<hbm>>
    tpu.wait_dma2 semaphore(%arg12 : memref<!tpu.dma_semaphore, #tpu.memory_space<semaphore_mem>>) src(%dma_wait3A_92 : memref<128x128xf32, #tpu.memory_space<hbm>>) dst(%arg9 : memref<128x128xf32, #tpu.memory_space<vmem>>)
    %run_scoped3A_93 = arith.constant 39 : i32
    "tpu.region"() ({
      %run_scoped3A_99 = tpu.sem_alloc : memref<!tpu.dma_semaphore, #tpu.memory_space<semaphore_mem>>
      %dma_start3A_100 = arith.constant 0 : i32
      %dma_start3A_101 = tpu.memref_slice %arg7[%run_scoped3A_93, %dma_start3A_100] : memref<40x128xi32, #tpu.memory_space<vmem>> -> memref<1x128xi32, #tpu.memory_space<vmem>>
      %dma_start3A_102 = tpu.memref_squeeze %dma_start3A_101 : memref<1x128xi32, #tpu.memory_space<vmem>> -> memref<128xi32, #tpu.memory_space<vmem>>
      %dma_start3A_103 = arith.constant 0 : i32
      %dma_start3A_104 = arith.constant 0 : i32
      %dma_start3A_105 = tpu.memref_slice %arg10[%dma_start3A_103, %dma_start3A_104] : memref<10240x128xf32, #tpu.memory_space<vmem_shared>> -> memref<10240x128xf32, #tpu.memory_space<vmem_shared>>
      tpu.enqueue_indirect_dma source(%arg9 : memref<128x128xf32, #tpu.memory_space<vmem>>) target(%dma_start3A_105 : memref<10240x128xf32, #tpu.memory_space<vmem_shared>>) offsets(%dma_start3A_102 : memref<128xi32, #tpu.memory_space<vmem>>) semaphore(%run_scoped3A_99 : memref<!tpu.dma_semaphore, #tpu.memory_space<semaphore_mem>>) {add = true}
      %dma_wait3A_106 = arith.constant 0 : i32
      %dma_wait3A_107 = tpu.memref_slice %arg7[%run_scoped3A_93, %dma_wait3A_106] : memref<40x128xi32, #tpu.memory_space<vmem>> -> memref<1x128xi32, #tpu.memory_space<vmem>>
      %dma_wait3A_108 = tpu.memref_squeeze %dma_wait3A_107 : memref<1x128xi32, #tpu.memory_space<vmem>> -> memref<128xi32, #tpu.memory_space<vmem>>
      %dma_wait3A_109 = arith.constant 0 : i32
      %dma_wait3A_110 = arith.constant 0 : i32
      %dma_wait3A_111 = tpu.memref_slice %arg10[%dma_wait3A_109, %dma_wait3A_110] : memref<10240x128xf32, #tpu.memory_space<vmem_shared>> -> memref<10240x128xf32, #tpu.memory_space<vmem_shared>>
      tpu.wait_indirect_dma semaphore(%run_scoped3A_99 : memref<!tpu.dma_semaphore, #tpu.memory_space<semaphore_mem>>) src(%arg9 : memref<128x128xf32, #tpu.memory_space<vmem>>) dst(%dma_wait3A_111 : memref<10240x128xf32, #tpu.memory_space<vmem_shared>>)
      tpu.yield
    }) : () -> ()
    %barrier3A_94 = arith.constant 0 : index
    tpu.barrier barrier_id(%barrier3A_94)
    %mul3A_95 = arith.constant 640 : i32
    %mul3A_96 = arith.muli %arg1, %mul3A_95 : i32
    %mul3A_97 = arith.constant 640 : i32
    %mul3A_98 = arith.muli %arg1, %mul3A_97 : i32
    "tpu.region"() ({
      %run_scoped3A_99 = tpu.sem_alloc : memref<!tpu.dma_semaphore, #tpu.memory_space<semaphore_mem>>
      %dma_start3A_100 = arith.constant 0 : i32
      %dma_start3A_101 = tpu.memref_slice %arg5[%arg0, %mul3A_98, %dma_start3A_100] : memref<2x10240x128xf32, #tpu.memory_space<hbm>> -> memref<1x640x128xf32, #tpu.memory_space<hbm>>
      %dma_start3A_102 = tpu.memref_squeeze %dma_start3A_101 : memref<1x640x128xf32, #tpu.memory_space<hbm>> -> memref<640x128xf32, #tpu.memory_space<hbm>>
      %dma_start3A_103 = arith.constant 0 : i32
      %dma_start3A_104 = tpu.memref_slice %arg10[%mul3A_96, %dma_start3A_103] : memref<10240x128xf32, #tpu.memory_space<vmem_shared>> -> memref<640x128xf32, #tpu.memory_space<vmem_shared>>
      tpu.enqueue_dma source(%dma_start3A_104 : memref<640x128xf32, #tpu.memory_space<vmem_shared>>) target(%dma_start3A_102 : memref<640x128xf32, #tpu.memory_space<hbm>>) target_semaphore(%run_scoped3A_99 : memref<!tpu.dma_semaphore, #tpu.memory_space<semaphore_mem>>)
      %dma_wait3A_105 = arith.constant 0 : i32
      %dma_wait3A_106 = tpu.memref_slice %arg5[%arg0, %mul3A_98, %dma_wait3A_105] : memref<2x10240x128xf32, #tpu.memory_space<hbm>> -> memref<1x640x128xf32, #tpu.memory_space<hbm>>
      %dma_wait3A_107 = tpu.memref_squeeze %dma_wait3A_106 : memref<1x640x128xf32, #tpu.memory_space<hbm>> -> memref<640x128xf32, #tpu.memory_space<hbm>>
      %dma_wait3A_108 = arith.constant 0 : i32
      %dma_wait3A_109 = tpu.memref_slice %arg10[%mul3A_96, %dma_wait3A_108] : memref<10240x128xf32, #tpu.memory_space<vmem_shared>> -> memref<640x128xf32, #tpu.memory_space<vmem_shared>>
      tpu.wait_dma2 semaphore(%run_scoped3A_99 : memref<!tpu.dma_semaphore, #tpu.memory_space<semaphore_mem>>) src(%dma_wait3A_109 : memref<640x128xf32, #tpu.memory_space<vmem_shared>>) dst(%dma_wait3A_107 : memref<640x128xf32, #tpu.memory_space<hbm>>)
      tpu.yield
    }) : () -> ()
    return
  }
}

module attributes {stable_mosaic.version = 14 : i64} {
  func.func @_scale_matmul_body(%arg0: i32, %arg1: memref<1000x128xf32, #tpu.memory_space<vmem>>, %arg2: memref<128x128xf32, #tpu.memory_space<vmem>>, %arg3: memref<1000x1xf32, #tpu.memory_space<vmem>>, %arg4: memref<1000x1xf32, #tpu.memory_space<vmem>>, %arg5: memref<1000x128xf32, #tpu.memory_space<vmem>>) attributes {dimension_semantics = [#tpu.dimension_semantics<arbitrary>], iteration_bounds = array<i64: 10>, scalar_prefetch = 0 : i64, scratch_operands = 0 : i64, tpu.core_type = #tpu.core_type<tc>, window_params = [{transform_indices = @transform_0, window_bounds = array<i64: 1000, 128>}, {pipeline_mode = #tpu.pipeline_mode<synchronous>, transform_indices = @transform_1, window_bounds = array<i64: 128, 128>}, {transform_indices = @transform_2, window_bounds = array<i64: 1000, 1>}, {transform_indices = @transform_3, window_bounds = array<i64: 1000, 1>}, {transform_indices = @transform_4, window_bounds = array<i64: 1000, 128>}]} {
    %get3A = arith.constant 0 : index
    %get3A_0 = arith.constant 0 : index
    %get3A_1 = vector.load %arg1[%get3A, %get3A_0] : memref<1000x128xf32, #tpu.memory_space<vmem>>, vector<1000x128xf32>
    %get3A_2 = arith.constant 0 : index
    %get3A_3 = arith.constant 0 : index
    %get3A_4 = vector.load %arg2[%get3A_2, %get3A_3] : memref<128x128xf32, #tpu.memory_space<vmem>>, vector<128x128xf32>
    %dot_general3A = arith.constant dense<0.000000e+00> : vector<1000x128xf32>
    %dot_general3A_5 = tpu.matmul %get3A_1, %get3A_4, %dot_general3A {dimension_numbers = #tpu.dot_dimension_numbers<[1], [0], [0], [1], [0, 0, 1, 1], [], []>, transpose_lhs_hint = false} : vector<1000x128xf32>, vector<128x128xf32>, vector<1000x128xf32> -> vector<1000x128xf32>
    %get3A_6 = arith.constant 0 : index
    %get3A_7 = arith.constant 0 : index
    %get3A_8 = vector.load %arg3[%get3A_6, %get3A_7] : memref<1000x1xf32, #tpu.memory_space<vmem>>, vector<1000x1xf32>
    %get3A_9 = arith.constant 0 : index
    %get3A_10 = arith.constant 0 : index
    %get3A_11 = vector.load %arg4[%get3A_9, %get3A_10] : memref<1000x1xf32, #tpu.memory_space<vmem>>, vector<1000x1xf32>
    %add3A = arith.constant 1.000000e+00 : f32
    %add3A_12 = vector.broadcast %add3A : f32 to vector<1000x1xf32>
    %add3A_13 = arith.addf %add3A_12, %get3A_8 : vector<1000x1xf32>
    %add3A_14 = arith.addf %add3A_13, %get3A_11 : vector<1000x1xf32>
    %rsqrt3A = math.rsqrt %add3A_14 : vector<1000x1xf32>
    %mul3A = vector.broadcast %rsqrt3A : vector<1000x1xf32> to vector<1000x128xf32>
    %mul3A_15 = arith.mulf %dot_general3A_5, %mul3A : vector<1000x128xf32>
    %swap3A = arith.constant 0 : index
    %swap3A_16 = arith.constant 0 : index
    %swap3A_17 = vector.load %arg5[%swap3A, %swap3A_16] : memref<1000x128xf32, #tpu.memory_space<vmem>>, vector<1000x128xf32>
    tpu.vector_store %arg5[%swap3A, %swap3A_16], %mul3A_15 {strides = array<i32>} : memref<1000x128xf32, #tpu.memory_space<vmem>>, vector<1000x128xf32>,
    return
  }
  func.func @transform_0(%arg0: i32) -> (i32, i32) {
    %c0_i32 = arith.constant 0 : i32
    %c0_i32_0 = arith.constant 0 : i32
    return %arg0, %c0_i32 : i32, i32
  }
  func.func @transform_1(%arg0: i32) -> (i32, i32) {
    %c0_i32 = arith.constant 0 : i32
    %c0_i32_0 = arith.constant 0 : i32
    %c0_i32_1 = arith.constant 0 : i32
    return %c0_i32, %c0_i32_0 : i32, i32
  }
  func.func @transform_2(%arg0: i32) -> (i32, i32) {
    %c0_i32 = arith.constant 0 : i32
    %c0_i32_0 = arith.constant 0 : i32
    return %arg0, %c0_i32 : i32, i32
  }
  func.func @transform_3(%arg0: i32) -> (i32, i32) {
    %c0_i32 = arith.constant 0 : i32
    %c0_i32_0 = arith.constant 0 : i32
    return %arg0, %c0_i32 : i32, i32
  }
  func.func @transform_4(%arg0: i32) -> (i32, i32) {
    %c0_i32 = arith.constant 0 : i32
    %c0_i32_0 = arith.constant 0 : i32
    return %arg0, %c0_i32 : i32, i32
  }
}

module attributes {stable_mosaic.version = 14 : i64} {
  func.func @_mid_body(%arg0: i32, %arg1: memref<2x1000x128xf32, #tpu.memory_space<vmem>>, %arg2: memref<1000x128xf32, #tpu.memory_space<vmem>>, %arg3: memref<1000x1xf32, #tpu.memory_space<vmem>>, %arg4: memref<1000x1xf32, #tpu.memory_space<vmem>>, %arg5: memref<1x128xf32, #tpu.memory_space<vmem>>, %arg6: memref<128x128xf32, #tpu.memory_space<vmem>>, %arg7: memref<1000x128xf32, #tpu.memory_space<vmem>>) attributes {dimension_semantics = [#tpu.dimension_semantics<arbitrary>], iteration_bounds = array<i64: 10>, scalar_prefetch = 0 : i64, scratch_operands = 0 : i64, tpu.core_type = #tpu.core_type<tc>, window_params = [{transform_indices = @transform_0, window_bounds = array<i64: 2, 1000, 128>}, {transform_indices = @transform_1, window_bounds = array<i64: 1000, 128>}, {transform_indices = @transform_2, window_bounds = array<i64: 1000, 1>}, {transform_indices = @transform_3, window_bounds = array<i64: 1000, 1>}, {pipeline_mode = #tpu.pipeline_mode<synchronous>, transform_indices = @transform_4, window_bounds = array<i64: 1, 128>}, {pipeline_mode = #tpu.pipeline_mode<synchronous>, transform_indices = @transform_5, window_bounds = array<i64: 128, 128>}, {transform_indices = @transform_6, window_bounds = array<i64: 1000, 128>}]} {
    %get3A = arith.constant 0 : index
    %get3A_0 = arith.constant 0 : index
    %get3A_1 = vector.load %arg3[%get3A, %get3A_0] : memref<1000x1xf32, #tpu.memory_space<vmem>>, vector<1000x1xf32>
    %get3A_2 = arith.constant 0 : index
    %get3A_3 = arith.constant 0 : index
    %get3A_4 = vector.load %arg4[%get3A_2, %get3A_3] : memref<1000x1xf32, #tpu.memory_space<vmem>>, vector<1000x1xf32>
    %add3A = arith.constant 1.000000e+00 : f32
    %add3A_5 = vector.broadcast %add3A : f32 to vector<1000x1xf32>
    %add3A_6 = arith.addf %add3A_5, %get3A_1 : vector<1000x1xf32>
    %add3A_7 = arith.addf %add3A_6, %get3A_4 : vector<1000x1xf32>
    %rsqrt3A = math.rsqrt %add3A_7 : vector<1000x1xf32>
    %get3A_8 = arith.constant 0 : index
    %get3A_9 = arith.constant 0 : index
    %get3A_10 = arith.constant 0 : index
    %get3A_11 = vector.load %arg1[%get3A_8, %get3A_9, %get3A_10] : memref<2x1000x128xf32, #tpu.memory_space<vmem>>, vector<1x1000x128xf32>
    %get3A_12 = vector.shape_cast %get3A_11 : vector<1x1000x128xf32> to vector<1000x128xf32>
    %get3A_13 = arith.constant 1 : index
    %get3A_14 = arith.constant 0 : index
    %get3A_15 = arith.constant 0 : index
    %get3A_16 = vector.load %arg1[%get3A_13, %get3A_14, %get3A_15] : memref<2x1000x128xf32, #tpu.memory_space<vmem>>, vector<1x1000x128xf32>
    %get3A_17 = vector.shape_cast %get3A_16 : vector<1x1000x128xf32> to vector<1000x128xf32>
    %add3A_18 = arith.addf %get3A_12, %get3A_17 : vector<1000x128xf32>
    %get3A_19 = arith.constant 0 : index
    %get3A_20 = arith.constant 0 : index
    %get3A_21 = vector.load %arg2[%get3A_19, %get3A_20] : memref<1000x128xf32, #tpu.memory_space<vmem>>, vector<1000x128xf32>
    %add3A_22 = arith.addf %add3A_18, %get3A_21 : vector<1000x128xf32>
    %mul3A = vector.broadcast %rsqrt3A : vector<1000x1xf32> to vector<1000x128xf32>
    %mul3A_23 = arith.mulf %add3A_22, %mul3A : vector<1000x128xf32>
    %get3A_24 = arith.constant 0 : index
    %get3A_25 = arith.constant 0 : index
    %get3A_26 = vector.load %arg5[%get3A_24, %get3A_25] : memref<1x128xf32, #tpu.memory_space<vmem>>, vector<1x128xf32>
    %add3A_27 = vector.broadcast %get3A_26 : vector<1x128xf32> to vector<1000x128xf32>
    %add3A_28 = arith.addf %mul3A_23, %add3A_27 : vector<1000x128xf32>
    %max3A = arith.constant 0.000000e+00 : f32
    %max3A_29 = vector.broadcast %max3A : f32 to vector<1000x128xf32>
    %max3A_30 = arith.maximumf %add3A_28, %max3A_29 : vector<1000x128xf32>
    %get3A_31 = arith.constant 0 : index
    %get3A_32 = arith.constant 0 : index
    %get3A_33 = vector.load %arg6[%get3A_31, %get3A_32] : memref<128x128xf32, #tpu.memory_space<vmem>>, vector<128x128xf32>
    %dot_general3A = arith.constant dense<0.000000e+00> : vector<1000x128xf32>
    %dot_general3A_34 = tpu.matmul %max3A_30, %get3A_33, %dot_general3A {dimension_numbers = #tpu.dot_dimension_numbers<[1], [0], [0], [1], [0, 0, 1, 1], [], []>, transpose_lhs_hint = false} : vector<1000x128xf32>, vector<128x128xf32>, vector<1000x128xf32> -> vector<1000x128xf32>
    %mul3A_35 = vector.broadcast %rsqrt3A : vector<1000x1xf32> to vector<1000x128xf32>
    %mul3A_36 = arith.mulf %dot_general3A_34, %mul3A_35 : vector<1000x128xf32>
    %swap3A = arith.constant 0 : index
    %swap3A_37 = arith.constant 0 : index
    %swap3A_38 = vector.load %arg7[%swap3A, %swap3A_37] : memref<1000x128xf32, #tpu.memory_space<vmem>>, vector<1000x128xf32>
    tpu.vector_store %arg7[%swap3A, %swap3A_37], %mul3A_36 {strides = array<i32>} : memref<1000x128xf32, #tpu.memory_space<vmem>>, vector<1000x128xf32>,
    return
  }
  func.func @transform_0(%arg0: i32) -> (i32, i32, i32) {
    %c0_i32 = arith.constant 0 : i32
    %c0_i32_0 = arith.constant 0 : i32
    %c0_i32_1 = arith.constant 0 : i32
    return %c0_i32, %arg0, %c0_i32_0 : i32, i32, i32
  }
  func.func @transform_1(%arg0: i32) -> (i32, i32) {
    %c0_i32 = arith.constant 0 : i32
    %c0_i32_0 = arith.constant 0 : i32
    return %arg0, %c0_i32 : i32, i32
  }
  func.func @transform_2(%arg0: i32) -> (i32, i32) {
    %c0_i32 = arith.constant 0 : i32
    %c0_i32_0 = arith.constant 0 : i32
    return %arg0, %c0_i32 : i32, i32
  }
  func.func @transform_3(%arg0: i32) -> (i32, i32) {
    %c0_i32 = arith.constant 0 : i32
    %c0_i32_0 = arith.constant 0 : i32
    return %arg0, %c0_i32 : i32, i32
  }
  func.func @transform_4(%arg0: i32) -> (i32, i32) {
    %c0_i32 = arith.constant 0 : i32
    %c0_i32_0 = arith.constant 0 : i32
    %c0_i32_1 = arith.constant 0 : i32
    return %c0_i32, %c0_i32_0 : i32, i32
  }
  func.func @transform_5(%arg0: i32) -> (i32, i32) {
    %c0_i32 = arith.constant 0 : i32
    %c0_i32_0 = arith.constant 0 : i32
    %c0_i32_1 = arith.constant 0 : i32
    return %c0_i32, %c0_i32_0 : i32, i32
  }
  func.func @transform_6(%arg0: i32) -> (i32, i32) {
    %c0_i32 = arith.constant 0 : i32
    %c0_i32_0 = arith.constant 0 : i32
    return %arg0, %c0_i32 : i32, i32
  }
}

module attributes {stable_mosaic.version = 14 : i64} {
  func.func @_final_body(%arg0: i32, %arg1: memref<2x1000x128xf32, #tpu.memory_space<vmem>>, %arg2: memref<1000x128xf32, #tpu.memory_space<vmem>>, %arg3: memref<1000x1xf32, #tpu.memory_space<vmem>>, %arg4: memref<1000x1xf32, #tpu.memory_space<vmem>>, %arg5: memref<1x128xf32, #tpu.memory_space<vmem>>, %arg6: memref<1000x128xf32, #tpu.memory_space<vmem>>) attributes {dimension_semantics = [#tpu.dimension_semantics<arbitrary>], iteration_bounds = array<i64: 10>, scalar_prefetch = 0 : i64, scratch_operands = 0 : i64, tpu.core_type = #tpu.core_type<tc>, window_params = [{transform_indices = @transform_0, window_bounds = array<i64: 2, 1000, 128>}, {transform_indices = @transform_1, window_bounds = array<i64: 1000, 128>}, {transform_indices = @transform_2, window_bounds = array<i64: 1000, 1>}, {transform_indices = @transform_3, window_bounds = array<i64: 1000, 1>}, {pipeline_mode = #tpu.pipeline_mode<synchronous>, transform_indices = @transform_4, window_bounds = array<i64: 1, 128>}, {transform_indices = @transform_5, window_bounds = array<i64: 1000, 128>}]} {
    %get3A = arith.constant 0 : index
    %get3A_0 = arith.constant 0 : index
    %get3A_1 = vector.load %arg3[%get3A, %get3A_0] : memref<1000x1xf32, #tpu.memory_space<vmem>>, vector<1000x1xf32>
    %get3A_2 = arith.constant 0 : index
    %get3A_3 = arith.constant 0 : index
    %get3A_4 = vector.load %arg4[%get3A_2, %get3A_3] : memref<1000x1xf32, #tpu.memory_space<vmem>>, vector<1000x1xf32>
    %add3A = arith.constant 1.000000e+00 : f32
    %add3A_5 = vector.broadcast %add3A : f32 to vector<1000x1xf32>
    %add3A_6 = arith.addf %add3A_5, %get3A_1 : vector<1000x1xf32>
    %add3A_7 = arith.addf %add3A_6, %get3A_4 : vector<1000x1xf32>
    %rsqrt3A = math.rsqrt %add3A_7 : vector<1000x1xf32>
    %get3A_8 = arith.constant 0 : index
    %get3A_9 = arith.constant 0 : index
    %get3A_10 = arith.constant 0 : index
    %get3A_11 = vector.load %arg1[%get3A_8, %get3A_9, %get3A_10] : memref<2x1000x128xf32, #tpu.memory_space<vmem>>, vector<1x1000x128xf32>
    %get3A_12 = vector.shape_cast %get3A_11 : vector<1x1000x128xf32> to vector<1000x128xf32>
    %get3A_13 = arith.constant 1 : index
    %get3A_14 = arith.constant 0 : index
    %get3A_15 = arith.constant 0 : index
    %get3A_16 = vector.load %arg1[%get3A_13, %get3A_14, %get3A_15] : memref<2x1000x128xf32, #tpu.memory_space<vmem>>, vector<1x1000x128xf32>
    %get3A_17 = vector.shape_cast %get3A_16 : vector<1x1000x128xf32> to vector<1000x128xf32>
    %add3A_18 = arith.addf %get3A_12, %get3A_17 : vector<1000x128xf32>
    %get3A_19 = arith.constant 0 : index
    %get3A_20 = arith.constant 0 : index
    %get3A_21 = vector.load %arg2[%get3A_19, %get3A_20] : memref<1000x128xf32, #tpu.memory_space<vmem>>, vector<1000x128xf32>
    %add3A_22 = arith.addf %add3A_18, %get3A_21 : vector<1000x128xf32>
    %mul3A = vector.broadcast %rsqrt3A : vector<1000x1xf32> to vector<1000x128xf32>
    %mul3A_23 = arith.mulf %add3A_22, %mul3A : vector<1000x128xf32>
    %get3A_24 = arith.constant 0 : index
    %get3A_25 = arith.constant 0 : index
    %get3A_26 = vector.load %arg5[%get3A_24, %get3A_25] : memref<1x128xf32, #tpu.memory_space<vmem>>, vector<1x128xf32>
    %add3A_27 = vector.broadcast %get3A_26 : vector<1x128xf32> to vector<1000x128xf32>
    %add3A_28 = arith.addf %mul3A_23, %add3A_27 : vector<1000x128xf32>
    %reduce_max3A = arith.constant dense<0xFF800000> : vector<1000xf32>
    %reduce_max3A_29 = vector.multi_reduction <maximumf>, %add3A_28, %reduce_max3A [1] : vector<1000x128xf32> to vector<1000xf32>
    %broadcast_in_dim3A = vector.shape_cast %reduce_max3A_29 : vector<1000xf32> to vector<1000x1xf32>
    %sub3A = vector.broadcast %broadcast_in_dim3A : vector<1000x1xf32> to vector<1000x128xf32>
    %sub3A_30 = arith.subf %add3A_28, %sub3A : vector<1000x128xf32>
    %exp3A = math.exp %sub3A_30 : vector<1000x128xf32>
    %reduce_sum3A = arith.constant dense<0.000000e+00> : vector<1000xf32>
    %reduce_sum3A_31 = vector.multi_reduction <add>, %exp3A, %reduce_sum3A [1] : vector<1000x128xf32> to vector<1000xf32>
    %broadcast_in_dim3A_32 = vector.shape_cast %reduce_sum3A_31 : vector<1000xf32> to vector<1000x1xf32>
    %log3A = math.log %broadcast_in_dim3A_32 : vector<1000x1xf32>
    %sub3A_33 = vector.broadcast %log3A : vector<1000x1xf32> to vector<1000x128xf32>
    %sub3A_34 = arith.subf %sub3A_30, %sub3A_33 : vector<1000x128xf32>
    %swap3A = arith.constant 0 : index
    %swap3A_35 = arith.constant 0 : index
    %swap3A_36 = vector.load %arg6[%swap3A, %swap3A_35] : memref<1000x128xf32, #tpu.memory_space<vmem>>, vector<1000x128xf32>
    tpu.vector_store %arg6[%swap3A, %swap3A_35], %sub3A_34 {strides = array<i32>} : memref<1000x128xf32, #tpu.memory_space<vmem>>, vector<1000x128xf32>,
    return
  }
  func.func @transform_0(%arg0: i32) -> (i32, i32, i32) {
    %c0_i32 = arith.constant 0 : i32
    %c0_i32_0 = arith.constant 0 : i32
    %c0_i32_1 = arith.constant 0 : i32
    return %c0_i32, %arg0, %c0_i32_0 : i32, i32, i32
  }
  func.func @transform_1(%arg0: i32) -> (i32, i32) {
    %c0_i32 = arith.constant 0 : i32
    %c0_i32_0 = arith.constant 0 : i32
    return %arg0, %c0_i32 : i32, i32
  }
  func.func @transform_2(%arg0: i32) -> (i32, i32) {
    %c0_i32 = arith.constant 0 : i32
    %c0_i32_0 = arith.constant 0 : i32
    return %arg0, %c0_i32 : i32, i32
  }
  func.func @transform_3(%arg0: i32) -> (i32, i32) {
    %c0_i32 = arith.constant 0 : i32
    %c0_i32_0 = arith.constant 0 : i32
    return %arg0, %c0_i32 : i32, i32
  }
  func.func @transform_4(%arg0: i32) -> (i32, i32) {
    %c0_i32 = arith.constant 0 : i32
    %c0_i32_0 = arith.constant 0 : i32
    %c0_i32_1 = arith.constant 0 : i32
    return %c0_i32, %c0_i32_0 : i32, i32
  }
  func.func @transform_5(%arg0: i32) -> (i32, i32) {
    %c0_i32 = arith.constant 0 : i32
    %c0_i32_0 = arith.constant 0 : i32
    return %arg0, %c0_i32 : i32, i32
  }
}

</mosaic_0001>

<sc_bundles>
// kernel: kernel.11.cloned.1.call-start
scs
__scs_entry_jumppad:
0x0: {  	(pc) =	sbr.rel $0x88, $3  }
0x1: {  	(tag) =	ssettag $0x0;
	lr =	simm.s32 $0x1  }
0x2: {  	[smem:$0x3F9B] =	sst lr;
	_ =	strace $0xD0000000  }
0x3: {  	_ = 	snop  }
0x4: {  	_ = 	snop  }
0x5: {  	_ = 	snop  }
0x6: {  	_ = 	snop  }
0x7: {  	_ = 	snop  }
__scs_overlays_trampoline_lowered:
0x8: {  	[smem:$0x3FAA] =	sst s0  }
0x9: {  	[smem:$0x3FAB] =	sst s1  }
0xa: {  	[smem:$0x3FAC] =	sst s2  }
0xb: {  	[smem:$0x3FAD] =	sst s3  }
0xc: {  	[smem:$0x3FAE] =	sst s4  }
0xd: {  	[smem:$0x3FAF] =	sst s5  }
0xe: {  	[smem:$0x3FB0] =	sst s6  }
0xf: {  	[smem:$0x3FB1] =	sst s7  }
0x10: {  	[smem:$0x3FB2] =	sst s8  }
0x11: {  	[smem:$0x3FB3] =	sst s9;
	s0 =	simm.s32 @!p0 $0x0  }
0x12: {  	s1 =	sld [smem:$0x3F99];
	s0 =	simm.s32 @p0 $0x1  }
0x13: {  	[smem:$0x3FB4] =	sst s0;
	s0 =	simm.s32 @!p1 $0x0  }
0x14: {  	s2 =	sld [smem:$0x3F98];
	s0 =	simm.s32 @p1 $0x1  }
0x15: {  	[smem:$0x3FB5] =	sst s0;
	s0 =	simm.s32 @!p2 $0x0  }
0x16: {  	s3 =	sld [smem:$0x3FDB];
	s0 =	simm.s32 @p2 $0x1  }
0x17: {  	s4 =	simm.s32 $0x1BF5;
	[smem:$0x3FB7] =	sst s0  }
0x18: {  	s0 =	sld [smem:$0x3F9A];
	_ =	swait.ge [sflag:s4], $0x0  }
0x19: {  	s7 =	sld [smem:$0x3F9B]  }
0x1a: {  	s8 =	sadd.s32 $0xFFFFE003, lr  }
0x1b: {  	s9 =	sadd.s32 $0xFFFFFEF7, lr;
	s5 =	simm.s32 $0xFFFFFFFF;
	p2 =	slt.u32 s8, $0xFFFFF086  }
0x1c: {  	p1 =	slt.u32 s9, $0xF7A;
	s5 =	simm.s32 @!p2 $0x0  }
0x1d: {  	s5 =	simm.s32 @p1 $0x1;
	p0 =	seq.s32 s7, s2  }
0x1e: {  	s7 =	smul.u32 @!p0 $0xF7A, s2;
	p2 =	seq.s32 @!p0 s5, $0x0  }
0x1f: {  	s9 =	smul.u32 $0xF7A, s1;
	s8 =	simm.s32 @!p0 $0x1BF5;
	p2 =	por !p2, p0  }
0x20: {  	[sflag:s8] =	ssyncset.s32 @!p0 $0xFFFFF086;
	s6 =	sadd.s32 @!p0 s3, s7;
	s7 =	simm.s32 @!p0 $0x108  }
0x21: {  	s3 =	sadd.s32 s3, s9;
	s6 =	sadd.s32 @!p0 $0x88, s6;
	s7 =	simm.s32 @p2 $0x1082  }
0x22: {  	[simem:s7], [sflag:s8] =	dma.local @!p0 [hbm:s6], $0xF7A  }
0x23: {  	s9 =	sor.u32 $0xD0000000, s2;
	s6 =	simm.s32 $0x108;
	_ =	swait.ge @!p0 [sflag:s8], $0x0  }
0x24: {  	s3 =	sadd.s32 $0x88, s3;
	s6 =	simm.s32 @!p1 $0x1082;
	[sflag:s4] =	ssyncset.s32 $0xFFFFF086  }
0x25: {  	[simem:s6], [sflag:s4] =	dma.local [hbm:s3], $0xF7A  }
0x26: {  	[smem:$0x3F9B] =	sst s1;
	(tag) =	ssettag s2;
	_ =	strace s9  }
0x27: {  	s1 =	sld [smem:$0x3FAB]  }
0x28: {  	s2 =	sld [smem:$0x3FAC]  }
0x29: {  	s4 =	sld [smem:$0x3FAE]  }
0x2a: {  	p0 =	seq.s32 s5, $0x0;
	s5 =	sld [smem:$0x3FAF]  }
0x2b: {  	s6 =	sld [smem:$0x3FB0]  }
0x2c: {  	s7 =	sld [smem:$0x3FB1]  }
0x2d: {  	s3 =	simm.s32 $0x108;
	s8 =	sld [smem:$0x3FB2]  }
0x2e: {  	s3 =	simm.s32 @!p0 $0x1082;
	s9 =	sld [smem:$0x3FB3]  }
0x2f: {  	lr =	sadd.s32 s0, s3;
	s0 =	sld [smem:$0x3FAA]  }
0x30: {  	s3 =	sld [smem:$0x3FAD]  }
0x31: {  	[smem:$0x3FB6] =	sst s10  }
0x32: {  	s10 =	sld [smem:$0x3FB4];
	_ =	sdelay $0x3  }
0x33: {  	p0 =	seq.s32 s10, $0x1;
	s10 =	sld [smem:$0x3FB6];
	_ =	sdelay $0x3  }
0x34: {  	[smem:$0x3FB6] =	sst s10  }
0x35: {  	s10 =	sld [smem:$0x3FB5];
	_ =	sdelay $0x3  }
0x36: {  	p1 =	seq.s32 s10, $0x1;
	s10 =	sld [smem:$0x3FB6];
	_ =	sdelay $0x3  }
0x37: {  	[smem:$0x3FB6] =	sst s10  }
0x38: {  	s10 =	sld [smem:$0x3FB7]  }
0x39: {  	_ = 	snop;
	(pc) =	sbr.ind lr, $3  }
0x3a: {  	_ = 	snop  }
0x3b: {  	_ = 	snop  }
0x3c: {  	p2 =	seq.s32 s10, $0x1;
	s10 =	sld [smem:$0x3FB6]  }
0x3d: {  	_ =	shalt  }
0x3e: {  	_ =	shalt  }
0x3f: {  	_ =	shalt  }
0x40: {  	_ =	shalt  }
0x41: {  	_ =	shalt  }
0x42: {  	_ =	shalt  }
0x43: {  	_ =	shalt  }
0x44: {  	_ =	shalt  }
0x45: {  	_ =	shalt  }
0x46: {  	_ =	shalt  }
0x47: {  	_ =	shalt  }
0x48: {  	_ =	shalt  }
0x49: {  	_ =	shalt  }
0x4a: {  	_ =	shalt  }
0x4b: {  	_ =	shalt  }
0x4c: {  	_ =	shalt  }
0x4d: {  	_ =	shalt  }
0x4e: {  	_ =	shalt  }
0x4f: {  	_ =	shalt  }
0x50: {  	_ =	shalt  }
0x51: {  	_ =	shalt  }
0x52: {  	_ =	shalt  }
0x53: {  	_ =	shalt  }
0x54: {  	_ =	shalt  }
0x55: {  	_ =	shalt  }
0x56: {  	_ =	shalt  }
0x57: {  	_ =	shalt  }
0x58: {  	_ =	shalt  }
0x59: {  	_ =	shalt  }
0x5a: {  	_ =	shalt  }
0x5b: {  	_ =	shalt  }
0x5c: {  	_ =	shalt  }
0x5d: {  	_ =	shalt  }
0x5e: {  	_ =	shalt  }
0x5f: {  	_ =	shalt  }
0x60: {  	_ =	shalt  }
0x61: {  	_ =	shalt  }
0x62: {  	_ =	shalt  }
0x63: {  	_ =	shalt  }
0x64: {  	_ =	shalt  }
0x65: {  	_ =	shalt  }
0x66: {  	_ =	shalt  }
0x67: {  	_ =	shalt  }
0x68: {  	_ =	shalt  }
0x69: {  	_ =	shalt  }
0x6a: {  	_ =	shalt  }
0x6b: {  	_ =	shalt  }
0x6c: {  	_ =	shalt  }
0x6d: {  	_ =	shalt  }
0x6e: {  	_ =	shalt  }
0x6f: {  	_ =	shalt  }
0x70: {  	_ =	shalt  }
0x71: {  	_ =	shalt  }
0x72: {  	_ =	shalt  }
0x73: {  	_ =	shalt  }
0x74: {  	_ =	shalt  }
0x75: {  	_ =	shalt  }
0x76: {  	_ =	shalt  }
0x77: {  	_ =	shalt  }
0x78: {  	_ =	shalt  }
0x79: {  	_ =	shalt  }
0x7a: {  	_ =	shalt  }
0x7b: {  	_ =	shalt  }
0x7c: {  	_ =	shalt  }
0x7d: {  	_ =	shalt  }
0x7e: {  	_ =	shalt  }
0x7f: {  	_ =	shalt  }
0x80: {  	_ =	shalt  }
0x81: {  	_ =	shalt  }
0x82: {  	_ =	shalt  }
0x83: {  	_ =	shalt  }
0x84: {  	_ =	shalt  }
0x85: {  	_ =	shalt  }
0x86: {  	_ =	shalt  }
0x87: {  	_ =	shalt  }
.Lfunc_end0:
.L_simem_size_0:
called_computation.1_lowered:
.L_overlay_start_0:
0x88: {  	s2 =	sld [smem:$0x3FD9]  }
0x89: {  	s3 =	sld [smem:$0x3FFE];
	_ =	sdelay $0x1  }
0x8a: {  	s1 =	srdreg.scid  }
0x8b: {  	s0 =	sand.u32 $0x1, s1  }
0x8c: {  	s17 =	sshll.u32 s0, $0xA;
	s2 =	sadd.s32 s3, s2  }
0x8d: {  	s2 =	sadd.s32 s2, s17  }
0x8e: {  	[smem:$0x3FC2] =	sst s2  }
0x8f: {  	_ = 	snop  }
0x90: {  	s2 =	sld [smem:$0x3FD0];
	(tm) =	ssettm $0x1  }
0x91: {  	s18 =	sld [smem:$0x3FFB];
	_ =	sdelay $0x3  }
0x92: {  	_ =	strace s18  }
0x93: {  	s3 =	sld [smem:$0x3FFC];
	_ =	sdelay $0x3  }
0x94: {  	_ =	strace s3  }
0x95: {  	s3 =	sld [smem:$0x3FFD];
	_ =	sdelay $0x3  }
0x96: {  	_ =	strace s3  }
0x97: {  	_ =	strace $0x8FFFFFFF  }
0x98: {  	s19 =	sld [smem:$0x3FDB];
	_ =	sdelay $0x1  }
0x99: {  	s4 =	simm.s32 $_scs_section_size  }
0x9a: {  	s5 =	simm.s32 $_size__tile_overlayer_lowered;
	s6 =	simm.s32 $_tile_overlayer_lowered  }
0x9b: {  	s22 =	simm.s32 $0x1BFF;
	s21 =	sshll.u32 s6, $0x1;
	s3 =	sadd.s32 s4, s19  }
0x9c: {  	s7 =	simm.s32 $0x0;
	s20 =	sshll.u32 s5, $0x1;
	s5 =	sadd.s32 s21, s3  }
0x9d: {  	[timem:s7], [sflag:s22] =	dma.local [hbm:s5], s20  }
0x9e: {  	_ =	swait.ge [sflag:s22], s20  }
0x9f: {  	s4 =	ssub.s32 $0x0, s20;
	[sflag:s22] =	ssyncset.done $0x0  }
0xa0: {  	[sflag:s22] =	ssyncadd.s32 s4;
	_ =	sdelay $0x1  }
0xa1: {  	s23 =	simm.s32 $0x1B8B  }
0xa2: {  	_ =	swait.ge [sflag:s23], $0x1  }
0xa3: {  	[sflag:s23] =	ssyncset.done $0x0  }
0xa4: {  	s25 =	simm.s32 $0x1B8E;
	s24 =	sld [smem:$0x3FFE];
	[sflag:s23] =	ssyncadd.s32 $0xFFFFFFFF  }
0xa5: {  	s26 =	simm.s32 $execute0_lowered;
	[smem:$0x3FD2] =	sst s25  }
0xa6: {  	s5 =	sshll.u32 s26, $0x1;
	_ =	strace $0x80000049;
	[dreg:$0x1] =	wrdreg $0xFFFFFFFF  }
0xa7: {  	s28 =	simm.s32 $_size_execute0_lowered;
	s3 =	sadd.s32 s3, s5;
	[dreg:$0x0] =	wrdreg $0x0  }
0xa8: {  	s5 =	sshll.u32 s28, $0x1;
	[dreg:$0x2] =	wrdreg s3  }
0xa9: {  	[dreg:$0x3] =	wrdreg s5  }
0xaa: {  	[dreg:$0x4] =	wrdreg $0xC0  }
0xab: {  	_ =	task [dreg:s7], $0x5FFFF  }
0xac: {  	[dreg:$0x1] =	wrdreg $0xFFFFFFFF  }
0xad: {  	[dreg:$0x0] =	wrdreg $0x60  }
0xae: {  	[dreg:$0x2] =	wrdreg s2  }
0xaf: {  	[dreg:$0x3] =	wrdreg s24  }
0xb0: {  	[dreg:$0x4] =	wrdreg $0xA8000  }
0xb1: {  	[dreg:$0x5] =	wrdreg $0x9  }
0xb2: {  	_ =	task.clear_ibuf [dreg:s7], $0x6FFFF;
	_ =	strace $0x90000049  }
0xb3: {  	s29 =	simm.s32 $0x9;
	_ =	strace $0x8000004B  }
0xb4: {  	_ =	swait.ge [sflag:s29], $0x1  }
0xb5: {  	[sflag:s29] =	ssyncadd.s32 $0xFFFFFFFF  }
0xb6: {  	_ =	strace $0x9000004B  }
0xb7: {  	_ =	sfence  }
0xb8: {  	s30 =	sld [smem:$0x0];
	_ =	sdelay $0x2  }
0xb9: {  	s31 =	sshll.u32 s1, $0xD;
	s1 =	sshrl.u32 s1, $0x2  }
0xba: {  	s3 =	sand.u32 $0x4000, s31;
	s1 =	sadd.s32 s1, s30  }
0xbb: {  	s0 =	sor.u32 s3, s0;
	s1 =	sshll.u32 s1, $0x11  }
0xbc: {  	s0 =	sor.u32 s1, s0  }
0xbd: {  	s0 =	sadd.s32 $0x8F2B, s0  }
0xbe: {  	[sflag:s0] =	ssyncadd.remote.s32 $0x1  }
0xbf: {  	_ =	sfence.sel $0xFFFF  }
0xc0: {  	[dreg:$0x0] =	wrdreg $0xFFFFFFFF;
	(pc) =	sbr.abs _section_cstart, $3  }
0xc1: {  	[dreg:$0x1] =	wrdreg $0xFFFFFFFF  }
0xc2: {  	_ =	task.clear_ibuf [dreg:s7], $0x2FFFF;
	_ =	strace $0x9FFFFFFF  }
0xc3: {  	(tm) =	ssettm $0x7FFFFFFF  }
tec
execute0_lowered:
.L_overlay_start_1:
0x0: {  	(tag) =	ssettag $0x1  }
0x1: {  	s1 =	rddreg [dreg:$0x0]  }
0x2: {  	s6 =	rddreg [dreg:$0x1]  }
0x3: {  	s2 =	rddreg [dreg:$0x2]  }
0x4: {  	s3 =	srdreg.scid;
	s0 =	rddreg [dreg:$0x3];
	s4 =	simm.s32 $0x0  }
0x5: {  	s17 =	simm.s32 $0x3;
	s18 =	simm.s32 $0x1400;
	s19 =	simm.s32 $0x80  }
0x6: {  	s20 =	simm.s32 $0x6800;
	s21 =	simm.s32 $0x1;
	s22 =	simm.s32 $0x2  }
0x7: {  	s23 =	simm.s32 $0x2700;
	s24 =	simm.s32 $0x2780;
	s5 =	sand.u32 $0x1, s3  }
0x8: {  	s25 =	simm.s32 $0x0;
	s3 =	stileid.u32;
	s7 =	smul.u32 $0x140000, s5  }
0x9: {  	[smem:$0x7FF] =	sst s4;
	s12 =	sadd.s32 $0xC600, s6;
	s8 =	smul.u32 $0x14000, s3  }
0xa: {  	s13 =	sadd.s32 $0x2600, s6;
	s29 =	smul.u32 $0x50000, s3;
	s9 =	sshll.u32 s3, $0x1  }
0xb: {  	_ =	strace $0x8000004A;
	s10 =	ssub.s32 $0x2, s5;
	s9 =	sor.u32 s5, s9  }
0xc: {  	s31 =	sshrl.u32 s10, $0x1;
	s7 =	sadd.s32 s8, s7;
	s30 =	sshrl.u32 s29, $0x2  }
0xd: {  	s9 =	smul.u32 $0x2800, s9;
	s15 =	ssub.s32 s10, s31;
	s7 =	sshrl.u32 s7, $0x3  }
0xe: {  	s5 =	sadd.s32 s30, s2;
	s15 =	smax.u32 s15, $0x1;
	s14 =	sadd.s32 s7, s6  }
0xf: {  	s6 =	sadd.s32 $0x4000, s5;
	s7 =	sadd.s32 $0x8000, s5;
	s11 =	sshrl.u32 s9, $0x3  }
0x10: {  	s8 =	sadd.s32 $0xC000, s5;
	s9 =	sadd.s32 $0x10000, s5;
	s10 =	sadd.s32 s12, s11  }
0x11: {  	s16 =	sadd.s32 $0x280, s11;
	s11 =	sadd.s32 s13, s11;
	s14 =	sadd.s32 $0x16600, s14  }
0x12: {  	v0 =	vimm.f32 $0.0e+00;
	s12 =	sadd.s32 s12, s16;
	s13 =	sadd.s32 s13, s16;
	s16 =	simm.s32 $0x2800  }
.LBB2_1:
0x13: {  	s26 =	sand.u32 $0xFE00, s4  }
0x14: {  	s28 =	sand.u32 $0x70, s4;
	s29 =	sshrl.u32 s26, $0x2  }
0x15: {  	s26 =	simm.s32 $0x40;
	s29 =	sor.u32 s28, s29;
	s28 =	simm.s32 $0x0  }
.LBB2_2:
0x16: {  	p0 =	sne.s32 s26, $0xFFC0  }
0x17: {  	[tilespmem:s29+$0x2800] =	vst v0;
	s28 =	sadd.s32 $0x10, s28;
	s29 =	smov.u32 s26;
	s26 =	sadd.s32 $0x40, s26  }
.Ltmp0:
0x18: {  	(pc) =	sbr.rel @p0 .LBB2_2-.Ltmp0, $4  }
0x19: {  	_ = 	snop  }
0x1a: {  	s29 =	sand.u32 $0xFE00, s29  }
0x1b: {  	s30 =	sand.u32 $0x70, s28;
	s29 =	sshrl.u32 s29, $0x2  }
0x1c: {  	s29 =	sor.u32 s30, s29  }
0x1d: {  	[tilespmem:s29+$0x2800] =	vst v0  }
0x1e: {  	[spmem:s5] =	stream.linear.scatter [tilespmem:s16], [sflag:$0x3], $0x4000, $0x38;
	[tilespmem:$0x1E800] =	vst v63  }
0x1f: {  	_ =	swait.ge [sflag:s17], $0x4000  }
0x20: {  	[sflag:s17] =	ssyncset.done $0x0  }
0x21: {  	[sflag:s17] =	ssyncadd.s32 $0xFFFFC000  }
0x22: {  	[spmem:s6] =	stream.linear.scatter [tilespmem:s16], [sflag:$0x3], $0x4000, $0x38;
	[tilespmem:$0x1E800] =	vst v63  }
0x23: {  	_ =	swait.ge [sflag:s17], $0x4000  }
0x24: {  	[sflag:s17] =	ssyncset.done $0x0  }
0x25: {  	[sflag:s17] =	ssyncadd.s32 $0xFFFFC000  }
0x26: {  	[spmem:s7] =	stream.linear.scatter [tilespmem:s16], [sflag:$0x3], $0x4000, $0x38;
	[tilespmem:$0x1E800] =	vst v63  }
0x27: {  	_ =	swait.ge [sflag:s17], $0x4000  }
0x28: {  	[sflag:s17] =	ssyncset.done $0x0  }
0x29: {  	[sflag:s17] =	ssyncadd.s32 $0xFFFFC000  }
0x2a: {  	[spmem:s8] =	stream.linear.scatter [tilespmem:s16], [sflag:$0x3], $0x4000, $0x38;
	[tilespmem:$0x1E800] =	vst v63  }
0x2b: {  	_ =	swait.ge [sflag:s17], $0x4000  }
0x2c: {  	[sflag:s17] =	ssyncset.done $0x0  }
0x2d: {  	[sflag:s17] =	ssyncadd.s32 $0xFFFFC000  }
0x2e: {  	[spmem:s9] =	stream.linear.scatter [tilespmem:s16], [sflag:$0x3], $0x4000, $0x38;
	[tilespmem:$0x1E800] =	vst v63  }
0x2f: {  	_ =	swait.ge [sflag:s17], $0x4000  }
0x30: {  	[sflag:s17] =	ssyncset.done $0x0  }
0x31: {  	[sflag:s17] =	ssyncadd.s32 $0xFFFFC000  }
0x32: {  	s26 =	simm.s32 $0x0;
	[bflag:$0x0] =	sbarrier.arrive $0xFFFF  }
0x33: {  	[tilespmem:s26], [sflag:$0x3] =	stream.linear.gather [hbm4b:s10+s26], $0x1400, $0x38;
	[tilespmem:$0x1E800] =	vst v63  }
0x34: {  	_ =	swait.ge [sflag:s17], $0x1400  }
0x35: {  	[sflag:s17] =	ssyncset.done $0x0  }
0x36: {  	[sflag:s17] =	ssyncadd.s32 $0xFFFFEC00  }
0x37: {  	[tilespmem:s18], [sflag:$0x3] =	stream.linear.gather [hbm4b:s11+s26], $0x1400, $0x38;
	[tilespmem:$0x1E800] =	vst v63  }
0x38: {  	_ =	swait.ge [sflag:s17], $0x1400  }
0x39: {  	[sflag:s17] =	ssyncset.done $0x0  }
0x3a: {  	[sflag:s17] =	ssyncadd.s32 $0xFFFFEC00  }
0x3b: {  	[tilespmem:s16], [sflag:$0x1] =	stream.indirect.gather [hbm4b:s1+s19], $0x80, s26, s19, $0xb8;
	[tilespmem:$0x1E800] =	vst v63  }
0x3c: {  	_ = 	snop  }
0x3d: {  	[tilespmem:s20], [sflag:$0x2] =	stream.indirect.gather [hbm4b:s1+s19], $0x80, s19, s19, $0xb8;
	[tilespmem:$0x1E800] =	vst v63  }
0x3e: {  	_ =	swait.ge [sflag:s21], $0x4000  }
0x3f: {  	[sflag:s21] =	ssyncset.done $0x0  }
0x40: {  	s29 =	simm.s32 $0x1400;
	[sflag:s21] =	ssyncadd.s32 $0xFFFFC000  }
0x41: {  	[spmem:s2] =	stream.indirect.scatter.add.f32 [tilespmem:s16], [sflag:$0x3], $0x80, s29, s19, $0xb8;
	[tilespmem:$0x1E800] =	vst v63  }
0x42: {  	_ =	swait.ge [sflag:s17], $0x4000  }
0x43: {  	[sflag:s17] =	ssyncset.done $0x0  }
0x44: {  	s30 =	simm.s32 $0x100;
	[sflag:s17] =	ssyncadd.s32 $0xFFFFC000  }
0x45: {  	[tilespmem:s16], [sflag:$0x1] =	stream.indirect.gather [hbm4b:s1+s19], $0x80, s30, s19, $0xb8;
	[tilespmem:$0x1E800] =	vst v63  }
0x46: {  	_ =	swait.ge [sflag:s22], $0x4000  }
0x47: {  	[sflag:s22] =	ssyncset.done $0x0  }
0x48: {  	s31 =	simm.s32 $0x1480;
	[sflag:s22] =	ssyncadd.s32 $0xFFFFC000  }
0x49: {  	[spmem:s2] =	stream.indirect.scatter.add.f32 [tilespmem:s20], [sflag:$0x3], $0x80, s31, s19, $0xb8;
	[tilespmem:$0x1E800] =	vst v63  }
0x4a: {  	_ =	swait.ge [sflag:s17], $0x4000  }
0x4b: {  	[sflag:s17] =	ssyncset.done $0x0  }
0x4c: {  	s28 =	simm.s32 $0x180;
	s26 =	simm.s32 $0x400;
	[sflag:s17] =	ssyncadd.s32 $0xFFFFC000  }
.LBB2_4:
0x4d: {  	[tilespmem:s20], [sflag:$0x2] =	stream.indirect.gather [hbm4b:s1+s19], $0x80, s28, s19, $0xb8;
	[tilespmem:$0x1E800] =	vst v63  }
0x4e: {  	s28 =	smov.u32 s26  }
0x4f: {  	p0 =	sne.s32 s26, $0x4800;
	s26 =	sadd.s32 $0x400, s26;
	_ =	swait.ge [sflag:s21], $0x4000  }
0x50: {  	s28 =	sshra.s32 s28, $0x2;
	[sflag:s21] =	ssyncset.done $0x0  }
0x51: {  	s29 =	sadd.s32 $0x1400, s28;
	[sflag:s21] =	ssyncadd.s32 $0xFFFFC000  }
0x52: {  	[spmem:s2] =	stream.indirect.scatter.add.f32 [tilespmem:s16], [sflag:$0x3], $0x80, s29, s19, $0xb8;
	[tilespmem:$0x1E800] =	vst v63  }
0x53: {  	_ =	swait.ge [sflag:s17], $0x4000  }
0x54: {  	[sflag:s17] =	ssyncset.done $0x0  }
0x55: {  	s29 =	sadd.s32 $0x100, s28;
	[sflag:s17] =	ssyncadd.s32 $0xFFFFC000  }
0x56: {  	[tilespmem:s16], [sflag:$0x1] =	stream.indirect.gather [hbm4b:s1+s19], $0x80, s29, s19, $0xb8;
	[tilespmem:$0x1E800] =	vst v63  }
0x57: {  	_ =	swait.ge [sflag:s22], $0x4000  }
0x58: {  	[sflag:s22] =	ssyncset.done $0x0  }
.Ltmp1:
0x59: {  	s29 =	sadd.s32 $0x1480, s28;
	[sflag:s22] =	ssyncadd.s32 $0xFFFFC000;
	(pc) =	sbr.rel @p0 .LBB2_4-.Ltmp1, $4  }
0x5a: {  	[spmem:s2] =	stream.indirect.scatter.add.f32 [tilespmem:s20], [sflag:$0x3], $0x80, s29, s19, $0xb8;
	[tilespmem:$0x1E800] =	vst v63  }
0x5b: {  	_ =	swait.ge [sflag:s17], $0x4000  }
0x5c: {  	[sflag:s17] =	ssyncset.done $0x0  }
0x5d: {  	s28 =	sadd.s32 $0x180, s28;
	[sflag:s17] =	ssyncadd.s32 $0xFFFFC000  }
0x5e: {  	[tilespmem:s20], [sflag:$0x2] =	stream.indirect.gather [hbm4b:s1+s19], $0x80, s28, s19, $0xb8;
	[tilespmem:$0x1E800] =	vst v63  }
0x5f: {  	_ =	swait.ge [sflag:s21], $0x4000  }
0x60: {  	[sflag:s21] =	ssyncset.done $0x0  }
0x61: {  	[sflag:s21] =	ssyncadd.s32 $0xFFFFC000  }
0x62: {  	[spmem:s2] =	stream.indirect.scatter.add.f32 [tilespmem:s16], [sflag:$0x3], $0x80, s23, s19, $0xb8;
	[tilespmem:$0x1E800] =	vst v63  }
0x63: {  	_ =	swait.ge [sflag:s17], $0x4000  }
0x64: {  	[sflag:s17] =	ssyncset.done $0x0  }
0x65: {  	[sflag:s17] =	ssyncadd.s32 $0xFFFFC000  }
0x66: {  	_ =	swait.ge [sflag:s22], $0x4000  }
0x67: {  	[sflag:s22] =	ssyncset.done $0x0  }
0x68: {  	[sflag:s22] =	ssyncadd.s32 $0xFFFFC000  }
0x69: {  	[spmem:s2] =	stream.indirect.scatter.add.f32 [tilespmem:s20], [sflag:$0x3], $0x80, s24, s19, $0xb8;
	[tilespmem:$0x1E800] =	vst v63  }
0x6a: {  	_ =	swait.ge [sflag:s17], $0x4000  }
0x6b: {  	[sflag:s17] =	ssyncset.done $0x0  }
0x6c: {  	s26 =	simm.s32 $0x0;
	[sflag:s17] =	ssyncadd.s32 $0xFFFFC000  }
0x6d: {  	[tilespmem:s26], [sflag:$0x3] =	stream.linear.gather [hbm4b:s12+s26], $0x1400, $0x38;
	[tilespmem:$0x1E800] =	vst v63  }
0x6e: {  	_ =	swait.ge [sflag:s17], $0x1400  }
0x6f: {  	[sflag:s17] =	ssyncset.done $0x0  }
0x70: {  	[sflag:s17] =	ssyncadd.s32 $0xFFFFEC00  }
0x71: {  	[tilespmem:s18], [sflag:$0x3] =	stream.linear.gather [hbm4b:s13+s26], $0x1400, $0x38;
	[tilespmem:$0x1E800] =	vst v63  }
0x72: {  	_ =	swait.ge [sflag:s17], $0x1400  }
0x73: {  	[sflag:s17] =	ssyncset.done $0x0  }
0x74: {  	[sflag:s17] =	ssyncadd.s32 $0xFFFFEC00  }
0x75: {  	[tilespmem:s16], [sflag:$0x1] =	stream.indirect.gather [hbm4b:s1+s19], $0x80, s26, s19, $0xb8;
	[tilespmem:$0x1E800] =	vst v63  }
0x76: {  	_ = 	snop  }
0x77: {  	[tilespmem:s20], [sflag:$0x2] =	stream.indirect.gather [hbm4b:s1+s19], $0x80, s19, s19, $0xb8;
	[tilespmem:$0x1E800] =	vst v63  }
0x78: {  	_ =	swait.ge [sflag:s21], $0x4000  }
0x79: {  	[sflag:s21] =	ssyncset.done $0x0  }
0x7a: {  	s29 =	simm.s32 $0x1400;
	[sflag:s21] =	ssyncadd.s32 $0xFFFFC000  }
0x7b: {  	[spmem:s2] =	stream.indirect.scatter.add.f32 [tilespmem:s16], [sflag:$0x3], $0x80, s29, s19, $0xb8;
	[tilespmem:$0x1E800] =	vst v63  }
0x7c: {  	_ =	swait.ge [sflag:s17], $0x4000  }
0x7d: {  	[sflag:s17] =	ssyncset.done $0x0  }
0x7e: {  	s30 =	simm.s32 $0x100;
	[sflag:s17] =	ssyncadd.s32 $0xFFFFC000  }
0x7f: {  	[tilespmem:s16], [sflag:$0x1] =	stream.indirect.gather [hbm4b:s1+s19], $0x80, s30, s19, $0xb8;
	[tilespmem:$0x1E800] =	vst v63  }
0x80: {  	_ =	swait.ge [sflag:s22], $0x4000  }
0x81: {  	[sflag:s22] =	ssyncset.done $0x0  }
0x82: {  	s31 =	simm.s32 $0x1480;
	[sflag:s22] =	ssyncadd.s32 $0xFFFFC000  }
0x83: {  	[spmem:s2] =	stream.indirect.scatter.add.f32 [tilespmem:s20], [sflag:$0x3], $0x80, s31, s19, $0xb8;
	[tilespmem:$0x1E800] =	vst v63  }
0x84: {  	_ =	swait.ge [sflag:s17], $0x4000  }
0x85: {  	[sflag:s17] =	ssyncset.done $0x0  }
0x86: {  	s28 =	simm.s32 $0x180;
	s26 =	simm.s32 $0x400;
	[sflag:s17] =	ssyncadd.s32 $0xFFFFC000  }
.LBB2_6:
0x87: {  	[tilespmem:s20], [sflag:$0x2] =	stream.indirect.gather [hbm4b:s1+s19], $0x80, s28, s19, $0xb8;
	[tilespmem:$0x1E800] =	vst v63  }
0x88: {  	s28 =	smov.u32 s26  }
0x89: {  	p0 =	sne.s32 s26, $0x4800;
	s26 =	sadd.s32 $0x400, s26;
	_ =	swait.ge [sflag:s21], $0x4000  }
0x8a: {  	s28 =	sshra.s32 s28, $0x2;
	[sflag:s21] =	ssyncset.done $0x0  }
0x8b: {  	s29 =	sadd.s32 $0x1400, s28;
	[sflag:s21] =	ssyncadd.s32 $0xFFFFC000  }
0x8c: {  	[spmem:s2] =	stream.indirect.scatter.add.f32 [tilespmem:s16], [sflag:$0x3], $0x80, s29, s19, $0xb8;
	[tilespmem:$0x1E800] =	vst v63  }
0x8d: {  	_ =	swait.ge [sflag:s17], $0x4000  }
0x8e: {  	[sflag:s17] =	ssyncset.done $0x0  }
0x8f: {  	s29 =	sadd.s32 $0x100, s28;
	[sflag:s17] =	ssyncadd.s32 $0xFFFFC000  }
0x90: {  	[tilespmem:s16], [sflag:$0x1] =	stream.indirect.gather [hbm4b:s1+s19], $0x80, s29, s19, $0xb8;
	[tilespmem:$0x1E800] =	vst v63  }
0x91: {  	_ =	swait.ge [sflag:s22], $0x4000  }
0x92: {  	[sflag:s22] =	ssyncset.done $0x0  }
.Ltmp2:
0x93: {  	s29 =	sadd.s32 $0x1480, s28;
	[sflag:s22] =	ssyncadd.s32 $0xFFFFC000;
	(pc) =	sbr.rel @p0 .LBB2_6-.Ltmp2, $4  }
0x94: {  	[spmem:s2] =	stream.indirect.scatter.add.f32 [tilespmem:s20], [sflag:$0x3], $0x80, s29, s19, $0xb8;
	[tilespmem:$0x1E800] =	vst v63  }
0x95: {  	_ =	swait.ge [sflag:s17], $0x4000  }
0x96: {  	[sflag:s17] =	ssyncset.done $0x0  }
0x97: {  	s28 =	sadd.s32 $0x180, s28;
	[sflag:s17] =	ssyncadd.s32 $0xFFFFC000  }
0x98: {  	[tilespmem:s20], [sflag:$0x2] =	stream.indirect.gather [hbm4b:s1+s19], $0x80, s28, s19, $0xb8;
	[tilespmem:$0x1E800] =	vst v63  }
0x99: {  	_ =	swait.ge [sflag:s21], $0x4000  }
0x9a: {  	[sflag:s21] =	ssyncset.done $0x0  }
0x9b: {  	[sflag:s21] =	ssyncadd.s32 $0xFFFFC000  }
0x9c: {  	[spmem:s2] =	stream.indirect.scatter.add.f32 [tilespmem:s16], [sflag:$0x3], $0x80, s23, s19, $0xb8;
	[tilespmem:$0x1E800] =	vst v63  }
0x9d: {  	_ =	swait.ge [sflag:s17], $0x4000  }
0x9e: {  	[sflag:s17] =	ssyncset.done $0x0  }
0x9f: {  	[sflag:s17] =	ssyncadd.s32 $0xFFFFC000  }
0xa0: {  	_ =	swait.ge [sflag:s22], $0x4000  }
0xa1: {  	[sflag:s22] =	ssyncset.done $0x0  }
0xa2: {  	[sflag:s22] =	ssyncadd.s32 $0xFFFFC000  }
0xa3: {  	[spmem:s2] =	stream.indirect.scatter.add.f32 [tilespmem:s20], [sflag:$0x3], $0x80, s24, s19, $0xb8;
	[tilespmem:$0x1E800] =	vst v63  }
0xa4: {  	_ =	swait.ge [sflag:s17], $0x4000  }
0xa5: {  	s26 =	sshll.u32 s3, $0x6;
	s25 =	sadd.s32 $0x1, s25;
	[sflag:s17] =	ssyncset.done $0x0  }
0xa6: {  	s31 =	sshrl.u32 s5, $0x3;
	p0 =	sne.s32 s25, s15;
	[sflag:s17] =	ssyncadd.s32 $0xFFFFC000  }
.Ltmp3:
0xa7: {  	s26 =	sor.u32 $0x1C03, s26;
	[bflag:$0x0] =	sbarrier.arrive $0xFFFF;
	(pc) =	sbr.rel @p0 .LBB2_1-.Ltmp3, $4  }
0xa8: {  	[hbm:s14], [sflag:s26] =	dma.local [spmem:s31], $0x2800  }
0xa9: {  	_ =	swait.ge [sflag:s17], $0x2800  }
0xaa: {  	[sflag:s17] =	ssyncset.done $0x0  }
0xab: {  	[sflag:s17] =	ssyncadd.s32 $0xFFFFD800  }
0xac: {  	_ =	sfence.sel $0x180000  }
0xad: {  	[bflag:$0x0] =	sbarrier.arrive $0xFFFF  }
0xae: {  	p0 =	sne.s32 s3, $0x0;
	_ =	strace $0x9000004A  }
0xaf: {  	s0 =	sadd.s32 @!p0 $0x100000, s0;
	[bflag:$0x2] =	sbarrier.arrive $0xFFFF  }
0xb0: {  	[sflag:s0] =	ssyncadd.tile.s32 @!p0 $0x1;
	_ =	shalt  }
.Lfunc_end2:
_tile_overlayer_lowered:
.L_overlay_start_2:
0xb1: {  	(tag) =	ssettag $0x2  }
0xb2: {  	s0 =	rddreg [dreg:$0x0];
	s2 =	stileid.u32  }
0xb3: {  	s1 =	rddreg [dreg:$0x1];
	p0 =	sne.s32 s2, $0x0  }
0xb4: {  	s3 =	rddreg [dreg:$0x2];
	[bflag:$0x3] =	sbarrier.arrive $0xFFFF;
	s2 =	simm.s32 @!p0 $0x1C03  }
0xb5: {  	[timem:s3], [sflag:s2] =	dma.local @!p0 [hbm:s0], s1  }
0xb6: {  	s0 =	simm.s32 @!p0 $0x3  }
0xb7: {  	_ =	swait.ge @!p0 [sflag:s0], s1  }
0xb8: {  	s1 =	ssub.s32 @!p0 $0x0, s1;
	[sflag:s0] =	ssyncset.done @!p0 $0x0  }
0xb9: {  	[sflag:s0] =	ssyncadd.s32 @!p0 s1  }
0xba: {  	[bflag:$0x3] =	sbarrier.arrive $0xFFFF  }
0xbb: {  	_ =	shalt  }

// kernel: kernel.14.cloned.1.call-start
scs
__scs_entry_jumppad:
0x0: {  	(pc) =	sbr.rel $0x88, $3  }
0x1: {  	(tag) =	ssettag $0x0;
	lr =	simm.s32 $0x1  }
0x2: {  	[smem:$0x3F9B] =	sst lr;
	_ =	strace $0xD0000000  }
0x3: {  	_ = 	snop  }
0x4: {  	_ = 	snop  }
0x5: {  	_ = 	snop  }
0x6: {  	_ = 	snop  }
0x7: {  	_ = 	snop  }
__scs_overlays_trampoline_lowered:
0x8: {  	[smem:$0x3FAA] =	sst s0  }
0x9: {  	[smem:$0x3FAB] =	sst s1  }
0xa: {  	[smem:$0x3FAC] =	sst s2  }
0xb: {  	[smem:$0x3FAD] =	sst s3  }
0xc: {  	[smem:$0x3FAE] =	sst s4  }
0xd: {  	[smem:$0x3FAF] =	sst s5  }
0xe: {  	[smem:$0x3FB0] =	sst s6  }
0xf: {  	[smem:$0x3FB1] =	sst s7  }
0x10: {  	[smem:$0x3FB2] =	sst s8  }
0x11: {  	[smem:$0x3FB3] =	sst s9;
	s0 =	simm.s32 @!p0 $0x0  }
0x12: {  	s1 =	sld [smem:$0x3F99];
	s0 =	simm.s32 @p0 $0x1  }
0x13: {  	[smem:$0x3FB4] =	sst s0;
	s0 =	simm.s32 @!p1 $0x0  }
0x14: {  	s2 =	sld [smem:$0x3F98];
	s0 =	simm.s32 @p1 $0x1  }
0x15: {  	[smem:$0x3FB5] =	sst s0;
	s0 =	simm.s32 @!p2 $0x0  }
0x16: {  	s3 =	sld [smem:$0x3FDB];
	s0 =	simm.s32 @p2 $0x1  }
0x17: {  	s4 =	simm.s32 $0x1BF5;
	[smem:$0x3FB7] =	sst s0  }
0x18: {  	s0 =	sld [smem:$0x3F9A];
	_ =	swait.ge [sflag:s4], $0x0  }
0x19: {  	s7 =	sld [smem:$0x3F9B]  }
0x1a: {  	s8 =	sadd.s32 $0xFFFFE003, lr  }
0x1b: {  	s9 =	sadd.s32 $0xFFFFFEF7, lr;
	s5 =	simm.s32 $0xFFFFFFFF;
	p2 =	slt.u32 s8, $0xFFFFF086  }
0x1c: {  	p1 =	slt.u32 s9, $0xF7A;
	s5 =	simm.s32 @!p2 $0x0  }
0x1d: {  	s5 =	simm.s32 @p1 $0x1;
	p0 =	seq.s32 s7, s2  }
0x1e: {  	s7 =	smul.u32 @!p0 $0xF7A, s2;
	p2 =	seq.s32 @!p0 s5, $0x0  }
0x1f: {  	s9 =	smul.u32 $0xF7A, s1;
	s8 =	simm.s32 @!p0 $0x1BF5;
	p2 =	por !p2, p0  }
0x20: {  	[sflag:s8] =	ssyncset.s32 @!p0 $0xFFFFF086;
	s6 =	sadd.s32 @!p0 s3, s7;
	s7 =	simm.s32 @!p0 $0x108  }
0x21: {  	s3 =	sadd.s32 s3, s9;
	s6 =	sadd.s32 @!p0 $0x88, s6;
	s7 =	simm.s32 @p2 $0x1082  }
0x22: {  	[simem:s7], [sflag:s8] =	dma.local @!p0 [hbm:s6], $0xF7A  }
0x23: {  	s9 =	sor.u32 $0xD0000000, s2;
	s6 =	simm.s32 $0x108;
	_ =	swait.ge @!p0 [sflag:s8], $0x0  }
0x24: {  	s3 =	sadd.s32 $0x88, s3;
	s6 =	simm.s32 @!p1 $0x1082;
	[sflag:s4] =	ssyncset.s32 $0xFFFFF086  }
0x25: {  	[simem:s6], [sflag:s4] =	dma.local [hbm:s3], $0xF7A  }
0x26: {  	[smem:$0x3F9B] =	sst s1;
	(tag) =	ssettag s2;
	_ =	strace s9  }
0x27: {  	s1 =	sld [smem:$0x3FAB]  }
0x28: {  	s2 =	sld [smem:$0x3FAC]  }
0x29: {  	s4 =	sld [smem:$0x3FAE]  }
0x2a: {  	p0 =	seq.s32 s5, $0x0;
	s5 =	sld [smem:$0x3FAF]  }
0x2b: {  	s6 =	sld [smem:$0x3FB0]  }
0x2c: {  	s7 =	sld [smem:$0x3FB1]  }
0x2d: {  	s3 =	simm.s32 $0x108;
	s8 =	sld [smem:$0x3FB2]  }
0x2e: {  	s3 =	simm.s32 @!p0 $0x1082;
	s9 =	sld [smem:$0x3FB3]  }
0x2f: {  	lr =	sadd.s32 s0, s3;
	s0 =	sld [smem:$0x3FAA]  }
0x30: {  	s3 =	sld [smem:$0x3FAD]  }
0x31: {  	[smem:$0x3FB6] =	sst s10  }
0x32: {  	s10 =	sld [smem:$0x3FB4];
	_ =	sdelay $0x3  }
0x33: {  	p0 =	seq.s32 s10, $0x1;
	s10 =	sld [smem:$0x3FB6];
	_ =	sdelay $0x3  }
0x34: {  	[smem:$0x3FB6] =	sst s10  }
0x35: {  	s10 =	sld [smem:$0x3FB5];
	_ =	sdelay $0x3  }
0x36: {  	p1 =	seq.s32 s10, $0x1;
	s10 =	sld [smem:$0x3FB6];
	_ =	sdelay $0x3  }
0x37: {  	[smem:$0x3FB6] =	sst s10  }
0x38: {  	s10 =	sld [smem:$0x3FB7]  }
0x39: {  	_ = 	snop;
	(pc) =	sbr.ind lr, $3  }
0x3a: {  	_ = 	snop  }
0x3b: {  	_ = 	snop  }
0x3c: {  	p2 =	seq.s32 s10, $0x1;
	s10 =	sld [smem:$0x3FB6]  }
0x3d: {  	_ =	shalt  }
0x3e: {  	_ =	shalt  }
0x3f: {  	_ =	shalt  }
0x40: {  	_ =	shalt  }
0x41: {  	_ =	shalt  }
0x42: {  	_ =	shalt  }
0x43: {  	_ =	shalt  }
0x44: {  	_ =	shalt  }
0x45: {  	_ =	shalt  }
0x46: {  	_ =	shalt  }
0x47: {  	_ =	shalt  }
0x48: {  	_ =	shalt  }
0x49: {  	_ =	shalt  }
0x4a: {  	_ =	shalt  }
0x4b: {  	_ =	shalt  }
0x4c: {  	_ =	shalt  }
0x4d: {  	_ =	shalt  }
0x4e: {  	_ =	shalt  }
0x4f: {  	_ =	shalt  }
0x50: {  	_ =	shalt  }
0x51: {  	_ =	shalt  }
0x52: {  	_ =	shalt  }
0x53: {  	_ =	shalt  }
0x54: {  	_ =	shalt  }
0x55: {  	_ =	shalt  }
0x56: {  	_ =	shalt  }
0x57: {  	_ =	shalt  }
0x58: {  	_ =	shalt  }
0x59: {  	_ =	shalt  }
0x5a: {  	_ =	shalt  }
0x5b: {  	_ =	shalt  }
0x5c: {  	_ =	shalt  }
0x5d: {  	_ =	shalt  }
0x5e: {  	_ =	shalt  }
0x5f: {  	_ =	shalt  }
0x60: {  	_ =	shalt  }
0x61: {  	_ =	shalt  }
0x62: {  	_ =	shalt  }
0x63: {  	_ =	shalt  }
0x64: {  	_ =	shalt  }
0x65: {  	_ =	shalt  }
0x66: {  	_ =	shalt  }
0x67: {  	_ =	shalt  }
0x68: {  	_ =	shalt  }
0x69: {  	_ =	shalt  }
0x6a: {  	_ =	shalt  }
0x6b: {  	_ =	shalt  }
0x6c: {  	_ =	shalt  }
0x6d: {  	_ =	shalt  }
0x6e: {  	_ =	shalt  }
0x6f: {  	_ =	shalt  }
0x70: {  	_ =	shalt  }
0x71: {  	_ =	shalt  }
0x72: {  	_ =	shalt  }
0x73: {  	_ =	shalt  }
0x74: {  	_ =	shalt  }
0x75: {  	_ =	shalt  }
0x76: {  	_ =	shalt  }
0x77: {  	_ =	shalt  }
0x78: {  	_ =	shalt  }
0x79: {  	_ =	shalt  }
0x7a: {  	_ =	shalt  }
0x7b: {  	_ =	shalt  }
0x7c: {  	_ =	shalt  }
0x7d: {  	_ =	shalt  }
0x7e: {  	_ =	shalt  }
0x7f: {  	_ =	shalt  }
0x80: {  	_ =	shalt  }
0x81: {  	_ =	shalt  }
0x82: {  	_ =	shalt  }
0x83: {  	_ =	shalt  }
0x84: {  	_ =	shalt  }
0x85: {  	_ =	shalt  }
0x86: {  	_ =	shalt  }
0x87: {  	_ =	shalt  }
.Lfunc_end0:
.L_simem_size_0:
called_computation.2_lowered:
.L_overlay_start_0:
0x88: {  	s2 =	sld [smem:$0x3FD9]  }
0x89: {  	s3 =	sld [smem:$0x3FFE];
	_ =	sdelay $0x1  }
0x8a: {  	s1 =	srdreg.scid  }
0x8b: {  	s0 =	sand.u32 $0x1, s1  }
0x8c: {  	s17 =	sshll.u32 s0, $0xA;
	s2 =	sadd.s32 s3, s2  }
0x8d: {  	s2 =	sadd.s32 s2, s17  }
0x8e: {  	[smem:$0x3FC2] =	sst s2  }
0x8f: {  	_ = 	snop  }
0x90: {  	s2 =	sld [smem:$0x3FD0];
	(tm) =	ssettm $0x1  }
0x91: {  	s18 =	sld [smem:$0x3FFB];
	_ =	sdelay $0x3  }
0x92: {  	_ =	strace s18  }
0x93: {  	s3 =	sld [smem:$0x3FFC];
	_ =	sdelay $0x3  }
0x94: {  	_ =	strace s3  }
0x95: {  	s3 =	sld [smem:$0x3FFD];
	_ =	sdelay $0x3  }
0x96: {  	_ =	strace s3  }
0x97: {  	_ =	strace $0x8FFFFFFF  }
0x98: {  	s19 =	sld [smem:$0x3FDB];
	_ =	sdelay $0x1  }
0x99: {  	s4 =	simm.s32 $_scs_section_size  }
0x9a: {  	s5 =	simm.s32 $_size__tile_overlayer_lowered;
	s6 =	simm.s32 $_tile_overlayer_lowered  }
0x9b: {  	s22 =	simm.s32 $0x1BFF;
	s21 =	sshll.u32 s6, $0x1;
	s3 =	sadd.s32 s4, s19  }
0x9c: {  	s7 =	simm.s32 $0x0;
	s20 =	sshll.u32 s5, $0x1;
	s5 =	sadd.s32 s21, s3  }
0x9d: {  	[timem:s7], [sflag:s22] =	dma.local [hbm:s5], s20  }
0x9e: {  	_ =	swait.ge [sflag:s22], s20  }
0x9f: {  	s4 =	ssub.s32 $0x0, s20;
	[sflag:s22] =	ssyncset.done $0x0  }
0xa0: {  	[sflag:s22] =	ssyncadd.s32 s4;
	_ =	sdelay $0x1  }
0xa1: {  	s23 =	simm.s32 $0x1B8B  }
0xa2: {  	_ =	swait.ge [sflag:s23], $0x1  }
0xa3: {  	[sflag:s23] =	ssyncset.done $0x0  }
0xa4: {  	s25 =	simm.s32 $0x1B8E;
	s24 =	sld [smem:$0x3FFE];
	[sflag:s23] =	ssyncadd.s32 $0xFFFFFFFF  }
0xa5: {  	s26 =	simm.s32 $execute0_lowered;
	[smem:$0x3FD2] =	sst s25  }
0xa6: {  	s5 =	sshll.u32 s26, $0x1;
	_ =	strace $0x8000004C;
	[dreg:$0x1] =	wrdreg $0xFFFFFFFF  }
0xa7: {  	s28 =	simm.s32 $_size_execute0_lowered;
	s3 =	sadd.s32 s3, s5;
	[dreg:$0x0] =	wrdreg $0x0  }
0xa8: {  	s5 =	sshll.u32 s28, $0x1;
	[dreg:$0x2] =	wrdreg s3  }
0xa9: {  	[dreg:$0x3] =	wrdreg s5  }
0xaa: {  	[dreg:$0x4] =	wrdreg $0xC0  }
0xab: {  	_ =	task [dreg:s7], $0x5FFFF  }
0xac: {  	[dreg:$0x1] =	wrdreg $0xFFFFFFFF  }
0xad: {  	[dreg:$0x0] =	wrdreg $0x60  }
0xae: {  	[dreg:$0x2] =	wrdreg s2  }
0xaf: {  	[dreg:$0x3] =	wrdreg s24  }
0xb0: {  	[dreg:$0x4] =	wrdreg $0xA8000  }
0xb1: {  	[dreg:$0x5] =	wrdreg $0x9  }
0xb2: {  	_ =	task.clear_ibuf [dreg:s7], $0x6FFFF;
	_ =	strace $0x9000004C  }
0xb3: {  	s29 =	simm.s32 $0x9;
	_ =	strace $0x8000004E  }
0xb4: {  	_ =	swait.ge [sflag:s29], $0x1  }
0xb5: {  	[sflag:s29] =	ssyncadd.s32 $0xFFFFFFFF  }
0xb6: {  	_ =	strace $0x9000004E  }
0xb7: {  	_ =	sfence  }
0xb8: {  	s30 =	sld [smem:$0x0];
	_ =	sdelay $0x2  }
0xb9: {  	s31 =	sshll.u32 s1, $0xD;
	s1 =	sshrl.u32 s1, $0x2  }
0xba: {  	s3 =	sand.u32 $0x4000, s31;
	s1 =	sadd.s32 s1, s30  }
0xbb: {  	s0 =	sor.u32 s3, s0;
	s1 =	sshll.u32 s1, $0x11  }
0xbc: {  	s0 =	sor.u32 s1, s0  }
0xbd: {  	s0 =	sadd.s32 $0x8F2B, s0  }
0xbe: {  	[sflag:s0] =	ssyncadd.remote.s32 $0x1  }
0xbf: {  	_ =	sfence.sel $0xFFFF  }
0xc0: {  	[dreg:$0x0] =	wrdreg $0xFFFFFFFF;
	(pc) =	sbr.abs _section_cstart, $3  }
0xc1: {  	[dreg:$0x1] =	wrdreg $0xFFFFFFFF  }
0xc2: {  	_ =	task.clear_ibuf [dreg:s7], $0x2FFFF;
	_ =	strace $0x9FFFFFFF  }
0xc3: {  	(tm) =	ssettm $0x7FFFFFFF  }
tec
execute0_lowered:
.L_overlay_start_1:
0x0: {  	(tag) =	ssettag $0x1  }
0x1: {  	s1 =	rddreg [dreg:$0x0]  }
0x2: {  	s6 =	rddreg [dreg:$0x1]  }
0x3: {  	s2 =	rddreg [dreg:$0x2]  }
0x4: {  	s3 =	srdreg.scid;
	s0 =	rddreg [dreg:$0x3];
	s4 =	simm.s32 $0x0  }
0x5: {  	s17 =	simm.s32 $0x3;
	s18 =	simm.s32 $0x1400;
	s19 =	simm.s32 $0x80  }
0x6: {  	s20 =	simm.s32 $0x6800;
	s21 =	simm.s32 $0x1;
	s22 =	simm.s32 $0x2  }
0x7: {  	s23 =	simm.s32 $0x2700;
	s24 =	simm.s32 $0x2780;
	s5 =	sand.u32 $0x1, s3  }
0x8: {  	s25 =	simm.s32 $0x0;
	s3 =	stileid.u32;
	s7 =	smul.u32 $0x140000, s5  }
0x9: {  	[smem:$0x7FF] =	sst s4;
	s12 =	sadd.s32 $0xC600, s6;
	s8 =	smul.u32 $0x14000, s3  }
0xa: {  	s13 =	sadd.s32 $0x2600, s6;
	s29 =	smul.u32 $0x50000, s3;
	s9 =	sshll.u32 s3, $0x1  }
0xb: {  	_ =	strace $0x8000004D;
	s10 =	ssub.s32 $0x2, s5;
	s9 =	sor.u32 s5, s9  }
0xc: {  	s31 =	sshrl.u32 s10, $0x1;
	s7 =	sadd.s32 s8, s7;
	s30 =	sshrl.u32 s29, $0x2  }
0xd: {  	s9 =	smul.u32 $0x2800, s9;
	s15 =	ssub.s32 s10, s31;
	s7 =	sshrl.u32 s7, $0x3  }
0xe: {  	s5 =	sadd.s32 s30, s2;
	s15 =	smax.u32 s15, $0x1;
	s14 =	sadd.s32 s7, s6  }
0xf: {  	s6 =	sadd.s32 $0x4000, s5;
	s7 =	sadd.s32 $0x8000, s5;
	s11 =	sshrl.u32 s9, $0x3  }
0x10: {  	s8 =	sadd.s32 $0xC000, s5;
	s9 =	sadd.s32 $0x10000, s5;
	s10 =	sadd.s32 s12, s11  }
0x11: {  	s16 =	sadd.s32 $0x280, s11;
	s11 =	sadd.s32 s13, s11;
	s14 =	sadd.s32 $0x16600, s14  }
0x12: {  	v0 =	vimm.f32 $0.0e+00;
	s12 =	sadd.s32 s12, s16;
	s13 =	sadd.s32 s13, s16;
	s16 =	simm.s32 $0x2800  }
.LBB2_1:
0x13: {  	s26 =	sand.u32 $0xFE00, s4  }
0x14: {  	s28 =	sand.u32 $0x70, s4;
	s29 =	sshrl.u32 s26, $0x2  }
0x15: {  	s26 =	simm.s32 $0x40;
	s29 =	sor.u32 s28, s29;
	s28 =	simm.s32 $0x0  }
.LBB2_2:
0x16: {  	p0 =	sne.s32 s26, $0xFFC0  }
0x17: {  	[tilespmem:s29+$0x2800] =	vst v0;
	s28 =	sadd.s32 $0x10, s28;
	s29 =	smov.u32 s26;
	s26 =	sadd.s32 $0x40, s26  }
.Ltmp0:
0x18: {  	(pc) =	sbr.rel @p0 .LBB2_2-.Ltmp0, $4  }
0x19: {  	_ = 	snop  }
0x1a: {  	s29 =	sand.u32 $0xFE00, s29  }
0x1b: {  	s30 =	sand.u32 $0x70, s28;
	s29 =	sshrl.u32 s29, $0x2  }
0x1c: {  	s29 =	sor.u32 s30, s29  }
0x1d: {  	[tilespmem:s29+$0x2800] =	vst v0  }
0x1e: {  	[spmem:s5] =	stream.linear.scatter [tilespmem:s16], [sflag:$0x3], $0x4000, $0x38;
	[tilespmem:$0x1E800] =	vst v63  }
0x1f: {  	_ =	swait.ge [sflag:s17], $0x4000  }
0x20: {  	[sflag:s17] =	ssyncset.done $0x0  }
0x21: {  	[sflag:s17] =	ssyncadd.s32 $0xFFFFC000  }
0x22: {  	[spmem:s6] =	stream.linear.scatter [tilespmem:s16], [sflag:$0x3], $0x4000, $0x38;
	[tilespmem:$0x1E800] =	vst v63  }
0x23: {  	_ =	swait.ge [sflag:s17], $0x4000  }
0x24: {  	[sflag:s17] =	ssyncset.done $0x0  }
0x25: {  	[sflag:s17] =	ssyncadd.s32 $0xFFFFC000  }
0x26: {  	[spmem:s7] =	stream.linear.scatter [tilespmem:s16], [sflag:$0x3], $0x4000, $0x38;
	[tilespmem:$0x1E800] =	vst v63  }
0x27: {  	_ =	swait.ge [sflag:s17], $0x4000  }
0x28: {  	[sflag:s17] =	ssyncset.done $0x0  }
0x29: {  	[sflag:s17] =	ssyncadd.s32 $0xFFFFC000  }
0x2a: {  	[spmem:s8] =	stream.linear.scatter [tilespmem:s16], [sflag:$0x3], $0x4000, $0x38;
	[tilespmem:$0x1E800] =	vst v63  }
0x2b: {  	_ =	swait.ge [sflag:s17], $0x4000  }
0x2c: {  	[sflag:s17] =	ssyncset.done $0x0  }
0x2d: {  	[sflag:s17] =	ssyncadd.s32 $0xFFFFC000  }
0x2e: {  	[spmem:s9] =	stream.linear.scatter [tilespmem:s16], [sflag:$0x3], $0x4000, $0x38;
	[tilespmem:$0x1E800] =	vst v63  }
0x2f: {  	_ =	swait.ge [sflag:s17], $0x4000  }
0x30: {  	[sflag:s17] =	ssyncset.done $0x0  }
0x31: {  	[sflag:s17] =	ssyncadd.s32 $0xFFFFC000  }
0x32: {  	s26 =	simm.s32 $0x0;
	[bflag:$0x0] =	sbarrier.arrive $0xFFFF  }
0x33: {  	[tilespmem:s26], [sflag:$0x3] =	stream.linear.gather [hbm4b:s10+s26], $0x1400, $0x38;
	[tilespmem:$0x1E800] =	vst v63  }
0x34: {  	_ =	swait.ge [sflag:s17], $0x1400  }
0x35: {  	[sflag:s17] =	ssyncset.done $0x0  }
0x36: {  	[sflag:s17] =	ssyncadd.s32 $0xFFFFEC00  }
0x37: {  	[tilespmem:s18], [sflag:$0x3] =	stream.linear.gather [hbm4b:s11+s26], $0x1400, $0x38;
	[tilespmem:$0x1E800] =	vst v63  }
0x38: {  	_ =	swait.ge [sflag:s17], $0x1400  }
0x39: {  	[sflag:s17] =	ssyncset.done $0x0  }
0x3a: {  	[sflag:s17] =	ssyncadd.s32 $0xFFFFEC00  }
0x3b: {  	[tilespmem:s16], [sflag:$0x1] =	stream.indirect.gather [hbm4b:s1+s19], $0x80, s26, s19, $0xb8;
	[tilespmem:$0x1E800] =	vst v63  }
0x3c: {  	_ = 	snop  }
0x3d: {  	[tilespmem:s20], [sflag:$0x2] =	stream.indirect.gather [hbm4b:s1+s19], $0x80, s19, s19, $0xb8;
	[tilespmem:$0x1E800] =	vst v63  }
0x3e: {  	_ =	swait.ge [sflag:s21], $0x4000  }
0x3f: {  	[sflag:s21] =	ssyncset.done $0x0  }
0x40: {  	s29 =	simm.s32 $0x1400;
	[sflag:s21] =	ssyncadd.s32 $0xFFFFC000  }
0x41: {  	[spmem:s2] =	stream.indirect.scatter.add.f32 [tilespmem:s16], [sflag:$0x3], $0x80, s29, s19, $0xb8;
	[tilespmem:$0x1E800] =	vst v63  }
0x42: {  	_ =	swait.ge [sflag:s17], $0x4000  }
0x43: {  	[sflag:s17] =	ssyncset.done $0x0  }
0x44: {  	s30 =	simm.s32 $0x100;
	[sflag:s17] =	ssyncadd.s32 $0xFFFFC000  }
0x45: {  	[tilespmem:s16], [sflag:$0x1] =	stream.indirect.gather [hbm4b:s1+s19], $0x80, s30, s19, $0xb8;
	[tilespmem:$0x1E800] =	vst v63  }
0x46: {  	_ =	swait.ge [sflag:s22], $0x4000  }
0x47: {  	[sflag:s22] =	ssyncset.done $0x0  }
0x48: {  	s31 =	simm.s32 $0x1480;
	[sflag:s22] =	ssyncadd.s32 $0xFFFFC000  }
0x49: {  	[spmem:s2] =	stream.indirect.scatter.add.f32 [tilespmem:s20], [sflag:$0x3], $0x80, s31, s19, $0xb8;
	[tilespmem:$0x1E800] =	vst v63  }
0x4a: {  	_ =	swait.ge [sflag:s17], $0x4000  }
0x4b: {  	[sflag:s17] =	ssyncset.done $0x0  }
0x4c: {  	s28 =	simm.s32 $0x180;
	s26 =	simm.s32 $0x400;
	[sflag:s17] =	ssyncadd.s32 $0xFFFFC000  }
.LBB2_4:
0x4d: {  	[tilespmem:s20], [sflag:$0x2] =	stream.indirect.gather [hbm4b:s1+s19], $0x80, s28, s19, $0xb8;
	[tilespmem:$0x1E800] =	vst v63  }
0x4e: {  	s28 =	smov.u32 s26  }
0x4f: {  	p0 =	sne.s32 s26, $0x4800;
	s26 =	sadd.s32 $0x400, s26;
	_ =	swait.ge [sflag:s21], $0x4000  }
0x50: {  	s28 =	sshra.s32 s28, $0x2;
	[sflag:s21] =	ssyncset.done $0x0  }
0x51: {  	s29 =	sadd.s32 $0x1400, s28;
	[sflag:s21] =	ssyncadd.s32 $0xFFFFC000  }
0x52: {  	[spmem:s2] =	stream.indirect.scatter.add.f32 [tilespmem:s16], [sflag:$0x3], $0x80, s29, s19, $0xb8;
	[tilespmem:$0x1E800] =	vst v63  }
0x53: {  	_ =	swait.ge [sflag:s17], $0x4000  }
0x54: {  	[sflag:s17] =	ssyncset.done $0x0  }
0x55: {  	s29 =	sadd.s32 $0x100, s28;
	[sflag:s17] =	ssyncadd.s32 $0xFFFFC000  }
0x56: {  	[tilespmem:s16], [sflag:$0x1] =	stream.indirect.gather [hbm4b:s1+s19], $0x80, s29, s19, $0xb8;
	[tilespmem:$0x1E800] =	vst v63  }
0x57: {  	_ =	swait.ge [sflag:s22], $0x4000  }
0x58: {  	[sflag:s22] =	ssyncset.done $0x0  }
.Ltmp1:
0x59: {  	s29 =	sadd.s32 $0x1480, s28;
	[sflag:s22] =	ssyncadd.s32 $0xFFFFC000;
	(pc) =	sbr.rel @p0 .LBB2_4-.Ltmp1, $4  }
0x5a: {  	[spmem:s2] =	stream.indirect.scatter.add.f32 [tilespmem:s20], [sflag:$0x3], $0x80, s29, s19, $0xb8;
	[tilespmem:$0x1E800] =	vst v63  }
0x5b: {  	_ =	swait.ge [sflag:s17], $0x4000  }
0x5c: {  	[sflag:s17] =	ssyncset.done $0x0  }
0x5d: {  	s28 =	sadd.s32 $0x180, s28;
	[sflag:s17] =	ssyncadd.s32 $0xFFFFC000  }
0x5e: {  	[tilespmem:s20], [sflag:$0x2] =	stream.indirect.gather [hbm4b:s1+s19], $0x80, s28, s19, $0xb8;
	[tilespmem:$0x1E800] =	vst v63  }
0x5f: {  	_ =	swait.ge [sflag:s21], $0x4000  }
0x60: {  	[sflag:s21] =	ssyncset.done $0x0  }
0x61: {  	[sflag:s21] =	ssyncadd.s32 $0xFFFFC000  }
0x62: {  	[spmem:s2] =	stream.indirect.scatter.add.f32 [tilespmem:s16], [sflag:$0x3], $0x80, s23, s19, $0xb8;
	[tilespmem:$0x1E800] =	vst v63  }
0x63: {  	_ =	swait.ge [sflag:s17], $0x4000  }
0x64: {  	[sflag:s17] =	ssyncset.done $0x0  }
0x65: {  	[sflag:s17] =	ssyncadd.s32 $0xFFFFC000  }
0x66: {  	_ =	swait.ge [sflag:s22], $0x4000  }
0x67: {  	[sflag:s22] =	ssyncset.done $0x0  }
0x68: {  	[sflag:s22] =	ssyncadd.s32 $0xFFFFC000  }
0x69: {  	[spmem:s2] =	stream.indirect.scatter.add.f32 [tilespmem:s20], [sflag:$0x3], $0x80, s24, s19, $0xb8;
	[tilespmem:$0x1E800] =	vst v63  }
0x6a: {  	_ =	swait.ge [sflag:s17], $0x4000  }
0x6b: {  	[sflag:s17] =	ssyncset.done $0x0  }
0x6c: {  	s26 =	simm.s32 $0x0;
	[sflag:s17] =	ssyncadd.s32 $0xFFFFC000  }
0x6d: {  	[tilespmem:s26], [sflag:$0x3] =	stream.linear.gather [hbm4b:s12+s26], $0x1400, $0x38;
	[tilespmem:$0x1E800] =	vst v63  }
0x6e: {  	_ =	swait.ge [sflag:s17], $0x1400  }
0x6f: {  	[sflag:s17] =	ssyncset.done $0x0  }
0x70: {  	[sflag:s17] =	ssyncadd.s32 $0xFFFFEC00  }
0x71: {  	[tilespmem:s18], [sflag:$0x3] =	stream.linear.gather [hbm4b:s13+s26], $0x1400, $0x38;
	[tilespmem:$0x1E800] =	vst v63  }
0x72: {  	_ =	swait.ge [sflag:s17], $0x1400  }
0x73: {  	[sflag:s17] =	ssyncset.done $0x0  }
0x74: {  	[sflag:s17] =	ssyncadd.s32 $0xFFFFEC00  }
0x75: {  	[tilespmem:s16], [sflag:$0x1] =	stream.indirect.gather [hbm4b:s1+s19], $0x80, s26, s19, $0xb8;
	[tilespmem:$0x1E800] =	vst v63  }
0x76: {  	_ = 	snop  }
0x77: {  	[tilespmem:s20], [sflag:$0x2] =	stream.indirect.gather [hbm4b:s1+s19], $0x80, s19, s19, $0xb8;
	[tilespmem:$0x1E800] =	vst v63  }
0x78: {  	_ =	swait.ge [sflag:s21], $0x4000  }
0x79: {  	[sflag:s21] =	ssyncset.done $0x0  }
0x7a: {  	s29 =	simm.s32 $0x1400;
	[sflag:s21] =	ssyncadd.s32 $0xFFFFC000  }
0x7b: {  	[spmem:s2] =	stream.indirect.scatter.add.f32 [tilespmem:s16], [sflag:$0x3], $0x80, s29, s19, $0xb8;
	[tilespmem:$0x1E800] =	vst v63  }
0x7c: {  	_ =	swait.ge [sflag:s17], $0x4000  }
0x7d: {  	[sflag:s17] =	ssyncset.done $0x0  }
0x7e: {  	s30 =	simm.s32 $0x100;
	[sflag:s17] =	ssyncadd.s32 $0xFFFFC000  }
0x7f: {  	[tilespmem:s16], [sflag:$0x1] =	stream.indirect.gather [hbm4b:s1+s19], $0x80, s30, s19, $0xb8;
	[tilespmem:$0x1E800] =	vst v63  }
0x80: {  	_ =	swait.ge [sflag:s22], $0x4000  }
0x81: {  	[sflag:s22] =	ssyncset.done $0x0  }
0x82: {  	s31 =	simm.s32 $0x1480;
	[sflag:s22] =	ssyncadd.s32 $0xFFFFC000  }
0x83: {  	[spmem:s2] =	stream.indirect.scatter.add.f32 [tilespmem:s20], [sflag:$0x3], $0x80, s31, s19, $0xb8;
	[tilespmem:$0x1E800] =	vst v63  }
0x84: {  	_ =	swait.ge [sflag:s17], $0x4000  }
0x85: {  	[sflag:s17] =	ssyncset.done $0x0  }
0x86: {  	s28 =	simm.s32 $0x180;
	s26 =	simm.s32 $0x400;
	[sflag:s17] =	ssyncadd.s32 $0xFFFFC000  }
.LBB2_6:
0x87: {  	[tilespmem:s20], [sflag:$0x2] =	stream.indirect.gather [hbm4b:s1+s19], $0x80, s28, s19, $0xb8;
	[tilespmem:$0x1E800] =	vst v63  }
0x88: {  	s28 =	smov.u32 s26  }
0x89: {  	p0 =	sne.s32 s26, $0x4800;
	s26 =	sadd.s32 $0x400, s26;
	_ =	swait.ge [sflag:s21], $0x4000  }
0x8a: {  	s28 =	sshra.s32 s28, $0x2;
	[sflag:s21] =	ssyncset.done $0x0  }
0x8b: {  	s29 =	sadd.s32 $0x1400, s28;
	[sflag:s21] =	ssyncadd.s32 $0xFFFFC000  }
0x8c: {  	[spmem:s2] =	stream.indirect.scatter.add.f32 [tilespmem:s16], [sflag:$0x3], $0x80, s29, s19, $0xb8;
	[tilespmem:$0x1E800] =	vst v63  }
0x8d: {  	_ =	swait.ge [sflag:s17], $0x4000  }
0x8e: {  	[sflag:s17] =	ssyncset.done $0x0  }
0x8f: {  	s29 =	sadd.s32 $0x100, s28;
	[sflag:s17] =	ssyncadd.s32 $0xFFFFC000  }
0x90: {  	[tilespmem:s16], [sflag:$0x1] =	stream.indirect.gather [hbm4b:s1+s19], $0x80, s29, s19, $0xb8;
	[tilespmem:$0x1E800] =	vst v63  }
0x91: {  	_ =	swait.ge [sflag:s22], $0x4000  }
0x92: {  	[sflag:s22] =	ssyncset.done $0x0  }
.Ltmp2:
0x93: {  	s29 =	sadd.s32 $0x1480, s28;
	[sflag:s22] =	ssyncadd.s32 $0xFFFFC000;
	(pc) =	sbr.rel @p0 .LBB2_6-.Ltmp2, $4  }
0x94: {  	[spmem:s2] =	stream.indirect.scatter.add.f32 [tilespmem:s20], [sflag:$0x3], $0x80, s29, s19, $0xb8;
	[tilespmem:$0x1E800] =	vst v63  }
0x95: {  	_ =	swait.ge [sflag:s17], $0x4000  }
0x96: {  	[sflag:s17] =	ssyncset.done $0x0  }
0x97: {  	s28 =	sadd.s32 $0x180, s28;
	[sflag:s17] =	ssyncadd.s32 $0xFFFFC000  }
0x98: {  	[tilespmem:s20], [sflag:$0x2] =	stream.indirect.gather [hbm4b:s1+s19], $0x80, s28, s19, $0xb8;
	[tilespmem:$0x1E800] =	vst v63  }
0x99: {  	_ =	swait.ge [sflag:s21], $0x4000  }
0x9a: {  	[sflag:s21] =	ssyncset.done $0x0  }
0x9b: {  	[sflag:s21] =	ssyncadd.s32 $0xFFFFC000  }
0x9c: {  	[spmem:s2] =	stream.indirect.scatter.add.f32 [tilespmem:s16], [sflag:$0x3], $0x80, s23, s19, $0xb8;
	[tilespmem:$0x1E800] =	vst v63  }
0x9d: {  	_ =	swait.ge [sflag:s17], $0x4000  }
0x9e: {  	[sflag:s17] =	ssyncset.done $0x0  }
0x9f: {  	[sflag:s17] =	ssyncadd.s32 $0xFFFFC000  }
0xa0: {  	_ =	swait.ge [sflag:s22], $0x4000  }
0xa1: {  	[sflag:s22] =	ssyncset.done $0x0  }
0xa2: {  	[sflag:s22] =	ssyncadd.s32 $0xFFFFC000  }
0xa3: {  	[spmem:s2] =	stream.indirect.scatter.add.f32 [tilespmem:s20], [sflag:$0x3], $0x80, s24, s19, $0xb8;
	[tilespmem:$0x1E800] =	vst v63  }
0xa4: {  	_ =	swait.ge [sflag:s17], $0x4000  }
0xa5: {  	s26 =	sshll.u32 s3, $0x6;
	s25 =	sadd.s32 $0x1, s25;
	[sflag:s17] =	ssyncset.done $0x0  }
0xa6: {  	s31 =	sshrl.u32 s5, $0x3;
	p0 =	sne.s32 s25, s15;
	[sflag:s17] =	ssyncadd.s32 $0xFFFFC000  }
.Ltmp3:
0xa7: {  	s26 =	sor.u32 $0x1C03, s26;
	[bflag:$0x0] =	sbarrier.arrive $0xFFFF;
	(pc) =	sbr.rel @p0 .LBB2_1-.Ltmp3, $4  }
0xa8: {  	[hbm:s14], [sflag:s26] =	dma.local [spmem:s31], $0x2800  }
0xa9: {  	_ =	swait.ge [sflag:s17], $0x2800  }
0xaa: {  	[sflag:s17] =	ssyncset.done $0x0  }
0xab: {  	[sflag:s17] =	ssyncadd.s32 $0xFFFFD800  }
0xac: {  	_ =	sfence.sel $0x180000  }
0xad: {  	[bflag:$0x0] =	sbarrier.arrive $0xFFFF  }
0xae: {  	p0 =	sne.s32 s3, $0x0;
	_ =	strace $0x9000004D  }
0xaf: {  	s0 =	sadd.s32 @!p0 $0x100000, s0;
	[bflag:$0x2] =	sbarrier.arrive $0xFFFF  }
0xb0: {  	[sflag:s0] =	ssyncadd.tile.s32 @!p0 $0x1;
	_ =	shalt  }
.Lfunc_end2:
_tile_overlayer_lowered:
.L_overlay_start_2:
0xb1: {  	(tag) =	ssettag $0x2  }
0xb2: {  	s0 =	rddreg [dreg:$0x0];
	s2 =	stileid.u32  }
0xb3: {  	s1 =	rddreg [dreg:$0x1];
	p0 =	sne.s32 s2, $0x0  }
0xb4: {  	s3 =	rddreg [dreg:$0x2];
	[bflag:$0x3] =	sbarrier.arrive $0xFFFF;
	s2 =	simm.s32 @!p0 $0x1C03  }
0xb5: {  	[timem:s3], [sflag:s2] =	dma.local @!p0 [hbm:s0], s1  }
0xb6: {  	s0 =	simm.s32 @!p0 $0x3  }
0xb7: {  	_ =	swait.ge @!p0 [sflag:s0], s1  }
0xb8: {  	s1 =	ssub.s32 @!p0 $0x0, s1;
	[sflag:s0] =	ssyncset.done @!p0 $0x0  }
0xb9: {  	[sflag:s0] =	ssyncadd.s32 @!p0 s1  }
0xba: {  	[bflag:$0x3] =	sbarrier.arrive $0xFFFF  }
0xbb: {  	_ =	shalt  }

// kernel: kernel.8.cloned.1.call-start
scs
__scs_entry_jumppad:
0x0: {  	(pc) =	sbr.rel $0x88, $3  }
0x1: {  	(tag) =	ssettag $0x0;
	lr =	simm.s32 $0x1  }
0x2: {  	[smem:$0x3F9B] =	sst lr;
	_ =	strace $0xD0000000  }
0x3: {  	_ = 	snop  }
0x4: {  	_ = 	snop  }
0x5: {  	_ = 	snop  }
0x6: {  	_ = 	snop  }
0x7: {  	_ = 	snop  }
__scs_overlays_trampoline_lowered:
0x8: {  	[smem:$0x3FAA] =	sst s0  }
0x9: {  	[smem:$0x3FAB] =	sst s1  }
0xa: {  	[smem:$0x3FAC] =	sst s2  }
0xb: {  	[smem:$0x3FAD] =	sst s3  }
0xc: {  	[smem:$0x3FAE] =	sst s4  }
0xd: {  	[smem:$0x3FAF] =	sst s5  }
0xe: {  	[smem:$0x3FB0] =	sst s6  }
0xf: {  	[smem:$0x3FB1] =	sst s7  }
0x10: {  	[smem:$0x3FB2] =	sst s8  }
0x11: {  	[smem:$0x3FB3] =	sst s9;
	s0 =	simm.s32 @!p0 $0x0  }
0x12: {  	s1 =	sld [smem:$0x3F99];
	s0 =	simm.s32 @p0 $0x1  }
0x13: {  	[smem:$0x3FB4] =	sst s0;
	s0 =	simm.s32 @!p1 $0x0  }
0x14: {  	s2 =	sld [smem:$0x3F98];
	s0 =	simm.s32 @p1 $0x1  }
0x15: {  	[smem:$0x3FB5] =	sst s0;
	s0 =	simm.s32 @!p2 $0x0  }
0x16: {  	s3 =	sld [smem:$0x3FDB];
	s0 =	simm.s32 @p2 $0x1  }
0x17: {  	s4 =	simm.s32 $0x1BF5;
	[smem:$0x3FB7] =	sst s0  }
0x18: {  	s0 =	sld [smem:$0x3F9A];
	_ =	swait.ge [sflag:s4], $0x0  }
0x19: {  	s7 =	sld [smem:$0x3F9B]  }
0x1a: {  	s8 =	sadd.s32 $0xFFFFE003, lr  }
0x1b: {  	s9 =	sadd.s32 $0xFFFFFEF7, lr;
	s5 =	simm.s32 $0xFFFFFFFF;
	p2 =	slt.u32 s8, $0xFFFFF086  }
0x1c: {  	p1 =	slt.u32 s9, $0xF7A;
	s5 =	simm.s32 @!p2 $0x0  }
0x1d: {  	s5 =	simm.s32 @p1 $0x1;
	p0 =	seq.s32 s7, s2  }
0x1e: {  	s7 =	smul.u32 @!p0 $0xF7A, s2;
	p2 =	seq.s32 @!p0 s5, $0x0  }
0x1f: {  	s9 =	smul.u32 $0xF7A, s1;
	s8 =	simm.s32 @!p0 $0x1BF5;
	p2 =	por !p2, p0  }
0x20: {  	[sflag:s8] =	ssyncset.s32 @!p0 $0xFFFFF086;
	s6 =	sadd.s32 @!p0 s3, s7;
	s7 =	simm.s32 @!p0 $0x108  }
0x21: {  	s3 =	sadd.s32 s3, s9;
	s6 =	sadd.s32 @!p0 $0x88, s6;
	s7 =	simm.s32 @p2 $0x1082  }
0x22: {  	[simem:s7], [sflag:s8] =	dma.local @!p0 [hbm:s6], $0xF7A  }
0x23: {  	s9 =	sor.u32 $0xD0000000, s2;
	s6 =	simm.s32 $0x108;
	_ =	swait.ge @!p0 [sflag:s8], $0x0  }
0x24: {  	s3 =	sadd.s32 $0x88, s3;
	s6 =	simm.s32 @!p1 $0x1082;
	[sflag:s4] =	ssyncset.s32 $0xFFFFF086  }
0x25: {  	[simem:s6], [sflag:s4] =	dma.local [hbm:s3], $0xF7A  }
0x26: {  	[smem:$0x3F9B] =	sst s1;
	(tag) =	ssettag s2;
	_ =	strace s9  }
0x27: {  	s1 =	sld [smem:$0x3FAB]  }
0x28: {  	s2 =	sld [smem:$0x3FAC]  }
0x29: {  	s4 =	sld [smem:$0x3FAE]  }
0x2a: {  	p0 =	seq.s32 s5, $0x0;
	s5 =	sld [smem:$0x3FAF]  }
0x2b: {  	s6 =	sld [smem:$0x3FB0]  }
0x2c: {  	s7 =	sld [smem:$0x3FB1]  }
0x2d: {  	s3 =	simm.s32 $0x108;
	s8 =	sld [smem:$0x3FB2]  }
0x2e: {  	s3 =	simm.s32 @!p0 $0x1082;
	s9 =	sld [smem:$0x3FB3]  }
0x2f: {  	lr =	sadd.s32 s0, s3;
	s0 =	sld [smem:$0x3FAA]  }
0x30: {  	s3 =	sld [smem:$0x3FAD]  }
0x31: {  	[smem:$0x3FB6] =	sst s10  }
0x32: {  	s10 =	sld [smem:$0x3FB4];
	_ =	sdelay $0x3  }
0x33: {  	p0 =	seq.s32 s10, $0x1;
	s10 =	sld [smem:$0x3FB6];
	_ =	sdelay $0x3  }
0x34: {  	[smem:$0x3FB6] =	sst s10  }
0x35: {  	s10 =	sld [smem:$0x3FB5];
	_ =	sdelay $0x3  }
0x36: {  	p1 =	seq.s32 s10, $0x1;
	s10 =	sld [smem:$0x3FB6];
	_ =	sdelay $0x3  }
0x37: {  	[smem:$0x3FB6] =	sst s10  }
0x38: {  	s10 =	sld [smem:$0x3FB7]  }
0x39: {  	_ = 	snop;
	(pc) =	sbr.ind lr, $3  }
0x3a: {  	_ = 	snop  }
0x3b: {  	_ = 	snop  }
0x3c: {  	p2 =	seq.s32 s10, $0x1;
	s10 =	sld [smem:$0x3FB6]  }
0x3d: {  	_ =	shalt  }
0x3e: {  	_ =	shalt  }
0x3f: {  	_ =	shalt  }
0x40: {  	_ =	shalt  }
0x41: {  	_ =	shalt  }
0x42: {  	_ =	shalt  }
0x43: {  	_ =	shalt  }
0x44: {  	_ =	shalt  }
0x45: {  	_ =	shalt  }
0x46: {  	_ =	shalt  }
0x47: {  	_ =	shalt  }
0x48: {  	_ =	shalt  }
0x49: {  	_ =	shalt  }
0x4a: {  	_ =	shalt  }
0x4b: {  	_ =	shalt  }
0x4c: {  	_ =	shalt  }
0x4d: {  	_ =	shalt  }
0x4e: {  	_ =	shalt  }
0x4f: {  	_ =	shalt  }
0x50: {  	_ =	shalt  }
0x51: {  	_ =	shalt  }
0x52: {  	_ =	shalt  }
0x53: {  	_ =	shalt  }
0x54: {  	_ =	shalt  }
0x55: {  	_ =	shalt  }
0x56: {  	_ =	shalt  }
0x57: {  	_ =	shalt  }
0x58: {  	_ =	shalt  }
0x59: {  	_ =	shalt  }
0x5a: {  	_ =	shalt  }
0x5b: {  	_ =	shalt  }
0x5c: {  	_ =	shalt  }
0x5d: {  	_ =	shalt  }
0x5e: {  	_ =	shalt  }
0x5f: {  	_ =	shalt  }
0x60: {  	_ =	shalt  }
0x61: {  	_ =	shalt  }
0x62: {  	_ =	shalt  }
0x63: {  	_ =	shalt  }
0x64: {  	_ =	shalt  }
0x65: {  	_ =	shalt  }
0x66: {  	_ =	shalt  }
0x67: {  	_ =	shalt  }
0x68: {  	_ =	shalt  }
0x69: {  	_ =	shalt  }
0x6a: {  	_ =	shalt  }
0x6b: {  	_ =	shalt  }
0x6c: {  	_ =	shalt  }
0x6d: {  	_ =	shalt  }
0x6e: {  	_ =	shalt  }
0x6f: {  	_ =	shalt  }
0x70: {  	_ =	shalt  }
0x71: {  	_ =	shalt  }
0x72: {  	_ =	shalt  }
0x73: {  	_ =	shalt  }
0x74: {  	_ =	shalt  }
0x75: {  	_ =	shalt  }
0x76: {  	_ =	shalt  }
0x77: {  	_ =	shalt  }
0x78: {  	_ =	shalt  }
0x79: {  	_ =	shalt  }
0x7a: {  	_ =	shalt  }
0x7b: {  	_ =	shalt  }
0x7c: {  	_ =	shalt  }
0x7d: {  	_ =	shalt  }
0x7e: {  	_ =	shalt  }
0x7f: {  	_ =	shalt  }
0x80: {  	_ =	shalt  }
0x81: {  	_ =	shalt  }
0x82: {  	_ =	shalt  }
0x83: {  	_ =	shalt  }
0x84: {  	_ =	shalt  }
0x85: {  	_ =	shalt  }
0x86: {  	_ =	shalt  }
0x87: {  	_ =	shalt  }
.Lfunc_end0:
.L_simem_size_0:
called_computation_lowered:
.L_overlay_start_0:
0x88: {  	s2 =	sld [smem:$0x3FD9]  }
0x89: {  	s3 =	sld [smem:$0x3FFE];
	_ =	sdelay $0x1  }
0x8a: {  	s1 =	srdreg.scid  }
0x8b: {  	s0 =	sand.u32 $0x1, s1  }
0x8c: {  	s17 =	sshll.u32 s0, $0xA;
	s2 =	sadd.s32 s3, s2  }
0x8d: {  	s2 =	sadd.s32 s2, s17  }
0x8e: {  	[smem:$0x3FC2] =	sst s2  }
0x8f: {  	_ = 	snop  }
0x90: {  	s2 =	sld [smem:$0x3FD0];
	(tm) =	ssettm $0x1  }
0x91: {  	s18 =	sld [smem:$0x3FFB];
	_ =	sdelay $0x3  }
0x92: {  	_ =	strace s18  }
0x93: {  	s3 =	sld [smem:$0x3FFC];
	_ =	sdelay $0x3  }
0x94: {  	_ =	strace s3  }
0x95: {  	s3 =	sld [smem:$0x3FFD];
	_ =	sdelay $0x3  }
0x96: {  	_ =	strace s3  }
0x97: {  	_ =	strace $0x8FFFFFFF  }
0x98: {  	s19 =	sld [smem:$0x3FDB];
	_ =	sdelay $0x1  }
0x99: {  	s4 =	simm.s32 $_scs_section_size  }
0x9a: {  	s5 =	simm.s32 $_size__tile_overlayer_lowered;
	s6 =	simm.s32 $_tile_overlayer_lowered  }
0x9b: {  	s22 =	simm.s32 $0x1BFF;
	s21 =	sshll.u32 s6, $0x1;
	s3 =	sadd.s32 s4, s19  }
0x9c: {  	s7 =	simm.s32 $0x0;
	s20 =	sshll.u32 s5, $0x1;
	s5 =	sadd.s32 s21, s3  }
0x9d: {  	[timem:s7], [sflag:s22] =	dma.local [hbm:s5], s20  }
0x9e: {  	_ =	swait.ge [sflag:s22], s20  }
0x9f: {  	s4 =	ssub.s32 $0x0, s20;
	[sflag:s22] =	ssyncset.done $0x0  }
0xa0: {  	[sflag:s22] =	ssyncadd.s32 s4;
	_ =	sdelay $0x1  }
0xa1: {  	s23 =	simm.s32 $0x1B8B  }
0xa2: {  	_ =	swait.ge [sflag:s23], $0x1  }
0xa3: {  	[sflag:s23] =	ssyncset.done $0x0  }
0xa4: {  	s25 =	simm.s32 $0x1B8E;
	s24 =	sld [smem:$0x3FFE];
	[sflag:s23] =	ssyncadd.s32 $0xFFFFFFFF  }
0xa5: {  	s26 =	simm.s32 $execute0_lowered;
	[smem:$0x3FD2] =	sst s25  }
0xa6: {  	s5 =	sshll.u32 s26, $0x1;
	_ =	strace $0x80000046;
	[dreg:$0x1] =	wrdreg $0xFFFFFFFF  }
0xa7: {  	s28 =	simm.s32 $_size_execute0_lowered;
	s3 =	sadd.s32 s3, s5;
	[dreg:$0x0] =	wrdreg $0x0  }
0xa8: {  	s5 =	sshll.u32 s28, $0x1;
	[dreg:$0x2] =	wrdreg s3  }
0xa9: {  	[dreg:$0x3] =	wrdreg s5  }
0xaa: {  	[dreg:$0x4] =	wrdreg $0xC0  }
0xab: {  	_ =	task [dreg:s7], $0x5FFFF  }
0xac: {  	[dreg:$0x1] =	wrdreg $0xFFFFFFFF  }
0xad: {  	[dreg:$0x0] =	wrdreg $0x60  }
0xae: {  	[dreg:$0x2] =	wrdreg s24  }
0xaf: {  	[dreg:$0x3] =	wrdreg s2  }
0xb0: {  	[dreg:$0x4] =	wrdreg $0x15000  }
0xb1: {  	[dreg:$0x5] =	wrdreg $0x9  }
0xb2: {  	_ =	task.clear_ibuf [dreg:s7], $0x6FFFF;
	_ =	strace $0x90000046  }
0xb3: {  	s29 =	simm.s32 $0x9;
	_ =	strace $0x80000048  }
0xb4: {  	_ =	swait.ge [sflag:s29], $0x1  }
0xb5: {  	[sflag:s29] =	ssyncadd.s32 $0xFFFFFFFF  }
0xb6: {  	_ =	strace $0x90000048  }
0xb7: {  	_ =	sfence  }
0xb8: {  	s30 =	sld [smem:$0x0];
	_ =	sdelay $0x2  }
0xb9: {  	s31 =	sshll.u32 s1, $0xD;
	s1 =	sshrl.u32 s1, $0x2  }
0xba: {  	s3 =	sand.u32 $0x4000, s31;
	s1 =	sadd.s32 s1, s30  }
0xbb: {  	s0 =	sor.u32 s3, s0;
	s1 =	sshll.u32 s1, $0x11  }
0xbc: {  	s0 =	sor.u32 s1, s0  }
0xbd: {  	s0 =	sadd.s32 $0x8F2B, s0  }
0xbe: {  	[sflag:s0] =	ssyncadd.remote.s32 $0x1  }
0xbf: {  	_ =	sfence.sel $0xFFFF  }
0xc0: {  	[dreg:$0x0] =	wrdreg $0xFFFFFFFF;
	(pc) =	sbr.abs _section_cstart, $3  }
0xc1: {  	[dreg:$0x1] =	wrdreg $0xFFFFFFFF  }
0xc2: {  	_ =	task.clear_ibuf [dreg:s7], $0x2FFFF;
	_ =	strace $0x9FFFFFFF  }
0xc3: {  	(tm) =	ssettm $0x7FFFFFFF  }
tec
execute0_lowered:
.L_overlay_start_1:
0x0: {  	(tag) =	ssettag $0x1  }
0x1: {  	s4 =	rddreg [dreg:$0x0];
	s1 =	srdreg.scid  }
0x2: {  	s0 =	stileid.u32;
	s11 =	rddreg [dreg:$0x1]  }
0x3: {  	s2 =	rddreg [dreg:$0x2];
	s3 =	simm.s32 $0x0;
	s14 =	simm.s32 $0x1  }
0x4: {  	s15 =	simm.s32 $0x80;
	s16 =	simm.s32 $0x1400;
	s19 =	simm.s32 $0x20  }
0x5: {  	s20 =	simm.s32 $0x10;
	s21 =	simm.s32 $0x0;
	s7 =	sand.u32 $0x1, s1  }
0x6: {  	s29 =	sshll.u32 s0, $0x1;
	s1 =	rddreg [dreg:$0x3];
	s6 =	smul.u32 $0xA00, s0  }
0x7: {  	[smem:$0x7FF] =	sst s3;
	s9 =	smul.u32 $0x500, s0;
	s17 =	sshll.u32 s0, $0x6  }
0x8: {  	s5 =	sor.u32 s7, s29;
	_ =	strace $0x80000047;
	s8 =	ssub.s32 $0x2, s7  }
0x9: {  	s13 =	sshll.u32 s7, $0x7;
	s17 =	sor.u32 $0x1C01, s17;
	s5 =	smul.u32 $0x2800, s5  }
0xa: {  	s30 =	sshrl.u32 s8, $0x1;
	s31 =	sshrl.u32 s6, $0x2;
	s13 =	sor.u32 s13, s9  }
0xb: {  	s12 =	ssub.s32 s8, s30;
	s13 =	sshrl.u32 s13, $0x3;
	s5 =	sshrl.u32 s5, $0x3  }
0xc: {  	s11 =	sadd.s32 s11, s13;
	s10 =	sadd.s32 s5, s4;
	s4 =	sadd.s32 s31, s2  }
0xd: {  	s12 =	smax.u32 s12, $0x1;
	s13 =	simm.s32 $0x1480;
	s5 =	sadd.s32 $0x80, s4  }
0xe: {  	s6 =	sadd.s32 $0x100, s4;
	s7 =	sadd.s32 $0x180, s4;
	s8 =	sadd.s32 $0x200, s4  }
0xf: {  	v0 =	vimm.f32 $0.0e+00;
	v1 =	vimm.f32 $1.000000000e+00;
	s9 =	sadd.s32 $0x2600, s10;
	s10 =	sadd.s32 $0x2880, s10;
	s18 =	sshrl.u32 s4, $0x3  }
.LBB2_1:
0x10: {  	[tilespmem:$0x1480] =	vst v0  }
0x11: {  	[tilespmem:$0x1490] =	vst v0  }
0x12: {  	[tilespmem:$0x14A0] =	vst v0  }
0x13: {  	[tilespmem:$0x14B0] =	vst v0  }
0x14: {  	[tilespmem:$0x14C0] =	vst v0  }
0x15: {  	[tilespmem:$0x14D0] =	vst v0  }
0x16: {  	[tilespmem:$0x14E0] =	vst v0  }
0x17: {  	[tilespmem:$0x14F0] =	vst v0  }
0x18: {  	[tilespmem:$0x1400] =	vst v1  }
0x19: {  	[tilespmem:$0x1410] =	vst v1  }
0x1a: {  	[tilespmem:$0x1420] =	vst v1  }
0x1b: {  	[tilespmem:$0x1430] =	vst v1  }
0x1c: {  	[tilespmem:$0x1440] =	vst v1  }
0x1d: {  	[tilespmem:$0x1450] =	vst v1  }
0x1e: {  	[tilespmem:$0x1460] =	vst v1  }
0x1f: {  	[tilespmem:$0x1470] =	vst v1  }
0x20: {  	[spmem:s4] =	stream.linear.scatter [tilespmem:s13], [sflag:$0x1], $0x80, $0x38;
	[tilespmem:$0x1780] =	vst v63  }
0x21: {  	_ =	swait.ge [sflag:s14], $0x80  }
0x22: {  	[sflag:s14] =	ssyncset.done $0x0  }
0x23: {  	[sflag:s14] =	ssyncadd.s32 $0xFFFFFF80  }
0x24: {  	[spmem:s5] =	stream.linear.scatter [tilespmem:s13], [sflag:$0x1], $0x80, $0x38;
	[tilespmem:$0x1780] =	vst v63  }
0x25: {  	_ =	swait.ge [sflag:s14], $0x80  }
0x26: {  	[sflag:s14] =	ssyncset.done $0x0  }
0x27: {  	[sflag:s14] =	ssyncadd.s32 $0xFFFFFF80  }
0x28: {  	[spmem:s6] =	stream.linear.scatter [tilespmem:s13], [sflag:$0x1], $0x80, $0x38;
	[tilespmem:$0x1780] =	vst v63  }
0x29: {  	_ =	swait.ge [sflag:s14], $0x80  }
0x2a: {  	[sflag:s14] =	ssyncset.done $0x0  }
0x2b: {  	[sflag:s14] =	ssyncadd.s32 $0xFFFFFF80  }
0x2c: {  	[spmem:s7] =	stream.linear.scatter [tilespmem:s13], [sflag:$0x1], $0x80, $0x38;
	[tilespmem:$0x1780] =	vst v63  }
0x2d: {  	_ =	swait.ge [sflag:s14], $0x80  }
0x2e: {  	[sflag:s14] =	ssyncset.done $0x0  }
0x2f: {  	[sflag:s14] =	ssyncadd.s32 $0xFFFFFF80  }
0x30: {  	[spmem:s8] =	stream.linear.scatter [tilespmem:s13], [sflag:$0x1], $0x80, $0x38;
	[tilespmem:$0x1780] =	vst v63  }
0x31: {  	_ =	swait.ge [sflag:s14], $0x80  }
0x32: {  	[sflag:s14] =	ssyncset.done $0x0  }
0x33: {  	[sflag:s14] =	ssyncadd.s32 $0xFFFFFF80  }
0x34: {  	[bflag:$0x0] =	sbarrier.arrive $0xFFFF  }
0x35: {  	[tilespmem:s3], [sflag:$0x1] =	stream.linear.gather [hbm4b:s9+s3], $0x1400, $0x38;
	[tilespmem:$0x1780] =	vst v63  }
0x36: {  	_ =	swait.ge [sflag:s14], $0x1400  }
0x37: {  	[sflag:s14] =	ssyncset.done $0x0  }
0x38: {  	s22 =	simm.s32 $0x0;
	[sflag:s14] =	ssyncadd.s32 $0xFFFFEC00  }
0x39: {  	[spmem:s2] =	stream.indirect.scatter.add.f32 [tilespmem:s16], [sflag:$0x1], $0x1, s22, s15, $0xb8;
	[tilespmem:$0x1780] =	vst v63  }
0x3a: {  	_ =	swait.ge [sflag:s14], $0x80  }
0x3b: {  	s22 =	simm.s32 $0x200;
	[sflag:s14] =	ssyncset.done $0x0  }
.LBB2_2:
0x3c: {  	s23 =	sshra.s32 s22, $0x2;
	[sflag:s14] =	ssyncadd.s32 $0xFFFFFF80;
	p0 =	sne.s32 s22, $0x4E00  }
0x3d: {  	[spmem:s2] =	stream.indirect.scatter.add.f32 [tilespmem:s16], [sflag:$0x1], $0x1, s23, s15, $0xb8;
	[tilespmem:$0x1780] =	vst v63  }
.Ltmp0:
0x3e: {  	_ = 	snop;
	(pc) =	sbr.rel @p0 .LBB2_2-.Ltmp0, $4  }
0x3f: {  	_ = 	snop  }
0x40: {  	s22 =	sadd.s32 $0x200, s22  }
0x41: {  	_ =	swait.ge [sflag:s14], $0x80  }
0x42: {  	[sflag:s14] =	ssyncset.done $0x0  }
0x43: {  	[sflag:s14] =	ssyncadd.s32 $0xFFFFFF80;
	s22 =	simm.s32 $0x0  }
0x44: {  	[tilespmem:s22], [sflag:$0x1] =	stream.linear.gather [hbm4b:s10+s22], $0x1400, $0x38;
	[tilespmem:$0x1780] =	vst v63  }
0x45: {  	_ =	swait.ge [sflag:s14], $0x1400  }
0x46: {  	[sflag:s14] =	ssyncset.done $0x0  }
0x47: {  	s31 =	simm.s32 $0x0;
	[sflag:s14] =	ssyncadd.s32 $0xFFFFEC00  }
0x48: {  	[spmem:s2] =	stream.indirect.scatter.add.f32 [tilespmem:s16], [sflag:$0x1], $0x1, s31, s15, $0xb8;
	[tilespmem:$0x1780] =	vst v63  }
0x49: {  	_ =	swait.ge [sflag:s14], $0x80  }
0x4a: {  	s22 =	simm.s32 $0x200;
	[sflag:s14] =	ssyncset.done $0x0  }
.LBB2_4:
0x4b: {  	s23 =	sshra.s32 s22, $0x2;
	[sflag:s14] =	ssyncadd.s32 $0xFFFFFF80;
	p0 =	sne.s32 s22, $0x4E00  }
0x4c: {  	[spmem:s2] =	stream.indirect.scatter.add.f32 [tilespmem:s16], [sflag:$0x1], $0x1, s23, s15, $0xb8;
	[tilespmem:$0x1780] =	vst v63  }
.Ltmp1:
0x4d: {  	_ = 	snop;
	(pc) =	sbr.rel @p0 .LBB2_4-.Ltmp1, $4  }
0x4e: {  	_ = 	snop  }
0x4f: {  	s22 =	sadd.s32 $0x200, s22  }
0x50: {  	_ =	swait.ge [sflag:s14], $0x80  }
0x51: {  	[sflag:s14] =	ssyncset.done $0x0  }
0x52: {  	s21 =	sadd.s32 $0x1, s21  }
0x53: {  	[sflag:s14] =	ssyncadd.s32 $0xFFFFFF80;
	p0 =	sne.s32 s21, s12  }
.Ltmp2:
0x54: {  	[bflag:$0x0] =	sbarrier.arrive $0xFFFF;
	(pc) =	sbr.rel @p0 .LBB2_1-.Ltmp2, $4  }
0x55: {  	[hbm:s11@s19], [sflag:s17] =	dma.strided [spmem:s18@s20], $0x50, s14, $0x10   }
0x56: {  	_ =	swait.ge [sflag:s14], $0x50  }
0x57: {  	[sflag:s14] =	ssyncset.done $0x0  }
0x58: {  	[sflag:s14] =	ssyncadd.s32 $0xFFFFFFB0  }
0x59: {  	_ =	sfence.sel $0x180000  }
0x5a: {  	[bflag:$0x0] =	sbarrier.arrive $0xFFFF  }
0x5b: {  	p0 =	sne.s32 s0, $0x0;
	_ =	strace $0x90000047  }
0x5c: {  	s0 =	sadd.s32 @!p0 $0x100000, s1;
	[bflag:$0x2] =	sbarrier.arrive $0xFFFF  }
0x5d: {  	[sflag:s0] =	ssyncadd.tile.s32 @!p0 $0x1;
	_ =	shalt  }
.Lfunc_end2:
_tile_overlayer_lowered:
.L_overlay_start_2:
0x5e: {  	(tag) =	ssettag $0x2  }
0x5f: {  	s0 =	rddreg [dreg:$0x0];
	s2 =	stileid.u32  }
0x60: {  	s1 =	rddreg [dreg:$0x1];
	p0 =	sne.s32 s2, $0x0  }
0x61: {  	s3 =	rddreg [dreg:$0x2];
	[bflag:$0x3] =	sbarrier.arrive $0xFFFF;
	s2 =	simm.s32 @!p0 $0x1C01  }
0x62: {  	[timem:s3], [sflag:s2] =	dma.local @!p0 [hbm:s0], s1  }
0x63: {  	s0 =	simm.s32 @!p0 $0x1  }
0x64: {  	_ =	swait.ge @!p0 [sflag:s0], s1  }
0x65: {  	s1 =	ssub.s32 @!p0 $0x0, s1;
	[sflag:s0] =	ssyncset.done @!p0 $0x0  }
0x66: {  	[sflag:s0] =	ssyncadd.s32 @!p0 s1  }
0x67: {  	[bflag:$0x3] =	sbarrier.arrive $0xFFFF  }
0x68: {  	_ =	shalt  }

</sc_bundles>
